<compile_context>
chip_gen: v7x
topology: tpu7x:2x2x1
jax: 0.10.2.dev20260603
libtpu: 0.0.44.dev20260713+nightly
codegen_flags: <defaults>
</compile_context>

<pallas_src>
import functools
import math

import jax
import jax.numpy as jnp
from jax import lax
from jax.experimental import pallas as pl
from jax.experimental.pallas import tpu as pltpu
from jax.experimental.pallas import tpu_sc as plsc

R_CUT = 5.0
N_MAX = 4
GAMMA = (N_MAX / R_CUT) ** 2
R_N = tuple(i * R_CUT / (N_MAX - 1) for i in range(N_MAX))
C0 = 0.28209479177387814
C1 = 0.4886025119029199
C2A = 1.0925484305920792
C2C = 0.31539156525252005
C2E = 0.5462742152960396
HALF_PI = math.pi / 2.0
U_SCALE = math.pi / (2.0 * R_CUT)
R_STEP = R_CUT / (N_MAX - 1)
K_N = tuple(math.exp(-GAMMA * rn * rn) for rn in R_N)
COS_COEFFS = (-1.0 / 87178291200.0, 1.0 / 479001600.0, -1.0 / 3628800.0,
              1.0 / 40320.0, -1.0 / 720.0, 1.0 / 24.0, -0.5, 1.0)

CHUNK = 256
LANES = 16
N_OUT = 36


def _expand_16(cbuf, nbuf, v):
    sl = pl.ds(v * LANES, LANES)
    x = nbuf[0][sl] - cbuf[0][sl]
    y = nbuf[1][sl] - cbuf[1][sl]
    z = nbuf[2][sl] - cbuf[2][sl]
    r2 = x * x + y * y + z * z + jnp.float32(1e-12)
    seed = (jnp.int32(0x5F3759DF)
            - (lax.bitcast_convert_type(r2, jnp.int32) >> 1))
    rinv = lax.bitcast_convert_type(seed, jnp.float32)
    for _ in range(2):
        rinv = rinv * (jnp.float32(1.5) - jnp.float32(0.5) * r2 * rinv * rinv)
    r = r2 * rinv
    rinv2 = rinv * rinv
    h = jnp.minimum(jnp.float32(U_SCALE) * r, jnp.float32(HALF_PI))
    h2 = h * h
    cc = jnp.full((LANES,), COS_COEFFS[0], jnp.float32)
    for co in COS_COEFFS[1:]:
        cc = cc * h2 + jnp.float32(co)
    fcut = jnp.where(r < jnp.float32(R_CUT), cc * cc, jnp.float32(0.0))
    rc = jnp.minimum(r, jnp.float32(R_CUT))
    a = jnp.exp(-jnp.float32(GAMMA) * rc * rc) * fcut
    e1 = jnp.exp(jnp.float32(2.0 * GAMMA * R_STEP) * rc)
    e2 = e1 * e1
    rad = [a,
           (a * jnp.float32(K_N[1])) * e1,
           (a * jnp.float32(K_N[2])) * e2,
           (a * jnp.float32(K_N[3])) * (e2 * e1)]
    sh = [jnp.full((LANES,), C0, jnp.float32),
          jnp.float32(C1) * y * rinv,
          jnp.float32(C1) * z * rinv,
          jnp.float32(C1) * x * rinv,
          jnp.float32(C2A) * x * y * rinv2,
          jnp.float32(C2A) * y * z * rinv2,
          jnp.float32(C2C) * (jnp.float32(2.0) * z * z - x * x - y * y) * rinv2,
          jnp.float32(C2A) * x * z * rinv2,
          jnp.float32(C2E) * (x * x - y * y) * rinv2]
    return sh, rad


def _compute_chunk(cbuf, nbuf, out_stage):
    @plsc.parallel_loop(0, CHUNK // LANES, unroll=4)
    def _blk(v):
        sh, rad = _expand_16(cbuf, nbuf, v)
        ridx = lax.iota(jnp.int32, LANES) + v * jnp.int32(LANES)
        j = 0
        for s in sh:
            for rd in rad:
                cidx = jnp.full((LANES,), j, jnp.int32)
                plsc.store_scatter(out_stage, [ridx, cidx], s * rd)
                j += 1


def _sc_body(pos_x, pos_y, pos_z, cen_hbm, nbr_hbm, out_hbm,
             ic0, ic1, in0, in1,
             c0x, c0y, c0z, n0x, n0y, n0z,
             c1x, c1y, c1z, n1x, n1y, n1z,
             os0, os1, shx, shy, shz,
             si0, si1, sg0, sg1, so0, so1, st0,
             *, n_rows, n_workers):
    nc = plsc.get_sparse_core_info().num_cores
    w = lax.axis_index("s") * nc + lax.axis_index("c")
    nk = (jnp.int32(n_rows - 1) - w) // jnp.int32(n_workers) + 1

    idx_c = (ic0, ic1)
    idx_n = (in0, in1)
    cbuf = ((c0x, c0y, c0z), (c1x, c1y, c1z))
    nbuf = ((n0x, n0y, n0z), (n1x, n1y, n1z))
    ostg = (os0, os1)
    sem_i = (si0, si1)
    sem_g = (sg0, sg1)
    sem_o = (so0, so1)
    tabs = (shx, shy, shz)

    @pl.when(lax.axis_index("s") == 0)
    def _():
        pltpu.async_copy(pos_x, shx, st0)
        pltpu.async_copy(pos_y, shy, st0)
        pltpu.async_copy(pos_z, shz, st0)
        pltpu.make_async_copy(pos_x, shx, st0).wait()
        pltpu.make_async_copy(pos_y, shy, st0).wait()
        pltpu.make_async_copy(pos_z, shz, st0).wait()

    plsc.subcore_barrier()

    def row_of(k):
        return w + k * jnp.int32(n_workers)

    def issue_idx(k, s):
        pltpu.async_copy(cen_hbm.at[row_of(k)], idx_c[s], sem_i[s])
        pltpu.async_copy(nbr_hbm.at[row_of(k)], idx_n[s], sem_i[s])

    def wait_idx(s):
        pltpu.make_async_copy(cen_hbm.at[0], idx_c[s], sem_i[s]).wait()
        pltpu.make_async_copy(nbr_hbm.at[0], idx_n[s], sem_i[s]).wait()

    def issue_gathers(s):
        for tab, dst in zip(tabs, cbuf[s]):
            pltpu.async_copy(tab.at[idx_c[s]], dst, sem_g[s])
        for tab, dst in zip(tabs, nbuf[s]):
            pltpu.async_copy(tab.at[idx_n[s]], dst, sem_g[s])

    def wait_gathers(s):
        for tab, dst in zip(tabs, cbuf[s]):
            pltpu.make_async_copy(tab.at[idx_c[s]], dst, sem_g[s]).wait()
        for tab, dst in zip(tabs, nbuf[s]):
            pltpu.make_async_copy(tab.at[idx_n[s]], dst, sem_g[s]).wait()

    def issue_out(k, s):
        pltpu.async_copy(
            ostg[s], out_hbm.at[pl.ds(row_of(k) * CHUNK, CHUNK)], sem_o[s])

    def wait_out(s):
        pltpu.make_async_copy(
            ostg[s], out_hbm.at[pl.ds(0, CHUNK)], sem_o[s]).wait()

    issue_idx(0, 0)

    @pl.when(nk > 1)
    def _():
        issue_idx(1, 1)

    wait_idx(0)
    issue_gathers(0)

    @pl.loop(0, nk, step=2)
    def _pair(k0):
        for s in (0, 1):
            k = k0 + jnp.int32(s)

            @pl.when(k < nk)
            def _():
                wait_gathers(s)

                @pl.when(k + 2 < nk)
                def _():
                    issue_idx(k + 2, s)

                @pl.when(k + 1 < nk)
                def _():
                    wait_idx(1 - s)
                    issue_gathers(1 - s)

                @pl.when(k >= 2)
                def _():
                    wait_out(s)

                _compute_chunk(cbuf[s], nbuf[s], ostg[s])
                issue_out(k, s)

    @pl.when(nk >= 2)
    def _():
        wait_out(0)
        wait_out(1)

    @pl.when(nk == 1)
    def _():
        wait_out(0)


def kernel(positions, edge_index):
    n_edges = edge_index.shape[1]
    assert n_edges % CHUNK == 0
    n_rows = n_edges // CHUNK

    pos_x = positions[:, 0]
    pos_y = positions[:, 1]
    pos_z = positions[:, 2]
    cen = edge_index[0].reshape(n_rows, CHUNK)
    nbr = edge_index[1].reshape(n_rows, CHUNK)

    info = plsc.get_sparse_core_info()
    n_workers = info.num_cores * info.num_subcores
    mesh = plsc.VectorSubcoreMesh(core_axis_name="c", subcore_axis_name="s")
    body = functools.partial(_sc_body, n_rows=n_rows, n_workers=n_workers)
    idx_t = pltpu.VMEM((CHUNK,), jnp.int32)
    buf_t = pltpu.VMEM((CHUNK,), jnp.float32)
    out_t = pltpu.VMEM((CHUNK, N_OUT), jnp.float32)
    out = pl.kernel(
        body,
        out_type=jax.ShapeDtypeStruct((n_edges, N_OUT), jnp.float32),
        mesh=mesh,
        scratch_types=(
            [idx_t] * 4 + [buf_t] * 12 + [out_t] * 2
            + [pltpu.VMEM_SHARED((positions.shape[0],), jnp.float32)] * 3
            + [pltpu.SemaphoreType.DMA] * 7
        ),
        compiler_params=pltpu.CompilerParams(needs_layout_passes=False),
    )(pos_x, pos_y, pos_z, cen, nbr)
    return out

# --- scband reference (transcript-rebuilt; emitter-appended) ---
"""Pipeline reference for scband-vector-expansion-36524401886021 (READ-ONLY COPY).

The authoritative reference and input builder live on the scoring server;
editing this copy changes nothing except your own understanding.
"""

import jax, jax.numpy as jnp
import numpy as np

R_CUT = 5.0
N_MAX = 4
L_MAX = 2
N_NODES = 50000
N_EDGES = 800000


def setup_inputs(seed: int = 0) -> dict:
    key = jax.random.key(seed)
    k1, k2 = jax.random.split(key)
    positions = jax.random.normal(k1, (N_NODES, 3), dtype=jnp.float32) * 10.0
    edge_index = jax.random.randint(k2, (2, N_EDGES), 0, N_NODES, dtype=jnp.int32)
    return {"positions": positions, "edge_index": edge_index}


def _radial_basis(r):
    # Gaussian radial basis with smooth cosine cutoff (shared across l, as in
    # many spherical-expansion implementations).
    r_n = jnp.linspace(0.0, R_CUT, N_MAX, dtype=jnp.float32)
    gamma = (N_MAX / R_CUT) ** 2
    fcut = jnp.where(r < R_CUT, 0.5 * (jnp.cos(jnp.pi * r / R_CUT) + 1.0), 0.0)
    return jnp.exp(-gamma * (r[:, None] - r_n[None, :]) ** 2) * fcut[:, None]  # [E, n_max]


def _spherical_harmonics(x, y, z, rinv):
    # Real spherical harmonics up to l_max=2 (Cartesian form).
    sh0 = jnp.full_like(x, 0.28209479177387814)[:, None]  # [E, 1]
    c1 = 0.4886025119029199
    sh1 = jnp.stack([c1 * y * rinv, c1 * z * rinv, c1 * x * rinv], axis=1)  # [E, 3]
    rinv2 = rinv * rinv
    sh2 = jnp.stack(
        [
            1.0925484305920792 * x * y * rinv2,
            1.0925484305920792 * y * z * rinv2,
            0.31539156525252005 * (2.0 * z * z - x * x - y * y) * rinv2,
            1.0925484305920792 * x * z * rinv2,
            0.5462742152960396 * (x * x - y * y) * rinv2,
        ],
        axis=1,
    )  # [E, 5]
    return [sh0, sh1, sh2]


def reference(positions, edge_index):
    centers = edge_index[0]
    neighbors = edge_index[1]
    # get_cartesian_vectors: gather per-edge displacement vectors
    # (single structure, no PBC -> unit-cell shift contribution is zero)
    vectors = jnp.take(positions, neighbors, axis=0) - jnp.take(positions, centers, axis=0)
    x, y, z = vectors[:, 0], vectors[:, 1], vectors[:, 2]
    r2 = x * x + y * y + z * z
    r = jnp.sqrt(r2 + 1e-12)
    rinv = 1.0 / r
    radial = _radial_basis(r)  # [E, n_max], same for each l
    sh = _spherical_harmonics(x, y, z, rinv)  # list of [E, 2l+1]
    # vector_expansion_l = radial_l[:, None, :] * sh_l[:, :, None] -> [E, 2l+1, n_max]
    blocks = []
    for sh_l in sh:
        b = radial[:, None, :] * sh_l[:, :, None]
        blocks.append(b.reshape(b.shape[0], -1))
    # TensorMap over l is flattened into one dense array [E, sum_l (2l+1)*n_max]
    return jnp.concatenate(blocks, axis=1)

if __name__ == "__main__":
    import jax
    _d = setup_inputs()
    print(jax.jit(kernel)(*tuple(_d.values())))

</pallas_src>

<mosaic_0001>
#map = affine_map<(d0, d1) -> (0)>
#map1 = affine_map<(d0, d1) -> (0, 0)>
module attributes {stable_mosaic.version = 14 : i64} {
  func.func @_sc_body(%arg0: i32, %arg1: i32, %arg2: memref<50000xf32, #tpu.memory_space<hbm>>, %arg3: memref<50000xf32, #tpu.memory_space<hbm>>, %arg4: memref<50000xf32, #tpu.memory_space<hbm>>, %arg5: memref<3125x256xi32, #tpu.memory_space<hbm>>, %arg6: memref<3125x256xi32, #tpu.memory_space<hbm>>, %arg7: memref<800000x36xf32, #tpu.memory_space<hbm>>, %arg8: memref<256xi32, #tpu.memory_space<vmem>>, %arg9: memref<256xi32, #tpu.memory_space<vmem>>, %arg10: memref<256xi32, #tpu.memory_space<vmem>>, %arg11: memref<256xi32, #tpu.memory_space<vmem>>, %arg12: memref<256xf32, #tpu.memory_space<vmem>>, %arg13: memref<256xf32, #tpu.memory_space<vmem>>, %arg14: memref<256xf32, #tpu.memory_space<vmem>>, %arg15: memref<256xf32, #tpu.memory_space<vmem>>, %arg16: memref<256xf32, #tpu.memory_space<vmem>>, %arg17: memref<256xf32, #tpu.memory_space<vmem>>, %arg18: memref<256xf32, #tpu.memory_space<vmem>>, %arg19: memref<256xf32, #tpu.memory_space<vmem>>, %arg20: memref<256xf32, #tpu.memory_space<vmem>>, %arg21: memref<256xf32, #tpu.memory_space<vmem>>, %arg22: memref<256xf32, #tpu.memory_space<vmem>>, %arg23: memref<256xf32, #tpu.memory_space<vmem>>, %arg24: memref<256x36xf32, #tpu.memory_space<vmem>>, %arg25: memref<256x36xf32, #tpu.memory_space<vmem>>, %arg26: memref<50000xf32, #tpu.memory_space<vmem_shared>>, %arg27: memref<50000xf32, #tpu.memory_space<vmem_shared>>, %arg28: memref<50000xf32, #tpu.memory_space<vmem_shared>>, %arg29: memref<!tpu.dma_semaphore, #tpu.memory_space<semaphore_mem>>, %arg30: memref<!tpu.dma_semaphore, #tpu.memory_space<semaphore_mem>>, %arg31: memref<!tpu.dma_semaphore, #tpu.memory_space<semaphore_mem>>, %arg32: memref<!tpu.dma_semaphore, #tpu.memory_space<semaphore_mem>>, %arg33: memref<!tpu.dma_semaphore, #tpu.memory_space<semaphore_mem>>, %arg34: memref<!tpu.dma_semaphore, #tpu.memory_space<semaphore_mem>>, %arg35: memref<!tpu.dma_semaphore, #tpu.memory_space<semaphore_mem>>) attributes {dimension_semantics = [#tpu.dimension_semantics<core_parallel>, #tpu.dimension_semantics<subcore_parallel>], iteration_bounds = array<i64: 2, 16>, scalar_prefetch = 0 : i64, scratch_operands = 28 : i64, tpu.core_type = #tpu.core_type<sc_vector_subcore>, window_params = [{transform_indices = #map}, {transform_indices = #map}, {transform_indices = #map}, {transform_indices = #map1}, {transform_indices = #map1}, {transform_indices = #map1}]} {
    %mul3A = arith.constant 2 : i32
    %mul3A_0 = arith.muli %arg1, %mul3A : i32
    %add3A = arith.addi %mul3A_0, %arg0 : i32
    %sub3A = arith.constant 3124 : i32
    %sub3A_1 = arith.subi %sub3A, %add3A : i32
    %jit3A = arith.constant 32 : i32
    %div3A = arith.divsi %sub3A_1, %jit3A : i32
    %sign3A = arith.constant 0 : i32
    %sign3A_2 = arith.cmpi sgt, %sub3A_1, %sign3A : i32
    %sign3A_3 = arith.extui %sign3A_2 : i1 to i32
    %sign3A_4 = arith.constant 0 : i32
    %sign3A_5 = arith.cmpi slt, %sub3A_1, %sign3A_4 : i32
    %sign3A_6 = arith.extui %sign3A_5 : i1 to i32
    %sign3A_7 = arith.subi %sign3A_3, %sign3A_6 : i32
    %sign3A_8 = arith.constant 0 : i32
    %sign3A_9 = arith.cmpi sgt, %jit3A, %sign3A_8 : i32
    %sign3A_10 = arith.extui %sign3A_9 : i1 to i32
    %sign3A_11 = arith.constant 0 : i32
    %sign3A_12 = arith.cmpi slt, %jit3A, %sign3A_11 : i32
    %sign3A_13 = arith.extui %sign3A_12 : i1 to i32
    %sign3A_14 = arith.subi %sign3A_10, %sign3A_13 : i32
    %ne3A = arith.cmpi ne, %sign3A_7, %sign3A_14 : i32
    %rem3A = arith.remsi %sub3A_1, %jit3A : i32
    %ne3A_15 = arith.constant 0 : i32
    %ne3A_16 = arith.cmpi ne, %rem3A, %ne3A_15 : i32
    %and3A = arith.andi %ne3A, %ne3A_16 : i1
    %sub3A_17 = arith.constant 1 : i32
    %sub3A_18 = arith.subi %div3A, %sub3A_17 : i32
    %select_n3A = arith.select %and3A, %sub3A_18, %div3A : i32
    %add3A_19 = arith.constant 1 : i32
    %add3A_20 = arith.addi %select_n3A, %add3A_19 : i32
    %eq3A = arith.constant 0 : i32
    %eq3A_21 = arith.cmpi eq, %arg1, %eq3A : i32
    %convert_element_type3A = arith.extui %eq3A_21 : i1 to i32
    %cond3A = arith.constant 0 : i32
    %cond3A_22 = arith.cmpi ne, %convert_element_type3A, %cond3A : i32
    scf.if %cond3A_22 {
      tpu.enqueue_dma source(%arg2 : memref<50000xf32, #tpu.memory_space<hbm>>) target(%arg26 : memref<50000xf32, #tpu.memory_space<vmem_shared>>) target_semaphore(%arg35 : memref<!tpu.dma_semaphore, #tpu.memory_space<semaphore_mem>>)
      tpu.enqueue_dma source(%arg3 : memref<50000xf32, #tpu.memory_space<hbm>>) target(%arg27 : memref<50000xf32, #tpu.memory_space<vmem_shared>>) target_semaphore(%arg35 : memref<!tpu.dma_semaphore, #tpu.memory_space<semaphore_mem>>)
      tpu.enqueue_dma source(%arg4 : memref<50000xf32, #tpu.memory_space<hbm>>) target(%arg28 : memref<50000xf32, #tpu.memory_space<vmem_shared>>) target_semaphore(%arg35 : memref<!tpu.dma_semaphore, #tpu.memory_space<semaphore_mem>>)
      tpu.wait_dma2 semaphore(%arg35 : memref<!tpu.dma_semaphore, #tpu.memory_space<semaphore_mem>>) src(%arg2 : memref<50000xf32, #tpu.memory_space<hbm>>) dst(%arg26 : memref<50000xf32, #tpu.memory_space<vmem_shared>>)
      tpu.wait_dma2 semaphore(%arg35 : memref<!tpu.dma_semaphore, #tpu.memory_space<semaphore_mem>>) src(%arg3 : memref<50000xf32, #tpu.memory_space<hbm>>) dst(%arg27 : memref<50000xf32, #tpu.memory_space<vmem_shared>>)
      tpu.wait_dma2 semaphore(%arg35 : memref<!tpu.dma_semaphore, #tpu.memory_space<semaphore_mem>>) src(%arg4 : memref<50000xf32, #tpu.memory_space<hbm>>) dst(%arg28 : memref<50000xf32, #tpu.memory_space<vmem_shared>>)
    } else {
    }
    %barrier3A = arith.constant 0 : index
    tpu.barrier barrier_id(%barrier3A)
    %mul3A_23 = arith.constant 0 : i32
    %mul3A_24 = arith.constant 32 : i32
    %mul3A_25 = arith.muli %mul3A_23, %mul3A_24 : i32
    %add3A_26 = arith.addi %add3A, %mul3A_25 : i32
    %dma_start3A = arith.constant 0 : i32
    %dma_start3A_27 = tpu.memref_slice %arg5[%add3A_26, %dma_start3A] : memref<3125x256xi32, #tpu.memory_space<hbm>> -> memref<1x256xi32, #tpu.memory_space<hbm>>
    %dma_start3A_28 = tpu.memref_squeeze %dma_start3A_27 : memref<1x256xi32, #tpu.memory_space<hbm>> -> memref<256xi32, #tpu.memory_space<hbm>>
    %dma_start3A_29 = arith.constant 0 : i32
    %dma_start3A_30 = tpu.memref_slice %arg5[%add3A_26, %dma_start3A_29] : memref<3125x256xi32, #tpu.memory_space<hbm>> -> memref<1x256xi32, #tpu.memory_space<hbm>>
    %dma_start3A_31 = tpu.memref_squeeze %dma_start3A_30 : memref<1x256xi32, #tpu.memory_space<hbm>> -> memref<256xi32, #tpu.memory_space<hbm>>
    tpu.enqueue_dma source(%dma_start3A_31 : memref<256xi32, #tpu.memory_space<hbm>>) target(%arg8 : memref<256xi32, #tpu.memory_space<vmem>>) target_semaphore(%arg29 : memref<!tpu.dma_semaphore, #tpu.memory_space<semaphore_mem>>)
    %mul3A_32 = arith.constant 0 : i32
    %mul3A_33 = arith.constant 32 : i32
    %mul3A_34 = arith.muli %mul3A_32, %mul3A_33 : i32
    %add3A_35 = arith.addi %add3A, %mul3A_34 : i32
    %dma_start3A_36 = arith.constant 0 : i32
    %dma_start3A_37 = tpu.memref_slice %arg6[%add3A_35, %dma_start3A_36] : memref<3125x256xi32, #tpu.memory_space<hbm>> -> memref<1x256xi32, #tpu.memory_space<hbm>>
    %dma_start3A_38 = tpu.memref_squeeze %dma_start3A_37 : memref<1x256xi32, #tpu.memory_space<hbm>> -> memref<256xi32, #tpu.memory_space<hbm>>
    %dma_start3A_39 = arith.constant 0 : i32
    %dma_start3A_40 = tpu.memref_slice %arg6[%add3A_35, %dma_start3A_39] : memref<3125x256xi32, #tpu.memory_space<hbm>> -> memref<1x256xi32, #tpu.memory_space<hbm>>
    %dma_start3A_41 = tpu.memref_squeeze %dma_start3A_40 : memref<1x256xi32, #tpu.memory_space<hbm>> -> memref<256xi32, #tpu.memory_space<hbm>>
    tpu.enqueue_dma source(%dma_start3A_41 : memref<256xi32, #tpu.memory_space<hbm>>) target(%arg10 : memref<256xi32, #tpu.memory_space<vmem>>) target_semaphore(%arg29 : memref<!tpu.dma_semaphore, #tpu.memory_space<semaphore_mem>>)
    %gt3A = arith.constant 1 : i32
    %gt3A_42 = arith.cmpi sgt, %add3A_20, %gt3A : i32
    %convert_element_type3A_43 = arith.extui %gt3A_42 : i1 to i32
    %cond3A_44 = arith.constant 0 : i32
    %cond3A_45 = arith.cmpi ne, %convert_element_type3A_43, %cond3A_44 : i32
    scf.if %cond3A_45 {
      %mul3A_98 = arith.constant 1 : i32
      %mul3A_99 = arith.constant 32 : i32
      %mul3A_100 = arith.muli %mul3A_98, %mul3A_99 : i32
      %add3A_101 = arith.addi %add3A, %mul3A_100 : i32
      %dma_start3A_102 = arith.constant 0 : i32
      %dma_start3A_103 = tpu.memref_slice %arg5[%add3A_101, %dma_start3A_102] : memref<3125x256xi32, #tpu.memory_space<hbm>> -> memref<1x256xi32, #tpu.memory_space<hbm>>
      %dma_start3A_104 = tpu.memref_squeeze %dma_start3A_103 : memref<1x256xi32, #tpu.memory_space<hbm>> -> memref<256xi32, #tpu.memory_space<hbm>>
      %dma_start3A_105 = arith.constant 0 : i32
      %dma_start3A_106 = tpu.memref_slice %arg5[%add3A_101, %dma_start3A_105] : memref<3125x256xi32, #tpu.memory_space<hbm>> -> memref<1x256xi32, #tpu.memory_space<hbm>>
      %dma_start3A_107 = tpu.memref_squeeze %dma_start3A_106 : memref<1x256xi32, #tpu.memory_space<hbm>> -> memref<256xi32, #tpu.memory_space<hbm>>
      tpu.enqueue_dma source(%dma_start3A_107 : memref<256xi32, #tpu.memory_space<hbm>>) target(%arg9 : memref<256xi32, #tpu.memory_space<vmem>>) target_semaphore(%arg30 : memref<!tpu.dma_semaphore, #tpu.memory_space<semaphore_mem>>)
      %mul3A_108 = arith.constant 1 : i32
      %mul3A_109 = arith.constant 32 : i32
      %mul3A_110 = arith.muli %mul3A_108, %mul3A_109 : i32
      %add3A_111 = arith.addi %add3A, %mul3A_110 : i32
      %dma_start3A_112 = arith.constant 0 : i32
      %dma_start3A_113 = tpu.memref_slice %arg6[%add3A_111, %dma_start3A_112] : memref<3125x256xi32, #tpu.memory_space<hbm>> -> memref<1x256xi32, #tpu.memory_space<hbm>>
      %dma_start3A_114 = tpu.memref_squeeze %dma_start3A_113 : memref<1x256xi32, #tpu.memory_space<hbm>> -> memref<256xi32, #tpu.memory_space<hbm>>
      %dma_start3A_115 = arith.constant 0 : i32
      %dma_start3A_116 = tpu.memref_slice %arg6[%add3A_111, %dma_start3A_115] : memref<3125x256xi32, #tpu.memory_space<hbm>> -> memref<1x256xi32, #tpu.memory_space<hbm>>
      %dma_start3A_117 = tpu.memref_squeeze %dma_start3A_116 : memref<1x256xi32, #tpu.memory_space<hbm>> -> memref<256xi32, #tpu.memory_space<hbm>>
      tpu.enqueue_dma source(%dma_start3A_117 : memref<256xi32, #tpu.memory_space<hbm>>) target(%arg11 : memref<256xi32, #tpu.memory_space<vmem>>) target_semaphore(%arg30 : memref<!tpu.dma_semaphore, #tpu.memory_space<semaphore_mem>>)
    } else {
    }
    %dma_wait3A = arith.constant 0 : i32
    %dma_wait3A_46 = arith.constant 0 : i32
    %dma_wait3A_47 = tpu.memref_slice %arg5[%dma_wait3A, %dma_wait3A_46] : memref<3125x256xi32, #tpu.memory_space<hbm>> -> memref<1x256xi32, #tpu.memory_space<hbm>>
    %dma_wait3A_48 = tpu.memref_squeeze %dma_wait3A_47 : memref<1x256xi32, #tpu.memory_space<hbm>> -> memref<256xi32, #tpu.memory_space<hbm>>
    %dma_wait3A_49 = arith.constant 0 : i32
    %dma_wait3A_50 = tpu.memref_slice %arg5[%dma_wait3A, %dma_wait3A_49] : memref<3125x256xi32, #tpu.memory_space<hbm>> -> memref<1x256xi32, #tpu.memory_space<hbm>>
    %dma_wait3A_51 = tpu.memref_squeeze %dma_wait3A_50 : memref<1x256xi32, #tpu.memory_space<hbm>> -> memref<256xi32, #tpu.memory_space<hbm>>
    tpu.wait_dma2 semaphore(%arg29 : memref<!tpu.dma_semaphore, #tpu.memory_space<semaphore_mem>>) src(%dma_wait3A_51 : memref<256xi32, #tpu.memory_space<hbm>>) dst(%arg8 : memref<256xi32, #tpu.memory_space<vmem>>)
    %dma_wait3A_52 = arith.constant 0 : i32
    %dma_wait3A_53 = arith.constant 0 : i32
    %dma_wait3A_54 = tpu.memref_slice %arg6[%dma_wait3A_52, %dma_wait3A_53] : memref<3125x256xi32, #tpu.memory_space<hbm>> -> memref<1x256xi32, #tpu.memory_space<hbm>>
    %dma_wait3A_55 = tpu.memref_squeeze %dma_wait3A_54 : memref<1x256xi32, #tpu.memory_space<hbm>> -> memref<256xi32, #tpu.memory_space<hbm>>
    %dma_wait3A_56 = arith.constant 0 : i32
    %dma_wait3A_57 = tpu.memref_slice %arg6[%dma_wait3A_52, %dma_wait3A_56] : memref<3125x256xi32, #tpu.memory_space<hbm>> -> memref<1x256xi32, #tpu.memory_space<hbm>>
    %dma_wait3A_58 = tpu.memref_squeeze %dma_wait3A_57 : memref<1x256xi32, #tpu.memory_space<hbm>> -> memref<256xi32, #tpu.memory_space<hbm>>
    tpu.wait_dma2 semaphore(%arg29 : memref<!tpu.dma_semaphore, #tpu.memory_space<semaphore_mem>>) src(%dma_wait3A_58 : memref<256xi32, #tpu.memory_space<hbm>>) dst(%arg10 : memref<256xi32, #tpu.memory_space<vmem>>)
    %dma_start3A_59 = arith.constant 0 : i32
    %dma_start3A_60 = tpu.memref_slice %arg26[%dma_start3A_59] : memref<50000xf32, #tpu.memory_space<vmem_shared>> -> memref<50000xf32, #tpu.memory_space<vmem_shared>>
    tpu.enqueue_indirect_dma source(%dma_start3A_60 : memref<50000xf32, #tpu.memory_space<vmem_shared>>) target(%arg12 : memref<256xf32, #tpu.memory_space<vmem>>) offsets(%arg8 : memref<256xi32, #tpu.memory_space<vmem>>) semaphore(%arg31 : memref<!tpu.dma_semaphore, #tpu.memory_space<semaphore_mem>>)
    %dma_start3A_61 = arith.constant 0 : i32
    %dma_start3A_62 = tpu.memref_slice %arg27[%dma_start3A_61] : memref<50000xf32, #tpu.memory_space<vmem_shared>> -> memref<50000xf32, #tpu.memory_space<vmem_shared>>
    tpu.enqueue_indirect_dma source(%dma_start3A_62 : memref<50000xf32, #tpu.memory_space<vmem_shared>>) target(%arg13 : memref<256xf32, #tpu.memory_space<vmem>>) offsets(%arg8 : memref<256xi32, #tpu.memory_space<vmem>>) semaphore(%arg31 : memref<!tpu.dma_semaphore, #tpu.memory_space<semaphore_mem>>)
    %dma_start3A_63 = arith.constant 0 : i32
    %dma_start3A_64 = tpu.memref_slice %arg28[%dma_start3A_63] : memref<50000xf32, #tpu.memory_space<vmem_shared>> -> memref<50000xf32, #tpu.memory_space<vmem_shared>>
    tpu.enqueue_indirect_dma source(%dma_start3A_64 : memref<50000xf32, #tpu.memory_space<vmem_shared>>) target(%arg14 : memref<256xf32, #tpu.memory_space<vmem>>) offsets(%arg8 : memref<256xi32, #tpu.memory_space<vmem>>) semaphore(%arg31 : memref<!tpu.dma_semaphore, #tpu.memory_space<semaphore_mem>>)
    %dma_start3A_65 = arith.constant 0 : i32
    %dma_start3A_66 = tpu.memref_slice %arg26[%dma_start3A_65] : memref<50000xf32, #tpu.memory_space<vmem_shared>> -> memref<50000xf32, #tpu.memory_space<vmem_shared>>
    tpu.enqueue_indirect_dma source(%dma_start3A_66 : memref<50000xf32, #tpu.memory_space<vmem_shared>>) target(%arg15 : memref<256xf32, #tpu.memory_space<vmem>>) offsets(%arg10 : memref<256xi32, #tpu.memory_space<vmem>>) semaphore(%arg31 : memref<!tpu.dma_semaphore, #tpu.memory_space<semaphore_mem>>)
    %dma_start3A_67 = arith.constant 0 : i32
    %dma_start3A_68 = tpu.memref_slice %arg27[%dma_start3A_67] : memref<50000xf32, #tpu.memory_space<vmem_shared>> -> memref<50000xf32, #tpu.memory_space<vmem_shared>>
    tpu.enqueue_indirect_dma source(%dma_start3A_68 : memref<50000xf32, #tpu.memory_space<vmem_shared>>) target(%arg16 : memref<256xf32, #tpu.memory_space<vmem>>) offsets(%arg10 : memref<256xi32, #tpu.memory_space<vmem>>) semaphore(%arg31 : memref<!tpu.dma_semaphore, #tpu.memory_space<semaphore_mem>>)
    %dma_start3A_69 = arith.constant 0 : i32
    %dma_start3A_70 = tpu.memref_slice %arg28[%dma_start3A_69] : memref<50000xf32, #tpu.memory_space<vmem_shared>> -> memref<50000xf32, #tpu.memory_space<vmem_shared>>
    tpu.enqueue_indirect_dma source(%dma_start3A_70 : memref<50000xf32, #tpu.memory_space<vmem_shared>>) target(%arg17 : memref<256xf32, #tpu.memory_space<vmem>>) offsets(%arg10 : memref<256xi32, #tpu.memory_space<vmem>>) semaphore(%arg31 : memref<!tpu.dma_semaphore, #tpu.memory_space<semaphore_mem>>)
    %sub3A_71 = arith.constant 0 : i32
    %sub3A_72 = arith.subi %add3A_20, %sub3A_71 : i32
    %sub3A_73 = arith.constant 2 : i32
    %sub3A_74 = arith.constant 1 : i32
    %sub3A_75 = arith.subi %sub3A_73, %sub3A_74 : i32
    %add3A_76 = arith.addi %sub3A_72, %sub3A_75 : i32
    %div3A_77 = arith.constant 2 : i32
    %div3A_78 = arith.divsi %add3A_76, %div3A_77 : i32
    %while3A = arith.constant 2 : i32
    %while3A_79 = arith.constant 0 : i32
    %while3A_80 = arith.constant 0 : i32
    %while3A_81 = arith.subi %div3A_78, %while3A_80 : i32
    %while3A_82 = arith.addi %while3A_80, %while3A_81 : i32
    %while3A_83 = arith.constant 1 : i32
    %while3A_84 = arith.divsi %while3A_81, %while3A_83 : i32
    %while3A_85 = arith.muli %while3A_84, %while3A_83 : i32
    %while3A_86 = arith.addi %while3A_80, %while3A_85 : i32
    %while3A_87 = arith.constant 1 : i32
    scf.for %while3A_98 = %while3A_80 to %while3A_86 step %while3A_87  : i32 {
      %mul3A_99 = arith.muli %while3A_98, %while3A : i32
      %add3A_100 = arith.addi %while3A_79, %mul3A_99 : i32
      %add3A_101 = arith.constant 0 : i32
      %add3A_102 = arith.addi %add3A_100, %add3A_101 : i32
      %lt3A = arith.cmpi slt, %add3A_102, %add3A_20 : i32
      %convert_element_type3A_103 = arith.extui %lt3A : i1 to i32
      %cond3A_104 = arith.constant 0 : i32
      %cond3A_105 = arith.cmpi ne, %convert_element_type3A_103, %cond3A_104 : i32
      scf.if %cond3A_105 {
        %dma_wait3A_112 = arith.constant 0 : i32
        %dma_wait3A_113 = tpu.memref_slice %arg26[%dma_wait3A_112] : memref<50000xf32, #tpu.memory_space<vmem_shared>> -> memref<50000xf32, #tpu.memory_space<vmem_shared>>
        tpu.wait_indirect_dma semaphore(%arg31 : memref<!tpu.dma_semaphore, #tpu.memory_space<semaphore_mem>>) src(%dma_wait3A_113 : memref<50000xf32, #tpu.memory_space<vmem_shared>>) dst(%arg12 : memref<256xf32, #tpu.memory_space<vmem>>)
        %dma_wait3A_114 = arith.constant 0 : i32
        %dma_wait3A_115 = tpu.memref_slice %arg27[%dma_wait3A_114] : memref<50000xf32, #tpu.memory_space<vmem_shared>> -> memref<50000xf32, #tpu.memory_space<vmem_shared>>
        tpu.wait_indirect_dma semaphore(%arg31 : memref<!tpu.dma_semaphore, #tpu.memory_space<semaphore_mem>>) src(%dma_wait3A_115 : memref<50000xf32, #tpu.memory_space<vmem_shared>>) dst(%arg13 : memref<256xf32, #tpu.memory_space<vmem>>)
        %dma_wait3A_116 = arith.constant 0 : i32
        %dma_wait3A_117 = tpu.memref_slice %arg28[%dma_wait3A_116] : memref<50000xf32, #tpu.memory_space<vmem_shared>> -> memref<50000xf32, #tpu.memory_space<vmem_shared>>
        tpu.wait_indirect_dma semaphore(%arg31 : memref<!tpu.dma_semaphore, #tpu.memory_space<semaphore_mem>>) src(%dma_wait3A_117 : memref<50000xf32, #tpu.memory_space<vmem_shared>>) dst(%arg14 : memref<256xf32, #tpu.memory_space<vmem>>)
        %dma_wait3A_118 = arith.constant 0 : i32
        %dma_wait3A_119 = tpu.memref_slice %arg26[%dma_wait3A_118] : memref<50000xf32, #tpu.memory_space<vmem_shared>> -> memref<50000xf32, #tpu.memory_space<vmem_shared>>
        tpu.wait_indirect_dma semaphore(%arg31 : memref<!tpu.dma_semaphore, #tpu.memory_space<semaphore_mem>>) src(%dma_wait3A_119 : memref<50000xf32, #tpu.memory_space<vmem_shared>>) dst(%arg15 : memref<256xf32, #tpu.memory_space<vmem>>)
        %dma_wait3A_120 = arith.constant 0 : i32
        %dma_wait3A_121 = tpu.memref_slice %arg27[%dma_wait3A_120] : memref<50000xf32, #tpu.memory_space<vmem_shared>> -> memref<50000xf32, #tpu.memory_space<vmem_shared>>
        tpu.wait_indirect_dma semaphore(%arg31 : memref<!tpu.dma_semaphore, #tpu.memory_space<semaphore_mem>>) src(%dma_wait3A_121 : memref<50000xf32, #tpu.memory_space<vmem_shared>>) dst(%arg16 : memref<256xf32, #tpu.memory_space<vmem>>)
        %dma_wait3A_122 = arith.constant 0 : i32
        %dma_wait3A_123 = tpu.memref_slice %arg28[%dma_wait3A_122] : memref<50000xf32, #tpu.memory_space<vmem_shared>> -> memref<50000xf32, #tpu.memory_space<vmem_shared>>
        tpu.wait_indirect_dma semaphore(%arg31 : memref<!tpu.dma_semaphore, #tpu.memory_space<semaphore_mem>>) src(%dma_wait3A_123 : memref<50000xf32, #tpu.memory_space<vmem_shared>>) dst(%arg17 : memref<256xf32, #tpu.memory_space<vmem>>)
        %add3A_124 = arith.constant 2 : i32
        %add3A_125 = arith.addi %add3A_102, %add3A_124 : i32
        %lt3A_126 = arith.cmpi slt, %add3A_125, %add3A_20 : i32
        %convert_element_type3A_127 = arith.extui %lt3A_126 : i1 to i32
        %cond3A_128 = arith.constant 0 : i32
        %cond3A_129 = arith.cmpi ne, %convert_element_type3A_127, %cond3A_128 : i32
        scf.if %cond3A_129 {
          %add3A_152 = arith.constant 2 : i32
          %add3A_153 = arith.addi %add3A_102, %add3A_152 : i32
          %mul3A_154 = arith.constant 32 : i32
          %mul3A_155 = arith.muli %add3A_153, %mul3A_154 : i32
          %add3A_156 = arith.addi %add3A, %mul3A_155 : i32
          %dma_start3A_157 = arith.constant 0 : i32
          %dma_start3A_158 = tpu.memref_slice %arg5[%add3A_156, %dma_start3A_157] : memref<3125x256xi32, #tpu.memory_space<hbm>> -> memref<1x256xi32, #tpu.memory_space<hbm>>
          %dma_start3A_159 = tpu.memref_squeeze %dma_start3A_158 : memref<1x256xi32, #tpu.memory_space<hbm>> -> memref<256xi32, #tpu.memory_space<hbm>>
          %dma_start3A_160 = arith.constant 0 : i32
          %dma_start3A_161 = tpu.memref_slice %arg5[%add3A_156, %dma_start3A_160] : memref<3125x256xi32, #tpu.memory_space<hbm>> -> memref<1x256xi32, #tpu.memory_space<hbm>>
          %dma_start3A_162 = tpu.memref_squeeze %dma_start3A_161 : memref<1x256xi32, #tpu.memory_space<hbm>> -> memref<256xi32, #tpu.memory_space<hbm>>
          tpu.enqueue_dma source(%dma_start3A_162 : memref<256xi32, #tpu.memory_space<hbm>>) target(%arg8 : memref<256xi32, #tpu.memory_space<vmem>>) target_semaphore(%arg29 : memref<!tpu.dma_semaphore, #tpu.memory_space<semaphore_mem>>)
          %mul3A_163 = arith.constant 32 : i32
          %mul3A_164 = arith.muli %add3A_153, %mul3A_163 : i32
          %add3A_165 = arith.addi %add3A, %mul3A_164 : i32
          %dma_start3A_166 = arith.constant 0 : i32
          %dma_start3A_167 = tpu.memref_slice %arg6[%add3A_165, %dma_start3A_166] : memref<3125x256xi32, #tpu.memory_space<hbm>> -> memref<1x256xi32, #tpu.memory_space<hbm>>
          %dma_start3A_168 = tpu.memref_squeeze %dma_start3A_167 : memref<1x256xi32, #tpu.memory_space<hbm>> -> memref<256xi32, #tpu.memory_space<hbm>>
          %dma_start3A_169 = arith.constant 0 : i32
          %dma_start3A_170 = tpu.memref_slice %arg6[%add3A_165, %dma_start3A_169] : memref<3125x256xi32, #tpu.memory_space<hbm>> -> memref<1x256xi32, #tpu.memory_space<hbm>>
          %dma_start3A_171 = tpu.memref_squeeze %dma_start3A_170 : memref<1x256xi32, #tpu.memory_space<hbm>> -> memref<256xi32, #tpu.memory_space<hbm>>
          tpu.enqueue_dma source(%dma_start3A_171 : memref<256xi32, #tpu.memory_space<hbm>>) target(%arg10 : memref<256xi32, #tpu.memory_space<vmem>>) target_semaphore(%arg29 : memref<!tpu.dma_semaphore, #tpu.memory_space<semaphore_mem>>)
        } else {
        }
        %add3A_130 = arith.constant 1 : i32
        %add3A_131 = arith.addi %add3A_102, %add3A_130 : i32
        %lt3A_132 = arith.cmpi slt, %add3A_131, %add3A_20 : i32
        %convert_element_type3A_133 = arith.extui %lt3A_132 : i1 to i32
        %cond3A_134 = arith.constant 0 : i32
        %cond3A_135 = arith.cmpi ne, %convert_element_type3A_133, %cond3A_134 : i32
        scf.if %cond3A_135 {
          %dma_wait3A_152 = arith.constant 0 : i32
          %dma_wait3A_153 = arith.constant 0 : i32
          %dma_wait3A_154 = tpu.memref_slice %arg5[%dma_wait3A_152, %dma_wait3A_153] : memref<3125x256xi32, #tpu.memory_space<hbm>> -> memref<1x256xi32, #tpu.memory_space<hbm>>
          %dma_wait3A_155 = tpu.memref_squeeze %dma_wait3A_154 : memref<1x256xi32, #tpu.memory_space<hbm>> -> memref<256xi32, #tpu.memory_space<hbm>>
          %dma_wait3A_156 = arith.constant 0 : i32
          %dma_wait3A_157 = tpu.memref_slice %arg5[%dma_wait3A_152, %dma_wait3A_156] : memref<3125x256xi32, #tpu.memory_space<hbm>> -> memref<1x256xi32, #tpu.memory_space<hbm>>
          %dma_wait3A_158 = tpu.memref_squeeze %dma_wait3A_157 : memref<1x256xi32, #tpu.memory_space<hbm>> -> memref<256xi32, #tpu.memory_space<hbm>>
          tpu.wait_dma2 semaphore(%arg30 : memref<!tpu.dma_semaphore, #tpu.memory_space<semaphore_mem>>) src(%dma_wait3A_158 : memref<256xi32, #tpu.memory_space<hbm>>) dst(%arg9 : memref<256xi32, #tpu.memory_space<vmem>>)
          %dma_wait3A_159 = arith.constant 0 : i32
          %dma_wait3A_160 = arith.constant 0 : i32
          %dma_wait3A_161 = tpu.memref_slice %arg6[%dma_wait3A_159, %dma_wait3A_160] : memref<3125x256xi32, #tpu.memory_space<hbm>> -> memref<1x256xi32, #tpu.memory_space<hbm>>
          %dma_wait3A_162 = tpu.memref_squeeze %dma_wait3A_161 : memref<1x256xi32, #tpu.memory_space<hbm>> -> memref<256xi32, #tpu.memory_space<hbm>>
          %dma_wait3A_163 = arith.constant 0 : i32
          %dma_wait3A_164 = tpu.memref_slice %arg6[%dma_wait3A_159, %dma_wait3A_163] : memref<3125x256xi32, #tpu.memory_space<hbm>> -> memref<1x256xi32, #tpu.memory_space<hbm>>
          %dma_wait3A_165 = tpu.memref_squeeze %dma_wait3A_164 : memref<1x256xi32, #tpu.memory_space<hbm>> -> memref<256xi32, #tpu.memory_space<hbm>>
          tpu.wait_dma2 semaphore(%arg30 : memref<!tpu.dma_semaphore, #tpu.memory_space<semaphore_mem>>) src(%dma_wait3A_165 : memref<256xi32, #tpu.memory_space<hbm>>) dst(%arg11 : memref<256xi32, #tpu.memory_space<vmem>>)
          %dma_start3A_166 = arith.constant 0 : i32
          %dma_start3A_167 = tpu.memref_slice %arg26[%dma_start3A_166] : memref<50000xf32, #tpu.memory_space<vmem_shared>> -> memref<50000xf32, #tpu.memory_space<vmem_shared>>
          tpu.enqueue_indirect_dma source(%dma_start3A_167 : memref<50000xf32, #tpu.memory_space<vmem_shared>>) target(%arg18 : memref<256xf32, #tpu.memory_space<vmem>>) offsets(%arg9 : memref<256xi32, #tpu.memory_space<vmem>>) semaphore(%arg32 : memref<!tpu.dma_semaphore, #tpu.memory_space<semaphore_mem>>)
          %dma_start3A_168 = arith.constant 0 : i32
          %dma_start3A_169 = tpu.memref_slice %arg27[%dma_start3A_168] : memref<50000xf32, #tpu.memory_space<vmem_shared>> -> memref<50000xf32, #tpu.memory_space<vmem_shared>>
          tpu.enqueue_indirect_dma source(%dma_start3A_169 : memref<50000xf32, #tpu.memory_space<vmem_shared>>) target(%arg19 : memref<256xf32, #tpu.memory_space<vmem>>) offsets(%arg9 : memref<256xi32, #tpu.memory_space<vmem>>) semaphore(%arg32 : memref<!tpu.dma_semaphore, #tpu.memory_space<semaphore_mem>>)
          %dma_start3A_170 = arith.constant 0 : i32
          %dma_start3A_171 = tpu.memref_slice %arg28[%dma_start3A_170] : memref<50000xf32, #tpu.memory_space<vmem_shared>> -> memref<50000xf32, #tpu.memory_space<vmem_shared>>
          tpu.enqueue_indirect_dma source(%dma_start3A_171 : memref<50000xf32, #tpu.memory_space<vmem_shared>>) target(%arg20 : memref<256xf32, #tpu.memory_space<vmem>>) offsets(%arg9 : memref<256xi32, #tpu.memory_space<vmem>>) semaphore(%arg32 : memref<!tpu.dma_semaphore, #tpu.memory_space<semaphore_mem>>)
          %dma_start3A_172 = arith.constant 0 : i32
          %dma_start3A_173 = tpu.memref_slice %arg26[%dma_start3A_172] : memref<50000xf32, #tpu.memory_space<vmem_shared>> -> memref<50000xf32, #tpu.memory_space<vmem_shared>>
          tpu.enqueue_indirect_dma source(%dma_start3A_173 : memref<50000xf32, #tpu.memory_space<vmem_shared>>) target(%arg21 : memref<256xf32, #tpu.memory_space<vmem>>) offsets(%arg11 : memref<256xi32, #tpu.memory_space<vmem>>) semaphore(%arg32 : memref<!tpu.dma_semaphore, #tpu.memory_space<semaphore_mem>>)
          %dma_start3A_174 = arith.constant 0 : i32
          %dma_start3A_175 = tpu.memref_slice %arg27[%dma_start3A_174] : memref<50000xf32, #tpu.memory_space<vmem_shared>> -> memref<50000xf32, #tpu.memory_space<vmem_shared>>
          tpu.enqueue_indirect_dma source(%dma_start3A_175 : memref<50000xf32, #tpu.memory_space<vmem_shared>>) target(%arg22 : memref<256xf32, #tpu.memory_space<vmem>>) offsets(%arg11 : memref<256xi32, #tpu.memory_space<vmem>>) semaphore(%arg32 : memref<!tpu.dma_semaphore, #tpu.memory_space<semaphore_mem>>)
          %dma_start3A_176 = arith.constant 0 : i32
          %dma_start3A_177 = tpu.memref_slice %arg28[%dma_start3A_176] : memref<50000xf32, #tpu.memory_space<vmem_shared>> -> memref<50000xf32, #tpu.memory_space<vmem_shared>>
          tpu.enqueue_indirect_dma source(%dma_start3A_177 : memref<50000xf32, #tpu.memory_space<vmem_shared>>) target(%arg23 : memref<256xf32, #tpu.memory_space<vmem>>) offsets(%arg11 : memref<256xi32, #tpu.memory_space<vmem>>) semaphore(%arg32 : memref<!tpu.dma_semaphore, #tpu.memory_space<semaphore_mem>>)
        } else {
        }
        %ge3A_136 = arith.constant 2 : i32
        %ge3A_137 = arith.cmpi sge, %add3A_102, %ge3A_136 : i32
        %convert_element_type3A_138 = arith.extui %ge3A_137 : i1 to i32
        %cond3A_139 = arith.constant 0 : i32
        %cond3A_140 = arith.cmpi ne, %convert_element_type3A_138, %cond3A_139 : i32
        scf.if %cond3A_140 {
          %dma_wait3A_152 = arith.constant 0 : i32
          %dma_wait3A_153 = arith.constant 0 : i32
          %dma_wait3A_154 = tpu.memref_slice %arg7[%dma_wait3A_152, %dma_wait3A_153] : memref<800000x36xf32, #tpu.memory_space<hbm>> -> memref<256x36xf32, #tpu.memory_space<hbm>>
          %dma_wait3A_155 = arith.constant 0 : i32
          %dma_wait3A_156 = arith.constant 0 : i32
          %dma_wait3A_157 = tpu.memref_slice %arg7[%dma_wait3A_155, %dma_wait3A_156] : memref<800000x36xf32, #tpu.memory_space<hbm>> -> memref<256x36xf32, #tpu.memory_space<hbm>>
          tpu.wait_dma2 semaphore(%arg33 : memref<!tpu.dma_semaphore, #tpu.memory_space<semaphore_mem>>) src(%arg24 : memref<256x36xf32, #tpu.memory_space<vmem>>) dst(%dma_wait3A_157 : memref<256x36xf32, #tpu.memory_space<hbm>>)
        } else {
        }
        %parallel_loop3A = arith.constant 0 : i32
        %parallel_loop3A_141 = arith.constant 16 : i32
        %parallel_loop3A_142 = arith.constant 1 : i32
        scf.for %parallel_loop3A_152 = %parallel_loop3A to %parallel_loop3A_141 step %parallel_loop3A_142  : i32 {
          %parallel_loop3A_153 = arith.constant 16 : i32
          %parallel_loop3A_154 = arith.muli %parallel_loop3A_152, %parallel_loop3A_153 : i32
          %parallel_loop3A_155 = arith.index_cast %parallel_loop3A_154 : i32 to index
          %parallel_loop3A_156 = tpu.vector_load %arg15[%parallel_loop3A_155] {strides = array<i32>} : memref<256xf32, #tpu.memory_space<vmem>>, vector<16xf32>,
          %parallel_loop3A_157 = arith.index_cast %parallel_loop3A_154 : i32 to index
          %parallel_loop3A_158 = tpu.vector_load %arg12[%parallel_loop3A_157] {strides = array<i32>} : memref<256xf32, #tpu.memory_space<vmem>>, vector<16xf32>,
          %parallel_loop3A_159 = arith.subf %parallel_loop3A_156, %parallel_loop3A_158 : vector<16xf32>
          %parallel_loop3A_160 = arith.index_cast %parallel_loop3A_154 : i32 to index
          %parallel_loop3A_161 = tpu.vector_load %arg16[%parallel_loop3A_160] {strides = array<i32>} : memref<256xf32, #tpu.memory_space<vmem>>, vector<16xf32>,
          %parallel_loop3A_162 = arith.index_cast %parallel_loop3A_154 : i32 to index
          %parallel_loop3A_163 = tpu.vector_load %arg13[%parallel_loop3A_162] {strides = array<i32>} : memref<256xf32, #tpu.memory_space<vmem>>, vector<16xf32>,
          %parallel_loop3A_164 = arith.subf %parallel_loop3A_161, %parallel_loop3A_163 : vector<16xf32>
          %parallel_loop3A_165 = arith.index_cast %parallel_loop3A_154 : i32 to index
          %parallel_loop3A_166 = tpu.vector_load %arg17[%parallel_loop3A_165] {strides = array<i32>} : memref<256xf32, #tpu.memory_space<vmem>>, vector<16xf32>,
          %parallel_loop3A_167 = arith.index_cast %parallel_loop3A_154 : i32 to index
          %parallel_loop3A_168 = tpu.vector_load %arg14[%parallel_loop3A_167] {strides = array<i32>} : memref<256xf32, #tpu.memory_space<vmem>>, vector<16xf32>,
          %parallel_loop3A_169 = arith.subf %parallel_loop3A_166, %parallel_loop3A_168 : vector<16xf32>
          %parallel_loop3A_170 = arith.mulf %parallel_loop3A_159, %parallel_loop3A_159 : vector<16xf32>
          %parallel_loop3A_171 = arith.mulf %parallel_loop3A_164, %parallel_loop3A_164 : vector<16xf32>
          %parallel_loop3A_172 = arith.addf %parallel_loop3A_170, %parallel_loop3A_171 : vector<16xf32>
          %parallel_loop3A_173 = arith.mulf %parallel_loop3A_169, %parallel_loop3A_169 : vector<16xf32>
          %parallel_loop3A_174 = arith.addf %parallel_loop3A_172, %parallel_loop3A_173 : vector<16xf32>
          %parallel_loop3A_175 = arith.constant 9.99999996E-13 : f32
          %parallel_loop3A_176 = vector.broadcast %parallel_loop3A_175 : f32 to vector<16xf32>
          %parallel_loop3A_177 = arith.addf %parallel_loop3A_174, %parallel_loop3A_176 : vector<16xf32>
          %parallel_loop3A_178 = tpu.bitcast %parallel_loop3A_177 : vector<16xf32> -> vector<16xi32>
          %parallel_loop3A_179 = arith.constant 1 : i32
          %parallel_loop3A_180 = vector.broadcast %parallel_loop3A_179 : i32 to vector<16xi32>
          %parallel_loop3A_181 = arith.shrsi %parallel_loop3A_178, %parallel_loop3A_180 : vector<16xi32>
          %parallel_loop3A_182 = arith.constant 1597463007 : i32
          %parallel_loop3A_183 = vector.broadcast %parallel_loop3A_182 : i32 to vector<16xi32>
          %parallel_loop3A_184 = arith.subi %parallel_loop3A_183, %parallel_loop3A_181 : vector<16xi32>
          %parallel_loop3A_185 = tpu.bitcast %parallel_loop3A_184 : vector<16xi32> -> vector<16xf32>
          %parallel_loop3A_186 = arith.constant 5.000000e-01 : f32
          %parallel_loop3A_187 = vector.broadcast %parallel_loop3A_186 : f32 to vector<16xf32>
          %parallel_loop3A_188 = arith.mulf %parallel_loop3A_187, %parallel_loop3A_177 : vector<16xf32>
          %parallel_loop3A_189 = arith.mulf %parallel_loop3A_188, %parallel_loop3A_185 : vector<16xf32>
          %parallel_loop3A_190 = arith.mulf %parallel_loop3A_189, %parallel_loop3A_185 : vector<16xf32>
          %parallel_loop3A_191 = arith.constant 1.500000e+00 : f32
          %parallel_loop3A_192 = vector.broadcast %parallel_loop3A_191 : f32 to vector<16xf32>
          %parallel_loop3A_193 = arith.subf %parallel_loop3A_192, %parallel_loop3A_190 : vector<16xf32>
          %parallel_loop3A_194 = arith.mulf %parallel_loop3A_185, %parallel_loop3A_193 : vector<16xf32>
          %parallel_loop3A_195 = arith.constant 5.000000e-01 : f32
          %parallel_loop3A_196 = vector.broadcast %parallel_loop3A_195 : f32 to vector<16xf32>
          %parallel_loop3A_197 = arith.mulf %parallel_loop3A_196, %parallel_loop3A_177 : vector<16xf32>
          %parallel_loop3A_198 = arith.mulf %parallel_loop3A_197, %parallel_loop3A_194 : vector<16xf32>
          %parallel_loop3A_199 = arith.mulf %parallel_loop3A_198, %parallel_loop3A_194 : vector<16xf32>
          %parallel_loop3A_200 = arith.constant 1.500000e+00 : f32
          %parallel_loop3A_201 = vector.broadcast %parallel_loop3A_200 : f32 to vector<16xf32>
          %parallel_loop3A_202 = arith.subf %parallel_loop3A_201, %parallel_loop3A_199 : vector<16xf32>
          %parallel_loop3A_203 = arith.mulf %parallel_loop3A_194, %parallel_loop3A_202 : vector<16xf32>
          %parallel_loop3A_204 = arith.mulf %parallel_loop3A_177, %parallel_loop3A_203 : vector<16xf32>
          %parallel_loop3A_205 = arith.mulf %parallel_loop3A_203, %parallel_loop3A_203 : vector<16xf32>
          %parallel_loop3A_206 = arith.constant 0.314159274 : f32
          %parallel_loop3A_207 = vector.broadcast %parallel_loop3A_206 : f32 to vector<16xf32>
          %parallel_loop3A_208 = arith.mulf %parallel_loop3A_207, %parallel_loop3A_204 : vector<16xf32>
          %parallel_loop3A_209 = arith.constant 1.57079637 : f32
          %parallel_loop3A_210 = vector.broadcast %parallel_loop3A_209 : f32 to vector<16xf32>
          %parallel_loop3A_211 = arith.minimumf %parallel_loop3A_208, %parallel_loop3A_210 : vector<16xf32>
          %parallel_loop3A_212 = arith.mulf %parallel_loop3A_211, %parallel_loop3A_211 : vector<16xf32>
          %parallel_loop3A_213 = arith.constant -1.14707454E-11 : f32
          %parallel_loop3A_214 = vector.broadcast %parallel_loop3A_213 : f32 to vector<16xf32>
          %parallel_loop3A_215 = arith.mulf %parallel_loop3A_214, %parallel_loop3A_212 : vector<16xf32>
          %parallel_loop3A_216 = arith.constant 2.08767559E-9 : f32
          %parallel_loop3A_217 = vector.broadcast %parallel_loop3A_216 : f32 to vector<16xf32>
          %parallel_loop3A_218 = arith.addf %parallel_loop3A_215, %parallel_loop3A_217 : vector<16xf32>
          %parallel_loop3A_219 = arith.mulf %parallel_loop3A_218, %parallel_loop3A_212 : vector<16xf32>
          %parallel_loop3A_220 = arith.constant -2.755732E-7 : f32
          %parallel_loop3A_221 = vector.broadcast %parallel_loop3A_220 : f32 to vector<16xf32>
          %parallel_loop3A_222 = arith.addf %parallel_loop3A_219, %parallel_loop3A_221 : vector<16xf32>
          %parallel_loop3A_223 = arith.mulf %parallel_loop3A_222, %parallel_loop3A_212 : vector<16xf32>
          %parallel_loop3A_224 = arith.constant 2.48015876E-5 : f32
          %parallel_loop3A_225 = vector.broadcast %parallel_loop3A_224 : f32 to vector<16xf32>
          %parallel_loop3A_226 = arith.addf %parallel_loop3A_223, %parallel_loop3A_225 : vector<16xf32>
          %parallel_loop3A_227 = arith.mulf %parallel_loop3A_226, %parallel_loop3A_212 : vector<16xf32>
          %parallel_loop3A_228 = arith.constant -0.00138888892 : f32
          %parallel_loop3A_229 = vector.broadcast %parallel_loop3A_228 : f32 to vector<16xf32>
          %parallel_loop3A_230 = arith.addf %parallel_loop3A_227, %parallel_loop3A_229 : vector<16xf32>
          %parallel_loop3A_231 = arith.mulf %parallel_loop3A_230, %parallel_loop3A_212 : vector<16xf32>
          %parallel_loop3A_232 = arith.constant 0.0416666679 : f32
          %parallel_loop3A_233 = vector.broadcast %parallel_loop3A_232 : f32 to vector<16xf32>
          %parallel_loop3A_234 = arith.addf %parallel_loop3A_231, %parallel_loop3A_233 : vector<16xf32>
          %parallel_loop3A_235 = arith.mulf %parallel_loop3A_234, %parallel_loop3A_212 : vector<16xf32>
          %parallel_loop3A_236 = arith.constant -5.000000e-01 : f32
          %parallel_loop3A_237 = vector.broadcast %parallel_loop3A_236 : f32 to vector<16xf32>
          %parallel_loop3A_238 = arith.addf %parallel_loop3A_235, %parallel_loop3A_237 : vector<16xf32>
          %parallel_loop3A_239 = arith.mulf %parallel_loop3A_238, %parallel_loop3A_212 : vector<16xf32>
          %parallel_loop3A_240 = arith.constant 1.000000e+00 : f32
          %parallel_loop3A_241 = vector.broadcast %parallel_loop3A_240 : f32 to vector<16xf32>
          %parallel_loop3A_242 = arith.addf %parallel_loop3A_239, %parallel_loop3A_241 : vector<16xf32>
          %parallel_loop3A_243 = arith.constant 5.000000e+00 : f32
          %parallel_loop3A_244 = vector.broadcast %parallel_loop3A_243 : f32 to vector<16xf32>
          %parallel_loop3A_245 = arith.cmpf olt, %parallel_loop3A_204, %parallel_loop3A_244 : vector<16xf32>
          %parallel_loop3A_246 = arith.mulf %parallel_loop3A_242, %parallel_loop3A_242 : vector<16xf32>
          %parallel_loop3A_247 = arith.constant 0.000000e+00 : f32
          %parallel_loop3A_248 = vector.broadcast %parallel_loop3A_247 : f32 to vector<16xf32>
          %parallel_loop3A_249 = arith.select %parallel_loop3A_245, %parallel_loop3A_246, %parallel_loop3A_248 : vector<16xi1>, vector<16xf32>
          %parallel_loop3A_250 = arith.constant 5.000000e+00 : f32
          %parallel_loop3A_251 = vector.broadcast %parallel_loop3A_250 : f32 to vector<16xf32>
          %parallel_loop3A_252 = arith.minimumf %parallel_loop3A_204, %parallel_loop3A_251 : vector<16xf32>
          %parallel_loop3A_253 = arith.constant 0.000000e+00 : f32
          %parallel_loop3A_254 = arith.constant 6.400000e-01 : f32
          %parallel_loop3A_255 = arith.subf %parallel_loop3A_253, %parallel_loop3A_254 : f32
          %parallel_loop3A_256 = vector.broadcast %parallel_loop3A_255 : f32 to vector<16xf32>
          %parallel_loop3A_257 = arith.mulf %parallel_loop3A_256, %parallel_loop3A_252 : vector<16xf32>
          %parallel_loop3A_258 = arith.mulf %parallel_loop3A_257, %parallel_loop3A_252 : vector<16xf32>
          %parallel_loop3A_259 = math.exp %parallel_loop3A_258 : vector<16xf32>
          %parallel_loop3A_260 = arith.mulf %parallel_loop3A_259, %parallel_loop3A_249 : vector<16xf32>
          %parallel_loop3A_261 = arith.constant 2.13333344 : f32
          %parallel_loop3A_262 = vector.broadcast %parallel_loop3A_261 : f32 to vector<16xf32>
          %parallel_loop3A_263 = arith.mulf %parallel_loop3A_262, %parallel_loop3A_252 : vector<16xf32>
          %parallel_loop3A_264 = math.exp %parallel_loop3A_263 : vector<16xf32>
          %parallel_loop3A_265 = arith.mulf %parallel_loop3A_264, %parallel_loop3A_264 : vector<16xf32>
          %parallel_loop3A_266 = arith.constant 0.169013321 : f32
          %parallel_loop3A_267 = vector.broadcast %parallel_loop3A_266 : f32 to vector<16xf32>
          %parallel_loop3A_268 = arith.mulf %parallel_loop3A_260, %parallel_loop3A_267 : vector<16xf32>
          %parallel_loop3A_269 = arith.mulf %parallel_loop3A_268, %parallel_loop3A_264 : vector<16xf32>
          %parallel_loop3A_270 = arith.constant 8.15987819E-4 : f32
          %parallel_loop3A_271 = vector.broadcast %parallel_loop3A_270 : f32 to vector<16xf32>
          %parallel_loop3A_272 = arith.mulf %parallel_loop3A_260, %parallel_loop3A_271 : vector<16xf32>
          %parallel_loop3A_273 = arith.mulf %parallel_loop3A_272, %parallel_loop3A_265 : vector<16xf32>
          %parallel_loop3A_274 = arith.constant 1.12535176E-7 : f32
          %parallel_loop3A_275 = vector.broadcast %parallel_loop3A_274 : f32 to vector<16xf32>
          %parallel_loop3A_276 = arith.mulf %parallel_loop3A_260, %parallel_loop3A_275 : vector<16xf32>
          %parallel_loop3A_277 = arith.mulf %parallel_loop3A_265, %parallel_loop3A_264 : vector<16xf32>
          %parallel_loop3A_278 = arith.mulf %parallel_loop3A_276, %parallel_loop3A_277 : vector<16xf32>
          %parallel_loop3A_279 = arith.constant 0.282094806 : f32
          %parallel_loop3A_280 = vector.broadcast %parallel_loop3A_279 : f32 to vector<16xf32>
          %parallel_loop3A_281 = arith.constant 0.488602519 : f32
          %parallel_loop3A_282 = vector.broadcast %parallel_loop3A_281 : f32 to vector<16xf32>
          %parallel_loop3A_283 = arith.mulf %parallel_loop3A_282, %parallel_loop3A_164 : vector<16xf32>
          %parallel_loop3A_284 = arith.mulf %parallel_loop3A_283, %parallel_loop3A_203 : vector<16xf32>
          %parallel_loop3A_285 = arith.constant 0.488602519 : f32
          %parallel_loop3A_286 = vector.broadcast %parallel_loop3A_285 : f32 to vector<16xf32>
          %parallel_loop3A_287 = arith.mulf %parallel_loop3A_286, %parallel_loop3A_169 : vector<16xf32>
          %parallel_loop3A_288 = arith.mulf %parallel_loop3A_287, %parallel_loop3A_203 : vector<16xf32>
          %parallel_loop3A_289 = arith.constant 0.488602519 : f32
          %parallel_loop3A_290 = vector.broadcast %parallel_loop3A_289 : f32 to vector<16xf32>
          %parallel_loop3A_291 = arith.mulf %parallel_loop3A_290, %parallel_loop3A_159 : vector<16xf32>
          %parallel_loop3A_292 = arith.mulf %parallel_loop3A_291, %parallel_loop3A_203 : vector<16xf32>
          %parallel_loop3A_293 = arith.constant 1.09254849 : f32
          %parallel_loop3A_294 = vector.broadcast %parallel_loop3A_293 : f32 to vector<16xf32>
          %parallel_loop3A_295 = arith.mulf %parallel_loop3A_294, %parallel_loop3A_159 : vector<16xf32>
          %parallel_loop3A_296 = arith.mulf %parallel_loop3A_295, %parallel_loop3A_164 : vector<16xf32>
          %parallel_loop3A_297 = arith.mulf %parallel_loop3A_296, %parallel_loop3A_205 : vector<16xf32>
          %parallel_loop3A_298 = arith.constant 1.09254849 : f32
          %parallel_loop3A_299 = vector.broadcast %parallel_loop3A_298 : f32 to vector<16xf32>
          %parallel_loop3A_300 = arith.mulf %parallel_loop3A_299, %parallel_loop3A_164 : vector<16xf32>
          %parallel_loop3A_301 = arith.mulf %parallel_loop3A_300, %parallel_loop3A_169 : vector<16xf32>
          %parallel_loop3A_302 = arith.mulf %parallel_loop3A_301, %parallel_loop3A_205 : vector<16xf32>
          %parallel_loop3A_303 = arith.constant 2.000000e+00 : f32
          %parallel_loop3A_304 = vector.broadcast %parallel_loop3A_303 : f32 to vector<16xf32>
          %parallel_loop3A_305 = arith.mulf %parallel_loop3A_304, %parallel_loop3A_169 : vector<16xf32>
          %parallel_loop3A_306 = arith.mulf %parallel_loop3A_305, %parallel_loop3A_169 : vector<16xf32>
          %parallel_loop3A_307 = arith.mulf %parallel_loop3A_159, %parallel_loop3A_159 : vector<16xf32>
          %parallel_loop3A_308 = arith.subf %parallel_loop3A_306, %parallel_loop3A_307 : vector<16xf32>
          %parallel_loop3A_309 = arith.mulf %parallel_loop3A_164, %parallel_loop3A_164 : vector<16xf32>
          %parallel_loop3A_310 = arith.subf %parallel_loop3A_308, %parallel_loop3A_309 : vector<16xf32>
          %parallel_loop3A_311 = arith.constant 0.31539157 : f32
          %parallel_loop3A_312 = vector.broadcast %parallel_loop3A_311 : f32 to vector<16xf32>
          %parallel_loop3A_313 = arith.mulf %parallel_loop3A_312, %parallel_loop3A_310 : vector<16xf32>
          %parallel_loop3A_314 = arith.mulf %parallel_loop3A_313, %parallel_loop3A_205 : vector<16xf32>
          %parallel_loop3A_315 = arith.constant 1.09254849 : f32
          %parallel_loop3A_316 = vector.broadcast %parallel_loop3A_315 : f32 to vector<16xf32>
          %parallel_loop3A_317 = arith.mulf %parallel_loop3A_316, %parallel_loop3A_159 : vector<16xf32>
          %parallel_loop3A_318 = arith.mulf %parallel_loop3A_317, %parallel_loop3A_169 : vector<16xf32>
          %parallel_loop3A_319 = arith.mulf %parallel_loop3A_318, %parallel_loop3A_205 : vector<16xf32>
          %parallel_loop3A_320 = arith.mulf %parallel_loop3A_159, %parallel_loop3A_159 : vector<16xf32>
          %parallel_loop3A_321 = arith.mulf %parallel_loop3A_164, %parallel_loop3A_164 : vector<16xf32>
          %parallel_loop3A_322 = arith.subf %parallel_loop3A_320, %parallel_loop3A_321 : vector<16xf32>
          %parallel_loop3A_323 = arith.constant 0.546274245 : f32
          %parallel_loop3A_324 = vector.broadcast %parallel_loop3A_323 : f32 to vector<16xf32>
          %parallel_loop3A_325 = arith.mulf %parallel_loop3A_324, %parallel_loop3A_322 : vector<16xf32>
          %parallel_loop3A_326 = arith.mulf %parallel_loop3A_325, %parallel_loop3A_205 : vector<16xf32>
          %parallel_loop3A_327 = tpu.iota {dimensions = array<i32: 0>} : vector<16xi32>
          %parallel_loop3A_328 = arith.constant 16 : i32
          %parallel_loop3A_329 = arith.muli %parallel_loop3A_152, %parallel_loop3A_328 : i32
          %parallel_loop3A_330 = vector.broadcast %parallel_loop3A_329 : i32 to vector<16xi32>
          %parallel_loop3A_331 = arith.addi %parallel_loop3A_327, %parallel_loop3A_330 : vector<16xi32>
          %parallel_loop3A_332 = arith.constant 0 : i32
          %parallel_loop3A_333 = vector.broadcast %parallel_loop3A_332 : i32 to vector<16xi32>
          %parallel_loop3A_334 = arith.mulf %parallel_loop3A_280, %parallel_loop3A_260 : vector<16xf32>
          tpu.vector_store_idx %arg24[%parallel_loop3A_331, %parallel_loop3A_333], %parallel_loop3A_334 : memref<256x36xf32, #tpu.memory_space<vmem>>[vector<16xi32>, vector<16xi32>], vector<16xf32>,
          %parallel_loop3A_335 = arith.constant 1 : i32
          %parallel_loop3A_336 = vector.broadcast %parallel_loop3A_335 : i32 to vector<16xi32>
          %parallel_loop3A_337 = arith.mulf %parallel_loop3A_280, %parallel_loop3A_269 : vector<16xf32>
          tpu.vector_store_idx %arg24[%parallel_loop3A_331, %parallel_loop3A_336], %parallel_loop3A_337 : memref<256x36xf32, #tpu.memory_space<vmem>>[vector<16xi32>, vector<16xi32>], vector<16xf32>,
          %parallel_loop3A_338 = arith.constant 2 : i32
          %parallel_loop3A_339 = vector.broadcast %parallel_loop3A_338 : i32 to vector<16xi32>
          %parallel_loop3A_340 = arith.mulf %parallel_loop3A_280, %parallel_loop3A_273 : vector<16xf32>
          tpu.vector_store_idx %arg24[%parallel_loop3A_331, %parallel_loop3A_339], %parallel_loop3A_340 : memref<256x36xf32, #tpu.memory_space<vmem>>[vector<16xi32>, vector<16xi32>], vector<16xf32>,
          %parallel_loop3A_341 = arith.constant 3 : i32
          %parallel_loop3A_342 = vector.broadcast %parallel_loop3A_341 : i32 to vector<16xi32>
          %parallel_loop3A_343 = arith.mulf %parallel_loop3A_280, %parallel_loop3A_278 : vector<16xf32>
          tpu.vector_store_idx %arg24[%parallel_loop3A_331, %parallel_loop3A_342], %parallel_loop3A_343 : memref<256x36xf32, #tpu.memory_space<vmem>>[vector<16xi32>, vector<16xi32>], vector<16xf32>,
          %parallel_loop3A_344 = arith.constant 4 : i32
          %parallel_loop3A_345 = vector.broadcast %parallel_loop3A_344 : i32 to vector<16xi32>
          %parallel_loop3A_346 = arith.mulf %parallel_loop3A_284, %parallel_loop3A_260 : vector<16xf32>
          tpu.vector_store_idx %arg24[%parallel_loop3A_331, %parallel_loop3A_345], %parallel_loop3A_346 : memref<256x36xf32, #tpu.memory_space<vmem>>[vector<16xi32>, vector<16xi32>], vector<16xf32>,
          %parallel_loop3A_347 = arith.constant 5 : i32
          %parallel_loop3A_348 = vector.broadcast %parallel_loop3A_347 : i32 to vector<16xi32>
          %parallel_loop3A_349 = arith.mulf %parallel_loop3A_284, %parallel_loop3A_269 : vector<16xf32>
          tpu.vector_store_idx %arg24[%parallel_loop3A_331, %parallel_loop3A_348], %parallel_loop3A_349 : memref<256x36xf32, #tpu.memory_space<vmem>>[vector<16xi32>, vector<16xi32>], vector<16xf32>,
          %parallel_loop3A_350 = arith.constant 6 : i32
          %parallel_loop3A_351 = vector.broadcast %parallel_loop3A_350 : i32 to vector<16xi32>
          %parallel_loop3A_352 = arith.mulf %parallel_loop3A_284, %parallel_loop3A_273 : vector<16xf32>
          tpu.vector_store_idx %arg24[%parallel_loop3A_331, %parallel_loop3A_351], %parallel_loop3A_352 : memref<256x36xf32, #tpu.memory_space<vmem>>[vector<16xi32>, vector<16xi32>], vector<16xf32>,
          %parallel_loop3A_353 = arith.constant 7 : i32
          %parallel_loop3A_354 = vector.broadcast %parallel_loop3A_353 : i32 to vector<16xi32>
          %parallel_loop3A_355 = arith.mulf %parallel_loop3A_284, %parallel_loop3A_278 : vector<16xf32>
          tpu.vector_store_idx %arg24[%parallel_loop3A_331, %parallel_loop3A_354], %parallel_loop3A_355 : memref<256x36xf32, #tpu.memory_space<vmem>>[vector<16xi32>, vector<16xi32>], vector<16xf32>,
          %parallel_loop3A_356 = arith.constant 8 : i32
          %parallel_loop3A_357 = vector.broadcast %parallel_loop3A_356 : i32 to vector<16xi32>
          %parallel_loop3A_358 = arith.mulf %parallel_loop3A_288, %parallel_loop3A_260 : vector<16xf32>
          tpu.vector_store_idx %arg24[%parallel_loop3A_331, %parallel_loop3A_357], %parallel_loop3A_358 : memref<256x36xf32, #tpu.memory_space<vmem>>[vector<16xi32>, vector<16xi32>], vector<16xf32>,
          %parallel_loop3A_359 = arith.constant 9 : i32
          %parallel_loop3A_360 = vector.broadcast %parallel_loop3A_359 : i32 to vector<16xi32>
          %parallel_loop3A_361 = arith.mulf %parallel_loop3A_288, %parallel_loop3A_269 : vector<16xf32>
          tpu.vector_store_idx %arg24[%parallel_loop3A_331, %parallel_loop3A_360], %parallel_loop3A_361 : memref<256x36xf32, #tpu.memory_space<vmem>>[vector<16xi32>, vector<16xi32>], vector<16xf32>,
          %parallel_loop3A_362 = arith.constant 10 : i32
          %parallel_loop3A_363 = vector.broadcast %parallel_loop3A_362 : i32 to vector<16xi32>
          %parallel_loop3A_364 = arith.mulf %parallel_loop3A_288, %parallel_loop3A_273 : vector<16xf32>
          tpu.vector_store_idx %arg24[%parallel_loop3A_331, %parallel_loop3A_363], %parallel_loop3A_364 : memref<256x36xf32, #tpu.memory_space<vmem>>[vector<16xi32>, vector<16xi32>], vector<16xf32>,
          %parallel_loop3A_365 = arith.constant 11 : i32
          %parallel_loop3A_366 = vector.broadcast %parallel_loop3A_365 : i32 to vector<16xi32>
          %parallel_loop3A_367 = arith.mulf %parallel_loop3A_288, %parallel_loop3A_278 : vector<16xf32>
          tpu.vector_store_idx %arg24[%parallel_loop3A_331, %parallel_loop3A_366], %parallel_loop3A_367 : memref<256x36xf32, #tpu.memory_space<vmem>>[vector<16xi32>, vector<16xi32>], vector<16xf32>,
          %parallel_loop3A_368 = arith.constant 12 : i32
          %parallel_loop3A_369 = vector.broadcast %parallel_loop3A_368 : i32 to vector<16xi32>
          %parallel_loop3A_370 = arith.mulf %parallel_loop3A_292, %parallel_loop3A_260 : vector<16xf32>
          tpu.vector_store_idx %arg24[%parallel_loop3A_331, %parallel_loop3A_369], %parallel_loop3A_370 : memref<256x36xf32, #tpu.memory_space<vmem>>[vector<16xi32>, vector<16xi32>], vector<16xf32>,
          %parallel_loop3A_371 = arith.constant 13 : i32
          %parallel_loop3A_372 = vector.broadcast %parallel_loop3A_371 : i32 to vector<16xi32>
          %parallel_loop3A_373 = arith.mulf %parallel_loop3A_292, %parallel_loop3A_269 : vector<16xf32>
          tpu.vector_store_idx %arg24[%parallel_loop3A_331, %parallel_loop3A_372], %parallel_loop3A_373 : memref<256x36xf32, #tpu.memory_space<vmem>>[vector<16xi32>, vector<16xi32>], vector<16xf32>,
          %parallel_loop3A_374 = arith.constant 14 : i32
          %parallel_loop3A_375 = vector.broadcast %parallel_loop3A_374 : i32 to vector<16xi32>
          %parallel_loop3A_376 = arith.mulf %parallel_loop3A_292, %parallel_loop3A_273 : vector<16xf32>
          tpu.vector_store_idx %arg24[%parallel_loop3A_331, %parallel_loop3A_375], %parallel_loop3A_376 : memref<256x36xf32, #tpu.memory_space<vmem>>[vector<16xi32>, vector<16xi32>], vector<16xf32>,
          %parallel_loop3A_377 = arith.constant 15 : i32
          %parallel_loop3A_378 = vector.broadcast %parallel_loop3A_377 : i32 to vector<16xi32>
          %parallel_loop3A_379 = arith.mulf %parallel_loop3A_292, %parallel_loop3A_278 : vector<16xf32>
          tpu.vector_store_idx %arg24[%parallel_loop3A_331, %parallel_loop3A_378], %parallel_loop3A_379 : memref<256x36xf32, #tpu.memory_space<vmem>>[vector<16xi32>, vector<16xi32>], vector<16xf32>,
          %parallel_loop3A_380 = arith.constant 16 : i32
          %parallel_loop3A_381 = vector.broadcast %parallel_loop3A_380 : i32 to vector<16xi32>
          %parallel_loop3A_382 = arith.mulf %parallel_loop3A_297, %parallel_loop3A_260 : vector<16xf32>
          tpu.vector_store_idx %arg24[%parallel_loop3A_331, %parallel_loop3A_381], %parallel_loop3A_382 : memref<256x36xf32, #tpu.memory_space<vmem>>[vector<16xi32>, vector<16xi32>], vector<16xf32>,
          %parallel_loop3A_383 = arith.constant 17 : i32
          %parallel_loop3A_384 = vector.broadcast %parallel_loop3A_383 : i32 to vector<16xi32>
          %parallel_loop3A_385 = arith.mulf %parallel_loop3A_297, %parallel_loop3A_269 : vector<16xf32>
          tpu.vector_store_idx %arg24[%parallel_loop3A_331, %parallel_loop3A_384], %parallel_loop3A_385 : memref<256x36xf32, #tpu.memory_space<vmem>>[vector<16xi32>, vector<16xi32>], vector<16xf32>,
          %parallel_loop3A_386 = arith.constant 18 : i32
          %parallel_loop3A_387 = vector.broadcast %parallel_loop3A_386 : i32 to vector<16xi32>
          %parallel_loop3A_388 = arith.mulf %parallel_loop3A_297, %parallel_loop3A_273 : vector<16xf32>
          tpu.vector_store_idx %arg24[%parallel_loop3A_331, %parallel_loop3A_387], %parallel_loop3A_388 : memref<256x36xf32, #tpu.memory_space<vmem>>[vector<16xi32>, vector<16xi32>], vector<16xf32>,
          %parallel_loop3A_389 = arith.constant 19 : i32
          %parallel_loop3A_390 = vector.broadcast %parallel_loop3A_389 : i32 to vector<16xi32>
          %parallel_loop3A_391 = arith.mulf %parallel_loop3A_297, %parallel_loop3A_278 : vector<16xf32>
          tpu.vector_store_idx %arg24[%parallel_loop3A_331, %parallel_loop3A_390], %parallel_loop3A_391 : memref<256x36xf32, #tpu.memory_space<vmem>>[vector<16xi32>, vector<16xi32>], vector<16xf32>,
          %parallel_loop3A_392 = arith.constant 20 : i32
          %parallel_loop3A_393 = vector.broadcast %parallel_loop3A_392 : i32 to vector<16xi32>
          %parallel_loop3A_394 = arith.mulf %parallel_loop3A_302, %parallel_loop3A_260 : vector<16xf32>
          tpu.vector_store_idx %arg24[%parallel_loop3A_331, %parallel_loop3A_393], %parallel_loop3A_394 : memref<256x36xf32, #tpu.memory_space<vmem>>[vector<16xi32>, vector<16xi32>], vector<16xf32>,
          %parallel_loop3A_395 = arith.constant 21 : i32
          %parallel_loop3A_396 = vector.broadcast %parallel_loop3A_395 : i32 to vector<16xi32>
          %parallel_loop3A_397 = arith.mulf %parallel_loop3A_302, %parallel_loop3A_269 : vector<16xf32>
          tpu.vector_store_idx %arg24[%parallel_loop3A_331, %parallel_loop3A_396], %parallel_loop3A_397 : memref<256x36xf32, #tpu.memory_space<vmem>>[vector<16xi32>, vector<16xi32>], vector<16xf32>,
          %parallel_loop3A_398 = arith.constant 22 : i32
          %parallel_loop3A_399 = vector.broadcast %parallel_loop3A_398 : i32 to vector<16xi32>
          %parallel_loop3A_400 = arith.mulf %parallel_loop3A_302, %parallel_loop3A_273 : vector<16xf32>
          tpu.vector_store_idx %arg24[%parallel_loop3A_331, %parallel_loop3A_399], %parallel_loop3A_400 : memref<256x36xf32, #tpu.memory_space<vmem>>[vector<16xi32>, vector<16xi32>], vector<16xf32>,
          %parallel_loop3A_401 = arith.constant 23 : i32
          %parallel_loop3A_402 = vector.broadcast %parallel_loop3A_401 : i32 to vector<16xi32>
          %parallel_loop3A_403 = arith.mulf %parallel_loop3A_302, %parallel_loop3A_278 : vector<16xf32>
          tpu.vector_store_idx %arg24[%parallel_loop3A_331, %parallel_loop3A_402], %parallel_loop3A_403 : memref<256x36xf32, #tpu.memory_space<vmem>>[vector<16xi32>, vector<16xi32>], vector<16xf32>,
          %parallel_loop3A_404 = arith.constant 24 : i32
          %parallel_loop3A_405 = vector.broadcast %parallel_loop3A_404 : i32 to vector<16xi32>
          %parallel_loop3A_406 = arith.mulf %parallel_loop3A_314, %parallel_loop3A_260 : vector<16xf32>
          tpu.vector_store_idx %arg24[%parallel_loop3A_331, %parallel_loop3A_405], %parallel_loop3A_406 : memref<256x36xf32, #tpu.memory_space<vmem>>[vector<16xi32>, vector<16xi32>], vector<16xf32>,
          %parallel_loop3A_407 = arith.constant 25 : i32
          %parallel_loop3A_408 = vector.broadcast %parallel_loop3A_407 : i32 to vector<16xi32>
          %parallel_loop3A_409 = arith.mulf %parallel_loop3A_314, %parallel_loop3A_269 : vector<16xf32>
          tpu.vector_store_idx %arg24[%parallel_loop3A_331, %parallel_loop3A_408], %parallel_loop3A_409 : memref<256x36xf32, #tpu.memory_space<vmem>>[vector<16xi32>, vector<16xi32>], vector<16xf32>,
          %parallel_loop3A_410 = arith.constant 26 : i32
          %parallel_loop3A_411 = vector.broadcast %parallel_loop3A_410 : i32 to vector<16xi32>
          %parallel_loop3A_412 = arith.mulf %parallel_loop3A_314, %parallel_loop3A_273 : vector<16xf32>
          tpu.vector_store_idx %arg24[%parallel_loop3A_331, %parallel_loop3A_411], %parallel_loop3A_412 : memref<256x36xf32, #tpu.memory_space<vmem>>[vector<16xi32>, vector<16xi32>], vector<16xf32>,
          %parallel_loop3A_413 = arith.constant 27 : i32
          %parallel_loop3A_414 = vector.broadcast %parallel_loop3A_413 : i32 to vector<16xi32>
          %parallel_loop3A_415 = arith.mulf %parallel_loop3A_314, %parallel_loop3A_278 : vector<16xf32>
          tpu.vector_store_idx %arg24[%parallel_loop3A_331, %parallel_loop3A_414], %parallel_loop3A_415 : memref<256x36xf32, #tpu.memory_space<vmem>>[vector<16xi32>, vector<16xi32>], vector<16xf32>,
          %parallel_loop3A_416 = arith.constant 28 : i32
          %parallel_loop3A_417 = vector.broadcast %parallel_loop3A_416 : i32 to vector<16xi32>
          %parallel_loop3A_418 = arith.mulf %parallel_loop3A_319, %parallel_loop3A_260 : vector<16xf32>
          tpu.vector_store_idx %arg24[%parallel_loop3A_331, %parallel_loop3A_417], %parallel_loop3A_418 : memref<256x36xf32, #tpu.memory_space<vmem>>[vector<16xi32>, vector<16xi32>], vector<16xf32>,
          %parallel_loop3A_419 = arith.constant 29 : i32
          %parallel_loop3A_420 = vector.broadcast %parallel_loop3A_419 : i32 to vector<16xi32>
          %parallel_loop3A_421 = arith.mulf %parallel_loop3A_319, %parallel_loop3A_269 : vector<16xf32>
          tpu.vector_store_idx %arg24[%parallel_loop3A_331, %parallel_loop3A_420], %parallel_loop3A_421 : memref<256x36xf32, #tpu.memory_space<vmem>>[vector<16xi32>, vector<16xi32>], vector<16xf32>,
          %parallel_loop3A_422 = arith.constant 30 : i32
          %parallel_loop3A_423 = vector.broadcast %parallel_loop3A_422 : i32 to vector<16xi32>
          %parallel_loop3A_424 = arith.mulf %parallel_loop3A_319, %parallel_loop3A_273 : vector<16xf32>
          tpu.vector_store_idx %arg24[%parallel_loop3A_331, %parallel_loop3A_423], %parallel_loop3A_424 : memref<256x36xf32, #tpu.memory_space<vmem>>[vector<16xi32>, vector<16xi32>], vector<16xf32>,
          %parallel_loop3A_425 = arith.constant 31 : i32
          %parallel_loop3A_426 = vector.broadcast %parallel_loop3A_425 : i32 to vector<16xi32>
          %parallel_loop3A_427 = arith.mulf %parallel_loop3A_319, %parallel_loop3A_278 : vector<16xf32>
          tpu.vector_store_idx %arg24[%parallel_loop3A_331, %parallel_loop3A_426], %parallel_loop3A_427 : memref<256x36xf32, #tpu.memory_space<vmem>>[vector<16xi32>, vector<16xi32>], vector<16xf32>,
          %parallel_loop3A_428 = arith.constant 32 : i32
          %parallel_loop3A_429 = vector.broadcast %parallel_loop3A_428 : i32 to vector<16xi32>
          %parallel_loop3A_430 = arith.mulf %parallel_loop3A_326, %parallel_loop3A_260 : vector<16xf32>
          tpu.vector_store_idx %arg24[%parallel_loop3A_331, %parallel_loop3A_429], %parallel_loop3A_430 : memref<256x36xf32, #tpu.memory_space<vmem>>[vector<16xi32>, vector<16xi32>], vector<16xf32>,
          %parallel_loop3A_431 = arith.constant 33 : i32
          %parallel_loop3A_432 = vector.broadcast %parallel_loop3A_431 : i32 to vector<16xi32>
          %parallel_loop3A_433 = arith.mulf %parallel_loop3A_326, %parallel_loop3A_269 : vector<16xf32>
          tpu.vector_store_idx %arg24[%parallel_loop3A_331, %parallel_loop3A_432], %parallel_loop3A_433 : memref<256x36xf32, #tpu.memory_space<vmem>>[vector<16xi32>, vector<16xi32>], vector<16xf32>,
          %parallel_loop3A_434 = arith.constant 34 : i32
          %parallel_loop3A_435 = vector.broadcast %parallel_loop3A_434 : i32 to vector<16xi32>
          %parallel_loop3A_436 = arith.mulf %parallel_loop3A_326, %parallel_loop3A_273 : vector<16xf32>
          tpu.vector_store_idx %arg24[%parallel_loop3A_331, %parallel_loop3A_435], %parallel_loop3A_436 : memref<256x36xf32, #tpu.memory_space<vmem>>[vector<16xi32>, vector<16xi32>], vector<16xf32>,
          %parallel_loop3A_437 = arith.constant 35 : i32
          %parallel_loop3A_438 = vector.broadcast %parallel_loop3A_437 : i32 to vector<16xi32>
          %parallel_loop3A_439 = arith.mulf %parallel_loop3A_326, %parallel_loop3A_278 : vector<16xf32>
          tpu.vector_store_idx %arg24[%parallel_loop3A_331, %parallel_loop3A_438], %parallel_loop3A_439 : memref<256x36xf32, #tpu.memory_space<vmem>>[vector<16xi32>, vector<16xi32>], vector<16xf32>,
        } {sc.loop_unroll_factor = 4 : i64, sc.parallel_access}
        %mul3A_143 = arith.constant 32 : i32
        %mul3A_144 = arith.muli %add3A_102, %mul3A_143 : i32
        %add3A_145 = arith.addi %add3A, %mul3A_144 : i32
        %mul3A_146 = arith.constant 256 : i32
        %mul3A_147 = arith.muli %add3A_145, %mul3A_146 : i32
        %dma_start3A_148 = arith.constant 0 : i32
        %dma_start3A_149 = tpu.memref_slice %arg7[%mul3A_147, %dma_start3A_148] : memref<800000x36xf32, #tpu.memory_space<hbm>> -> memref<256x36xf32, #tpu.memory_space<hbm>>
        %dma_start3A_150 = arith.constant 0 : i32
        %dma_start3A_151 = tpu.memref_slice %arg7[%mul3A_147, %dma_start3A_150] : memref<800000x36xf32, #tpu.memory_space<hbm>> -> memref<256x36xf32, #tpu.memory_space<hbm>>
        tpu.enqueue_dma source(%arg24 : memref<256x36xf32, #tpu.memory_space<vmem>>) target(%dma_start3A_151 : memref<256x36xf32, #tpu.memory_space<hbm>>) target_semaphore(%arg33 : memref<!tpu.dma_semaphore, #tpu.memory_space<semaphore_mem>>)
      } else {
      }
      %add3A_106 = arith.constant 1 : i32
      %add3A_107 = arith.addi %add3A_100, %add3A_106 : i32
      %lt3A_108 = arith.cmpi slt, %add3A_107, %add3A_20 : i32
      %convert_element_type3A_109 = arith.extui %lt3A_108 : i1 to i32
      %cond3A_110 = arith.constant 0 : i32
      %cond3A_111 = arith.cmpi ne, %convert_element_type3A_109, %cond3A_110 : i32
      scf.if %cond3A_111 {
        %dma_wait3A_112 = arith.constant 0 : i32
        %dma_wait3A_113 = tpu.memref_slice %arg26[%dma_wait3A_112] : memref<50000xf32, #tpu.memory_space<vmem_shared>> -> memref<50000xf32, #tpu.memory_space<vmem_shared>>
        tpu.wait_indirect_dma semaphore(%arg32 : memref<!tpu.dma_semaphore, #tpu.memory_space<semaphore_mem>>) src(%dma_wait3A_113 : memref<50000xf32, #tpu.memory_space<vmem_shared>>) dst(%arg18 : memref<256xf32, #tpu.memory_space<vmem>>)
        %dma_wait3A_114 = arith.constant 0 : i32
        %dma_wait3A_115 = tpu.memref_slice %arg27[%dma_wait3A_114] : memref<50000xf32, #tpu.memory_space<vmem_shared>> -> memref<50000xf32, #tpu.memory_space<vmem_shared>>
        tpu.wait_indirect_dma semaphore(%arg32 : memref<!tpu.dma_semaphore, #tpu.memory_space<semaphore_mem>>) src(%dma_wait3A_115 : memref<50000xf32, #tpu.memory_space<vmem_shared>>) dst(%arg19 : memref<256xf32, #tpu.memory_space<vmem>>)
        %dma_wait3A_116 = arith.constant 0 : i32
        %dma_wait3A_117 = tpu.memref_slice %arg28[%dma_wait3A_116] : memref<50000xf32, #tpu.memory_space<vmem_shared>> -> memref<50000xf32, #tpu.memory_space<vmem_shared>>
        tpu.wait_indirect_dma semaphore(%arg32 : memref<!tpu.dma_semaphore, #tpu.memory_space<semaphore_mem>>) src(%dma_wait3A_117 : memref<50000xf32, #tpu.memory_space<vmem_shared>>) dst(%arg20 : memref<256xf32, #tpu.memory_space<vmem>>)
        %dma_wait3A_118 = arith.constant 0 : i32
        %dma_wait3A_119 = tpu.memref_slice %arg26[%dma_wait3A_118] : memref<50000xf32, #tpu.memory_space<vmem_shared>> -> memref<50000xf32, #tpu.memory_space<vmem_shared>>
        tpu.wait_indirect_dma semaphore(%arg32 : memref<!tpu.dma_semaphore, #tpu.memory_space<semaphore_mem>>) src(%dma_wait3A_119 : memref<50000xf32, #tpu.memory_space<vmem_shared>>) dst(%arg21 : memref<256xf32, #tpu.memory_space<vmem>>)
        %dma_wait3A_120 = arith.constant 0 : i32
        %dma_wait3A_121 = tpu.memref_slice %arg27[%dma_wait3A_120] : memref<50000xf32, #tpu.memory_space<vmem_shared>> -> memref<50000xf32, #tpu.memory_space<vmem_shared>>
        tpu.wait_indirect_dma semaphore(%arg32 : memref<!tpu.dma_semaphore, #tpu.memory_space<semaphore_mem>>) src(%dma_wait3A_121 : memref<50000xf32, #tpu.memory_space<vmem_shared>>) dst(%arg22 : memref<256xf32, #tpu.memory_space<vmem>>)
        %dma_wait3A_122 = arith.constant 0 : i32
        %dma_wait3A_123 = tpu.memref_slice %arg28[%dma_wait3A_122] : memref<50000xf32, #tpu.memory_space<vmem_shared>> -> memref<50000xf32, #tpu.memory_space<vmem_shared>>
        tpu.wait_indirect_dma semaphore(%arg32 : memref<!tpu.dma_semaphore, #tpu.memory_space<semaphore_mem>>) src(%dma_wait3A_123 : memref<50000xf32, #tpu.memory_space<vmem_shared>>) dst(%arg23 : memref<256xf32, #tpu.memory_space<vmem>>)
        %add3A_124 = arith.constant 2 : i32
        %add3A_125 = arith.addi %add3A_107, %add3A_124 : i32
        %lt3A_126 = arith.cmpi slt, %add3A_125, %add3A_20 : i32
        %convert_element_type3A_127 = arith.extui %lt3A_126 : i1 to i32
        %cond3A_128 = arith.constant 0 : i32
        %cond3A_129 = arith.cmpi ne, %convert_element_type3A_127, %cond3A_128 : i32
        scf.if %cond3A_129 {
          %add3A_152 = arith.constant 2 : i32
          %add3A_153 = arith.addi %add3A_107, %add3A_152 : i32
          %mul3A_154 = arith.constant 32 : i32
          %mul3A_155 = arith.muli %add3A_153, %mul3A_154 : i32
          %add3A_156 = arith.addi %add3A, %mul3A_155 : i32
          %dma_start3A_157 = arith.constant 0 : i32
          %dma_start3A_158 = tpu.memref_slice %arg5[%add3A_156, %dma_start3A_157] : memref<3125x256xi32, #tpu.memory_space<hbm>> -> memref<1x256xi32, #tpu.memory_space<hbm>>
          %dma_start3A_159 = tpu.memref_squeeze %dma_start3A_158 : memref<1x256xi32, #tpu.memory_space<hbm>> -> memref<256xi32, #tpu.memory_space<hbm>>
          %dma_start3A_160 = arith.constant 0 : i32
          %dma_start3A_161 = tpu.memref_slice %arg5[%add3A_156, %dma_start3A_160] : memref<3125x256xi32, #tpu.memory_space<hbm>> -> memref<1x256xi32, #tpu.memory_space<hbm>>
          %dma_start3A_162 = tpu.memref_squeeze %dma_start3A_161 : memref<1x256xi32, #tpu.memory_space<hbm>> -> memref<256xi32, #tpu.memory_space<hbm>>
          tpu.enqueue_dma source(%dma_start3A_162 : memref<256xi32, #tpu.memory_space<hbm>>) target(%arg9 : memref<256xi32, #tpu.memory_space<vmem>>) target_semaphore(%arg30 : memref<!tpu.dma_semaphore, #tpu.memory_space<semaphore_mem>>)
          %mul3A_163 = arith.constant 32 : i32
          %mul3A_164 = arith.muli %add3A_153, %mul3A_163 : i32
          %add3A_165 = arith.addi %add3A, %mul3A_164 : i32
          %dma_start3A_166 = arith.constant 0 : i32
          %dma_start3A_167 = tpu.memref_slice %arg6[%add3A_165, %dma_start3A_166] : memref<3125x256xi32, #tpu.memory_space<hbm>> -> memref<1x256xi32, #tpu.memory_space<hbm>>
          %dma_start3A_168 = tpu.memref_squeeze %dma_start3A_167 : memref<1x256xi32, #tpu.memory_space<hbm>> -> memref<256xi32, #tpu.memory_space<hbm>>
          %dma_start3A_169 = arith.constant 0 : i32
          %dma_start3A_170 = tpu.memref_slice %arg6[%add3A_165, %dma_start3A_169] : memref<3125x256xi32, #tpu.memory_space<hbm>> -> memref<1x256xi32, #tpu.memory_space<hbm>>
          %dma_start3A_171 = tpu.memref_squeeze %dma_start3A_170 : memref<1x256xi32, #tpu.memory_space<hbm>> -> memref<256xi32, #tpu.memory_space<hbm>>
          tpu.enqueue_dma source(%dma_start3A_171 : memref<256xi32, #tpu.memory_space<hbm>>) target(%arg11 : memref<256xi32, #tpu.memory_space<vmem>>) target_semaphore(%arg30 : memref<!tpu.dma_semaphore, #tpu.memory_space<semaphore_mem>>)
        } else {
        }
        %add3A_130 = arith.constant 1 : i32
        %add3A_131 = arith.addi %add3A_107, %add3A_130 : i32
        %lt3A_132 = arith.cmpi slt, %add3A_131, %add3A_20 : i32
        %convert_element_type3A_133 = arith.extui %lt3A_132 : i1 to i32
        %cond3A_134 = arith.constant 0 : i32
        %cond3A_135 = arith.cmpi ne, %convert_element_type3A_133, %cond3A_134 : i32
        scf.if %cond3A_135 {
          %dma_wait3A_152 = arith.constant 0 : i32
          %dma_wait3A_153 = arith.constant 0 : i32
          %dma_wait3A_154 = tpu.memref_slice %arg5[%dma_wait3A_152, %dma_wait3A_153] : memref<3125x256xi32, #tpu.memory_space<hbm>> -> memref<1x256xi32, #tpu.memory_space<hbm>>
          %dma_wait3A_155 = tpu.memref_squeeze %dma_wait3A_154 : memref<1x256xi32, #tpu.memory_space<hbm>> -> memref<256xi32, #tpu.memory_space<hbm>>
          %dma_wait3A_156 = arith.constant 0 : i32
          %dma_wait3A_157 = tpu.memref_slice %arg5[%dma_wait3A_152, %dma_wait3A_156] : memref<3125x256xi32, #tpu.memory_space<hbm>> -> memref<1x256xi32, #tpu.memory_space<hbm>>
          %dma_wait3A_158 = tpu.memref_squeeze %dma_wait3A_157 : memref<1x256xi32, #tpu.memory_space<hbm>> -> memref<256xi32, #tpu.memory_space<hbm>>
          tpu.wait_dma2 semaphore(%arg29 : memref<!tpu.dma_semaphore, #tpu.memory_space<semaphore_mem>>) src(%dma_wait3A_158 : memref<256xi32, #tpu.memory_space<hbm>>) dst(%arg8 : memref<256xi32, #tpu.memory_space<vmem>>)
          %dma_wait3A_159 = arith.constant 0 : i32
          %dma_wait3A_160 = arith.constant 0 : i32
          %dma_wait3A_161 = tpu.memref_slice %arg6[%dma_wait3A_159, %dma_wait3A_160] : memref<3125x256xi32, #tpu.memory_space<hbm>> -> memref<1x256xi32, #tpu.memory_space<hbm>>
          %dma_wait3A_162 = tpu.memref_squeeze %dma_wait3A_161 : memref<1x256xi32, #tpu.memory_space<hbm>> -> memref<256xi32, #tpu.memory_space<hbm>>
          %dma_wait3A_163 = arith.constant 0 : i32
          %dma_wait3A_164 = tpu.memref_slice %arg6[%dma_wait3A_159, %dma_wait3A_163] : memref<3125x256xi32, #tpu.memory_space<hbm>> -> memref<1x256xi32, #tpu.memory_space<hbm>>
          %dma_wait3A_165 = tpu.memref_squeeze %dma_wait3A_164 : memref<1x256xi32, #tpu.memory_space<hbm>> -> memref<256xi32, #tpu.memory_space<hbm>>
          tpu.wait_dma2 semaphore(%arg29 : memref<!tpu.dma_semaphore, #tpu.memory_space<semaphore_mem>>) src(%dma_wait3A_165 : memref<256xi32, #tpu.memory_space<hbm>>) dst(%arg10 : memref<256xi32, #tpu.memory_space<vmem>>)
          %dma_start3A_166 = arith.constant 0 : i32
          %dma_start3A_167 = tpu.memref_slice %arg26[%dma_start3A_166] : memref<50000xf32, #tpu.memory_space<vmem_shared>> -> memref<50000xf32, #tpu.memory_space<vmem_shared>>
          tpu.enqueue_indirect_dma source(%dma_start3A_167 : memref<50000xf32, #tpu.memory_space<vmem_shared>>) target(%arg12 : memref<256xf32, #tpu.memory_space<vmem>>) offsets(%arg8 : memref<256xi32, #tpu.memory_space<vmem>>) semaphore(%arg31 : memref<!tpu.dma_semaphore, #tpu.memory_space<semaphore_mem>>)
          %dma_start3A_168 = arith.constant 0 : i32
          %dma_start3A_169 = tpu.memref_slice %arg27[%dma_start3A_168] : memref<50000xf32, #tpu.memory_space<vmem_shared>> -> memref<50000xf32, #tpu.memory_space<vmem_shared>>
          tpu.enqueue_indirect_dma source(%dma_start3A_169 : memref<50000xf32, #tpu.memory_space<vmem_shared>>) target(%arg13 : memref<256xf32, #tpu.memory_space<vmem>>) offsets(%arg8 : memref<256xi32, #tpu.memory_space<vmem>>) semaphore(%arg31 : memref<!tpu.dma_semaphore, #tpu.memory_space<semaphore_mem>>)
          %dma_start3A_170 = arith.constant 0 : i32
          %dma_start3A_171 = tpu.memref_slice %arg28[%dma_start3A_170] : memref<50000xf32, #tpu.memory_space<vmem_shared>> -> memref<50000xf32, #tpu.memory_space<vmem_shared>>
          tpu.enqueue_indirect_dma source(%dma_start3A_171 : memref<50000xf32, #tpu.memory_space<vmem_shared>>) target(%arg14 : memref<256xf32, #tpu.memory_space<vmem>>) offsets(%arg8 : memref<256xi32, #tpu.memory_space<vmem>>) semaphore(%arg31 : memref<!tpu.dma_semaphore, #tpu.memory_space<semaphore_mem>>)
          %dma_start3A_172 = arith.constant 0 : i32
          %dma_start3A_173 = tpu.memref_slice %arg26[%dma_start3A_172] : memref<50000xf32, #tpu.memory_space<vmem_shared>> -> memref<50000xf32, #tpu.memory_space<vmem_shared>>
          tpu.enqueue_indirect_dma source(%dma_start3A_173 : memref<50000xf32, #tpu.memory_space<vmem_shared>>) target(%arg15 : memref<256xf32, #tpu.memory_space<vmem>>) offsets(%arg10 : memref<256xi32, #tpu.memory_space<vmem>>) semaphore(%arg31 : memref<!tpu.dma_semaphore, #tpu.memory_space<semaphore_mem>>)
          %dma_start3A_174 = arith.constant 0 : i32
          %dma_start3A_175 = tpu.memref_slice %arg27[%dma_start3A_174] : memref<50000xf32, #tpu.memory_space<vmem_shared>> -> memref<50000xf32, #tpu.memory_space<vmem_shared>>
          tpu.enqueue_indirect_dma source(%dma_start3A_175 : memref<50000xf32, #tpu.memory_space<vmem_shared>>) target(%arg16 : memref<256xf32, #tpu.memory_space<vmem>>) offsets(%arg10 : memref<256xi32, #tpu.memory_space<vmem>>) semaphore(%arg31 : memref<!tpu.dma_semaphore, #tpu.memory_space<semaphore_mem>>)
          %dma_start3A_176 = arith.constant 0 : i32
          %dma_start3A_177 = tpu.memref_slice %arg28[%dma_start3A_176] : memref<50000xf32, #tpu.memory_space<vmem_shared>> -> memref<50000xf32, #tpu.memory_space<vmem_shared>>
          tpu.enqueue_indirect_dma source(%dma_start3A_177 : memref<50000xf32, #tpu.memory_space<vmem_shared>>) target(%arg17 : memref<256xf32, #tpu.memory_space<vmem>>) offsets(%arg10 : memref<256xi32, #tpu.memory_space<vmem>>) semaphore(%arg31 : memref<!tpu.dma_semaphore, #tpu.memory_space<semaphore_mem>>)
        } else {
        }
        %ge3A_136 = arith.constant 2 : i32
        %ge3A_137 = arith.cmpi sge, %add3A_107, %ge3A_136 : i32
        %convert_element_type3A_138 = arith.extui %ge3A_137 : i1 to i32
        %cond3A_139 = arith.constant 0 : i32
        %cond3A_140 = arith.cmpi ne, %convert_element_type3A_138, %cond3A_139 : i32
        scf.if %cond3A_140 {
          %dma_wait3A_152 = arith.constant 0 : i32
          %dma_wait3A_153 = arith.constant 0 : i32
          %dma_wait3A_154 = tpu.memref_slice %arg7[%dma_wait3A_152, %dma_wait3A_153] : memref<800000x36xf32, #tpu.memory_space<hbm>> -> memref<256x36xf32, #tpu.memory_space<hbm>>
          %dma_wait3A_155 = arith.constant 0 : i32
          %dma_wait3A_156 = arith.constant 0 : i32
          %dma_wait3A_157 = tpu.memref_slice %arg7[%dma_wait3A_155, %dma_wait3A_156] : memref<800000x36xf32, #tpu.memory_space<hbm>> -> memref<256x36xf32, #tpu.memory_space<hbm>>
          tpu.wait_dma2 semaphore(%arg34 : memref<!tpu.dma_semaphore, #tpu.memory_space<semaphore_mem>>) src(%arg25 : memref<256x36xf32, #tpu.memory_space<vmem>>) dst(%dma_wait3A_157 : memref<256x36xf32, #tpu.memory_space<hbm>>)
        } else {
        }
        %parallel_loop3A = arith.constant 0 : i32
        %parallel_loop3A_141 = arith.constant 16 : i32
        %parallel_loop3A_142 = arith.constant 1 : i32
        scf.for %parallel_loop3A_152 = %parallel_loop3A to %parallel_loop3A_141 step %parallel_loop3A_142  : i32 {
          %parallel_loop3A_153 = arith.constant 16 : i32
          %parallel_loop3A_154 = arith.muli %parallel_loop3A_152, %parallel_loop3A_153 : i32
          %parallel_loop3A_155 = arith.index_cast %parallel_loop3A_154 : i32 to index
          %parallel_loop3A_156 = tpu.vector_load %arg21[%parallel_loop3A_155] {strides = array<i32>} : memref<256xf32, #tpu.memory_space<vmem>>, vector<16xf32>,
          %parallel_loop3A_157 = arith.index_cast %parallel_loop3A_154 : i32 to index
          %parallel_loop3A_158 = tpu.vector_load %arg18[%parallel_loop3A_157] {strides = array<i32>} : memref<256xf32, #tpu.memory_space<vmem>>, vector<16xf32>,
          %parallel_loop3A_159 = arith.subf %parallel_loop3A_156, %parallel_loop3A_158 : vector<16xf32>
          %parallel_loop3A_160 = arith.index_cast %parallel_loop3A_154 : i32 to index
          %parallel_loop3A_161 = tpu.vector_load %arg22[%parallel_loop3A_160] {strides = array<i32>} : memref<256xf32, #tpu.memory_space<vmem>>, vector<16xf32>,
          %parallel_loop3A_162 = arith.index_cast %parallel_loop3A_154 : i32 to index
          %parallel_loop3A_163 = tpu.vector_load %arg19[%parallel_loop3A_162] {strides = array<i32>} : memref<256xf32, #tpu.memory_space<vmem>>, vector<16xf32>,
          %parallel_loop3A_164 = arith.subf %parallel_loop3A_161, %parallel_loop3A_163 : vector<16xf32>
          %parallel_loop3A_165 = arith.index_cast %parallel_loop3A_154 : i32 to index
          %parallel_loop3A_166 = tpu.vector_load %arg23[%parallel_loop3A_165] {strides = array<i32>} : memref<256xf32, #tpu.memory_space<vmem>>, vector<16xf32>,
          %parallel_loop3A_167 = arith.index_cast %parallel_loop3A_154 : i32 to index
          %parallel_loop3A_168 = tpu.vector_load %arg20[%parallel_loop3A_167] {strides = array<i32>} : memref<256xf32, #tpu.memory_space<vmem>>, vector<16xf32>,
          %parallel_loop3A_169 = arith.subf %parallel_loop3A_166, %parallel_loop3A_168 : vector<16xf32>
          %parallel_loop3A_170 = arith.mulf %parallel_loop3A_159, %parallel_loop3A_159 : vector<16xf32>
          %parallel_loop3A_171 = arith.mulf %parallel_loop3A_164, %parallel_loop3A_164 : vector<16xf32>
          %parallel_loop3A_172 = arith.addf %parallel_loop3A_170, %parallel_loop3A_171 : vector<16xf32>
          %parallel_loop3A_173 = arith.mulf %parallel_loop3A_169, %parallel_loop3A_169 : vector<16xf32>
          %parallel_loop3A_174 = arith.addf %parallel_loop3A_172, %parallel_loop3A_173 : vector<16xf32>
          %parallel_loop3A_175 = arith.constant 9.99999996E-13 : f32
          %parallel_loop3A_176 = vector.broadcast %parallel_loop3A_175 : f32 to vector<16xf32>
          %parallel_loop3A_177 = arith.addf %parallel_loop3A_174, %parallel_loop3A_176 : vector<16xf32>
          %parallel_loop3A_178 = tpu.bitcast %parallel_loop3A_177 : vector<16xf32> -> vector<16xi32>
          %parallel_loop3A_179 = arith.constant 1 : i32
          %parallel_loop3A_180 = vector.broadcast %parallel_loop3A_179 : i32 to vector<16xi32>
          %parallel_loop3A_181 = arith.shrsi %parallel_loop3A_178, %parallel_loop3A_180 : vector<16xi32>
          %parallel_loop3A_182 = arith.constant 1597463007 : i32
          %parallel_loop3A_183 = vector.broadcast %parallel_loop3A_182 : i32 to vector<16xi32>
          %parallel_loop3A_184 = arith.subi %parallel_loop3A_183, %parallel_loop3A_181 : vector<16xi32>
          %parallel_loop3A_185 = tpu.bitcast %parallel_loop3A_184 : vector<16xi32> -> vector<16xf32>
          %parallel_loop3A_186 = arith.constant 5.000000e-01 : f32
          %parallel_loop3A_187 = vector.broadcast %parallel_loop3A_186 : f32 to vector<16xf32>
          %parallel_loop3A_188 = arith.mulf %parallel_loop3A_187, %parallel_loop3A_177 : vector<16xf32>
          %parallel_loop3A_189 = arith.mulf %parallel_loop3A_188, %parallel_loop3A_185 : vector<16xf32>
          %parallel_loop3A_190 = arith.mulf %parallel_loop3A_189, %parallel_loop3A_185 : vector<16xf32>
          %parallel_loop3A_191 = arith.constant 1.500000e+00 : f32
          %parallel_loop3A_192 = vector.broadcast %parallel_loop3A_191 : f32 to vector<16xf32>
          %parallel_loop3A_193 = arith.subf %parallel_loop3A_192, %parallel_loop3A_190 : vector<16xf32>
          %parallel_loop3A_194 = arith.mulf %parallel_loop3A_185, %parallel_loop3A_193 : vector<16xf32>
          %parallel_loop3A_195 = arith.constant 5.000000e-01 : f32
          %parallel_loop3A_196 = vector.broadcast %parallel_loop3A_195 : f32 to vector<16xf32>
          %parallel_loop3A_197 = arith.mulf %parallel_loop3A_196, %parallel_loop3A_177 : vector<16xf32>
          %parallel_loop3A_198 = arith.mulf %parallel_loop3A_197, %parallel_loop3A_194 : vector<16xf32>
          %parallel_loop3A_199 = arith.mulf %parallel_loop3A_198, %parallel_loop3A_194 : vector<16xf32>
          %parallel_loop3A_200 = arith.constant 1.500000e+00 : f32
          %parallel_loop3A_201 = vector.broadcast %parallel_loop3A_200 : f32 to vector<16xf32>
          %parallel_loop3A_202 = arith.subf %parallel_loop3A_201, %parallel_loop3A_199 : vector<16xf32>
          %parallel_loop3A_203 = arith.mulf %parallel_loop3A_194, %parallel_loop3A_202 : vector<16xf32>
          %parallel_loop3A_204 = arith.mulf %parallel_loop3A_177, %parallel_loop3A_203 : vector<16xf32>
          %parallel_loop3A_205 = arith.mulf %parallel_loop3A_203, %parallel_loop3A_203 : vector<16xf32>
          %parallel_loop3A_206 = arith.constant 0.314159274 : f32
          %parallel_loop3A_207 = vector.broadcast %parallel_loop3A_206 : f32 to vector<16xf32>
          %parallel_loop3A_208 = arith.mulf %parallel_loop3A_207, %parallel_loop3A_204 : vector<16xf32>
          %parallel_loop3A_209 = arith.constant 1.57079637 : f32
          %parallel_loop3A_210 = vector.broadcast %parallel_loop3A_209 : f32 to vector<16xf32>
          %parallel_loop3A_211 = arith.minimumf %parallel_loop3A_208, %parallel_loop3A_210 : vector<16xf32>
          %parallel_loop3A_212 = arith.mulf %parallel_loop3A_211, %parallel_loop3A_211 : vector<16xf32>
          %parallel_loop3A_213 = arith.constant -1.14707454E-11 : f32
          %parallel_loop3A_214 = vector.broadcast %parallel_loop3A_213 : f32 to vector<16xf32>
          %parallel_loop3A_215 = arith.mulf %parallel_loop3A_214, %parallel_loop3A_212 : vector<16xf32>
          %parallel_loop3A_216 = arith.constant 2.08767559E-9 : f32
          %parallel_loop3A_217 = vector.broadcast %parallel_loop3A_216 : f32 to vector<16xf32>
          %parallel_loop3A_218 = arith.addf %parallel_loop3A_215, %parallel_loop3A_217 : vector<16xf32>
          %parallel_loop3A_219 = arith.mulf %parallel_loop3A_218, %parallel_loop3A_212 : vector<16xf32>
          %parallel_loop3A_220 = arith.constant -2.755732E-7 : f32
          %parallel_loop3A_221 = vector.broadcast %parallel_loop3A_220 : f32 to vector<16xf32>
          %parallel_loop3A_222 = arith.addf %parallel_loop3A_219, %parallel_loop3A_221 : vector<16xf32>
          %parallel_loop3A_223 = arith.mulf %parallel_loop3A_222, %parallel_loop3A_212 : vector<16xf32>
          %parallel_loop3A_224 = arith.constant 2.48015876E-5 : f32
          %parallel_loop3A_225 = vector.broadcast %parallel_loop3A_224 : f32 to vector<16xf32>
          %parallel_loop3A_226 = arith.addf %parallel_loop3A_223, %parallel_loop3A_225 : vector<16xf32>
          %parallel_loop3A_227 = arith.mulf %parallel_loop3A_226, %parallel_loop3A_212 : vector<16xf32>
          %parallel_loop3A_228 = arith.constant -0.00138888892 : f32
          %parallel_loop3A_229 = vector.broadcast %parallel_loop3A_228 : f32 to vector<16xf32>
          %parallel_loop3A_230 = arith.addf %parallel_loop3A_227, %parallel_loop3A_229 : vector<16xf32>
          %parallel_loop3A_231 = arith.mulf %parallel_loop3A_230, %parallel_loop3A_212 : vector<16xf32>
          %parallel_loop3A_232 = arith.constant 0.0416666679 : f32
          %parallel_loop3A_233 = vector.broadcast %parallel_loop3A_232 : f32 to vector<16xf32>
          %parallel_loop3A_234 = arith.addf %parallel_loop3A_231, %parallel_loop3A_233 : vector<16xf32>
          %parallel_loop3A_235 = arith.mulf %parallel_loop3A_234, %parallel_loop3A_212 : vector<16xf32>
          %parallel_loop3A_236 = arith.constant -5.000000e-01 : f32
          %parallel_loop3A_237 = vector.broadcast %parallel_loop3A_236 : f32 to vector<16xf32>
          %parallel_loop3A_238 = arith.addf %parallel_loop3A_235, %parallel_loop3A_237 : vector<16xf32>
          %parallel_loop3A_239 = arith.mulf %parallel_loop3A_238, %parallel_loop3A_212 : vector<16xf32>
          %parallel_loop3A_240 = arith.constant 1.000000e+00 : f32
          %parallel_loop3A_241 = vector.broadcast %parallel_loop3A_240 : f32 to vector<16xf32>
          %parallel_loop3A_242 = arith.addf %parallel_loop3A_239, %parallel_loop3A_241 : vector<16xf32>
          %parallel_loop3A_243 = arith.constant 5.000000e+00 : f32
          %parallel_loop3A_244 = vector.broadcast %parallel_loop3A_243 : f32 to vector<16xf32>
          %parallel_loop3A_245 = arith.cmpf olt, %parallel_loop3A_204, %parallel_loop3A_244 : vector<16xf32>
          %parallel_loop3A_246 = arith.mulf %parallel_loop3A_242, %parallel_loop3A_242 : vector<16xf32>
          %parallel_loop3A_247 = arith.constant 0.000000e+00 : f32
          %parallel_loop3A_248 = vector.broadcast %parallel_loop3A_247 : f32 to vector<16xf32>
          %parallel_loop3A_249 = arith.select %parallel_loop3A_245, %parallel_loop3A_246, %parallel_loop3A_248 : vector<16xi1>, vector<16xf32>
          %parallel_loop3A_250 = arith.constant 5.000000e+00 : f32
          %parallel_loop3A_251 = vector.broadcast %parallel_loop3A_250 : f32 to vector<16xf32>
          %parallel_loop3A_252 = arith.minimumf %parallel_loop3A_204, %parallel_loop3A_251 : vector<16xf32>
          %parallel_loop3A_253 = arith.constant 0.000000e+00 : f32
          %parallel_loop3A_254 = arith.constant 6.400000e-01 : f32
          %parallel_loop3A_255 = arith.subf %parallel_loop3A_253, %parallel_loop3A_254 : f32
          %parallel_loop3A_256 = vector.broadcast %parallel_loop3A_255 : f32 to vector<16xf32>
          %parallel_loop3A_257 = arith.mulf %parallel_loop3A_256, %parallel_loop3A_252 : vector<16xf32>
          %parallel_loop3A_258 = arith.mulf %parallel_loop3A_257, %parallel_loop3A_252 : vector<16xf32>
          %parallel_loop3A_259 = math.exp %parallel_loop3A_258 : vector<16xf32>
          %parallel_loop3A_260 = arith.mulf %parallel_loop3A_259, %parallel_loop3A_249 : vector<16xf32>
          %parallel_loop3A_261 = arith.constant 2.13333344 : f32
          %parallel_loop3A_262 = vector.broadcast %parallel_loop3A_261 : f32 to vector<16xf32>
          %parallel_loop3A_263 = arith.mulf %parallel_loop3A_262, %parallel_loop3A_252 : vector<16xf32>
          %parallel_loop3A_264 = math.exp %parallel_loop3A_263 : vector<16xf32>
          %parallel_loop3A_265 = arith.mulf %parallel_loop3A_264, %parallel_loop3A_264 : vector<16xf32>
          %parallel_loop3A_266 = arith.constant 0.169013321 : f32
          %parallel_loop3A_267 = vector.broadcast %parallel_loop3A_266 : f32 to vector<16xf32>
          %parallel_loop3A_268 = arith.mulf %parallel_loop3A_260, %parallel_loop3A_267 : vector<16xf32>
          %parallel_loop3A_269 = arith.mulf %parallel_loop3A_268, %parallel_loop3A_264 : vector<16xf32>
          %parallel_loop3A_270 = arith.constant 8.15987819E-4 : f32
          %parallel_loop3A_271 = vector.broadcast %parallel_loop3A_270 : f32 to vector<16xf32>
          %parallel_loop3A_272 = arith.mulf %parallel_loop3A_260, %parallel_loop3A_271 : vector<16xf32>
          %parallel_loop3A_273 = arith.mulf %parallel_loop3A_272, %parallel_loop3A_265 : vector<16xf32>
          %parallel_loop3A_274 = arith.constant 1.12535176E-7 : f32
          %parallel_loop3A_275 = vector.broadcast %parallel_loop3A_274 : f32 to vector<16xf32>
          %parallel_loop3A_276 = arith.mulf %parallel_loop3A_260, %parallel_loop3A_275 : vector<16xf32>
          %parallel_loop3A_277 = arith.mulf %parallel_loop3A_265, %parallel_loop3A_264 : vector<16xf32>
          %parallel_loop3A_278 = arith.mulf %parallel_loop3A_276, %parallel_loop3A_277 : vector<16xf32>
          %parallel_loop3A_279 = arith.constant 0.282094806 : f32
          %parallel_loop3A_280 = vector.broadcast %parallel_loop3A_279 : f32 to vector<16xf32>
          %parallel_loop3A_281 = arith.constant 0.488602519 : f32
          %parallel_loop3A_282 = vector.broadcast %parallel_loop3A_281 : f32 to vector<16xf32>
          %parallel_loop3A_283 = arith.mulf %parallel_loop3A_282, %parallel_loop3A_164 : vector<16xf32>
          %parallel_loop3A_284 = arith.mulf %parallel_loop3A_283, %parallel_loop3A_203 : vector<16xf32>
          %parallel_loop3A_285 = arith.constant 0.488602519 : f32
          %parallel_loop3A_286 = vector.broadcast %parallel_loop3A_285 : f32 to vector<16xf32>
          %parallel_loop3A_287 = arith.mulf %parallel_loop3A_286, %parallel_loop3A_169 : vector<16xf32>
          %parallel_loop3A_288 = arith.mulf %parallel_loop3A_287, %parallel_loop3A_203 : vector<16xf32>
          %parallel_loop3A_289 = arith.constant 0.488602519 : f32
          %parallel_loop3A_290 = vector.broadcast %parallel_loop3A_289 : f32 to vector<16xf32>
          %parallel_loop3A_291 = arith.mulf %parallel_loop3A_290, %parallel_loop3A_159 : vector<16xf32>
          %parallel_loop3A_292 = arith.mulf %parallel_loop3A_291, %parallel_loop3A_203 : vector<16xf32>
          %parallel_loop3A_293 = arith.constant 1.09254849 : f32
          %parallel_loop3A_294 = vector.broadcast %parallel_loop3A_293 : f32 to vector<16xf32>
          %parallel_loop3A_295 = arith.mulf %parallel_loop3A_294, %parallel_loop3A_159 : vector<16xf32>
          %parallel_loop3A_296 = arith.mulf %parallel_loop3A_295, %parallel_loop3A_164 : vector<16xf32>
          %parallel_loop3A_297 = arith.mulf %parallel_loop3A_296, %parallel_loop3A_205 : vector<16xf32>
          %parallel_loop3A_298 = arith.constant 1.09254849 : f32
          %parallel_loop3A_299 = vector.broadcast %parallel_loop3A_298 : f32 to vector<16xf32>
          %parallel_loop3A_300 = arith.mulf %parallel_loop3A_299, %parallel_loop3A_164 : vector<16xf32>
          %parallel_loop3A_301 = arith.mulf %parallel_loop3A_300, %parallel_loop3A_169 : vector<16xf32>
          %parallel_loop3A_302 = arith.mulf %parallel_loop3A_301, %parallel_loop3A_205 : vector<16xf32>
          %parallel_loop3A_303 = arith.constant 2.000000e+00 : f32
          %parallel_loop3A_304 = vector.broadcast %parallel_loop3A_303 : f32 to vector<16xf32>
          %parallel_loop3A_305 = arith.mulf %parallel_loop3A_304, %parallel_loop3A_169 : vector<16xf32>
          %parallel_loop3A_306 = arith.mulf %parallel_loop3A_305, %parallel_loop3A_169 : vector<16xf32>
          %parallel_loop3A_307 = arith.mulf %parallel_loop3A_159, %parallel_loop3A_159 : vector<16xf32>
          %parallel_loop3A_308 = arith.subf %parallel_loop3A_306, %parallel_loop3A_307 : vector<16xf32>
          %parallel_loop3A_309 = arith.mulf %parallel_loop3A_164, %parallel_loop3A_164 : vector<16xf32>
          %parallel_loop3A_310 = arith.subf %parallel_loop3A_308, %parallel_loop3A_309 : vector<16xf32>
          %parallel_loop3A_311 = arith.constant 0.31539157 : f32
          %parallel_loop3A_312 = vector.broadcast %parallel_loop3A_311 : f32 to vector<16xf32>
          %parallel_loop3A_313 = arith.mulf %parallel_loop3A_312, %parallel_loop3A_310 : vector<16xf32>
          %parallel_loop3A_314 = arith.mulf %parallel_loop3A_313, %parallel_loop3A_205 : vector<16xf32>
          %parallel_loop3A_315 = arith.constant 1.09254849 : f32
          %parallel_loop3A_316 = vector.broadcast %parallel_loop3A_315 : f32 to vector<16xf32>
          %parallel_loop3A_317 = arith.mulf %parallel_loop3A_316, %parallel_loop3A_159 : vector<16xf32>
          %parallel_loop3A_318 = arith.mulf %parallel_loop3A_317, %parallel_loop3A_169 : vector<16xf32>
          %parallel_loop3A_319 = arith.mulf %parallel_loop3A_318, %parallel_loop3A_205 : vector<16xf32>
          %parallel_loop3A_320 = arith.mulf %parallel_loop3A_159, %parallel_loop3A_159 : vector<16xf32>
          %parallel_loop3A_321 = arith.mulf %parallel_loop3A_164, %parallel_loop3A_164 : vector<16xf32>
          %parallel_loop3A_322 = arith.subf %parallel_loop3A_320, %parallel_loop3A_321 : vector<16xf32>
          %parallel_loop3A_323 = arith.constant 0.546274245 : f32
          %parallel_loop3A_324 = vector.broadcast %parallel_loop3A_323 : f32 to vector<16xf32>
          %parallel_loop3A_325 = arith.mulf %parallel_loop3A_324, %parallel_loop3A_322 : vector<16xf32>
          %parallel_loop3A_326 = arith.mulf %parallel_loop3A_325, %parallel_loop3A_205 : vector<16xf32>
          %parallel_loop3A_327 = tpu.iota {dimensions = array<i32: 0>} : vector<16xi32>
          %parallel_loop3A_328 = arith.constant 16 : i32
          %parallel_loop3A_329 = arith.muli %parallel_loop3A_152, %parallel_loop3A_328 : i32
          %parallel_loop3A_330 = vector.broadcast %parallel_loop3A_329 : i32 to vector<16xi32>
          %parallel_loop3A_331 = arith.addi %parallel_loop3A_327, %parallel_loop3A_330 : vector<16xi32>
          %parallel_loop3A_332 = arith.constant 0 : i32
          %parallel_loop3A_333 = vector.broadcast %parallel_loop3A_332 : i32 to vector<16xi32>
          %parallel_loop3A_334 = arith.mulf %parallel_loop3A_280, %parallel_loop3A_260 : vector<16xf32>
          tpu.vector_store_idx %arg25[%parallel_loop3A_331, %parallel_loop3A_333], %parallel_loop3A_334 : memref<256x36xf32, #tpu.memory_space<vmem>>[vector<16xi32>, vector<16xi32>], vector<16xf32>,
          %parallel_loop3A_335 = arith.constant 1 : i32
          %parallel_loop3A_336 = vector.broadcast %parallel_loop3A_335 : i32 to vector<16xi32>
          %parallel_loop3A_337 = arith.mulf %parallel_loop3A_280, %parallel_loop3A_269 : vector<16xf32>
          tpu.vector_store_idx %arg25[%parallel_loop3A_331, %parallel_loop3A_336], %parallel_loop3A_337 : memref<256x36xf32, #tpu.memory_space<vmem>>[vector<16xi32>, vector<16xi32>], vector<16xf32>,
          %parallel_loop3A_338 = arith.constant 2 : i32
          %parallel_loop3A_339 = vector.broadcast %parallel_loop3A_338 : i32 to vector<16xi32>
          %parallel_loop3A_340 = arith.mulf %parallel_loop3A_280, %parallel_loop3A_273 : vector<16xf32>
          tpu.vector_store_idx %arg25[%parallel_loop3A_331, %parallel_loop3A_339], %parallel_loop3A_340 : memref<256x36xf32, #tpu.memory_space<vmem>>[vector<16xi32>, vector<16xi32>], vector<16xf32>,
          %parallel_loop3A_341 = arith.constant 3 : i32
          %parallel_loop3A_342 = vector.broadcast %parallel_loop3A_341 : i32 to vector<16xi32>
          %parallel_loop3A_343 = arith.mulf %parallel_loop3A_280, %parallel_loop3A_278 : vector<16xf32>
          tpu.vector_store_idx %arg25[%parallel_loop3A_331, %parallel_loop3A_342], %parallel_loop3A_343 : memref<256x36xf32, #tpu.memory_space<vmem>>[vector<16xi32>, vector<16xi32>], vector<16xf32>,
          %parallel_loop3A_344 = arith.constant 4 : i32
          %parallel_loop3A_345 = vector.broadcast %parallel_loop3A_344 : i32 to vector<16xi32>
          %parallel_loop3A_346 = arith.mulf %parallel_loop3A_284, %parallel_loop3A_260 : vector<16xf32>
          tpu.vector_store_idx %arg25[%parallel_loop3A_331, %parallel_loop3A_345], %parallel_loop3A_346 : memref<256x36xf32, #tpu.memory_space<vmem>>[vector<16xi32>, vector<16xi32>], vector<16xf32>,
          %parallel_loop3A_347 = arith.constant 5 : i32
          %parallel_loop3A_348 = vector.broadcast %parallel_loop3A_347 : i32 to vector<16xi32>
          %parallel_loop3A_349 = arith.mulf %parallel_loop3A_284, %parallel_loop3A_269 : vector<16xf32>
          tpu.vector_store_idx %arg25[%parallel_loop3A_331, %parallel_loop3A_348], %parallel_loop3A_349 : memref<256x36xf32, #tpu.memory_space<vmem>>[vector<16xi32>, vector<16xi32>], vector<16xf32>,
          %parallel_loop3A_350 = arith.constant 6 : i32
          %parallel_loop3A_351 = vector.broadcast %parallel_loop3A_350 : i32 to vector<16xi32>
          %parallel_loop3A_352 = arith.mulf %parallel_loop3A_284, %parallel_loop3A_273 : vector<16xf32>
          tpu.vector_store_idx %arg25[%parallel_loop3A_331, %parallel_loop3A_351], %parallel_loop3A_352 : memref<256x36xf32, #tpu.memory_space<vmem>>[vector<16xi32>, vector<16xi32>], vector<16xf32>,
          %parallel_loop3A_353 = arith.constant 7 : i32
          %parallel_loop3A_354 = vector.broadcast %parallel_loop3A_353 : i32 to vector<16xi32>
          %parallel_loop3A_355 = arith.mulf %parallel_loop3A_284, %parallel_loop3A_278 : vector<16xf32>
          tpu.vector_store_idx %arg25[%parallel_loop3A_331, %parallel_loop3A_354], %parallel_loop3A_355 : memref<256x36xf32, #tpu.memory_space<vmem>>[vector<16xi32>, vector<16xi32>], vector<16xf32>,
          %parallel_loop3A_356 = arith.constant 8 : i32
          %parallel_loop3A_357 = vector.broadcast %parallel_loop3A_356 : i32 to vector<16xi32>
          %parallel_loop3A_358 = arith.mulf %parallel_loop3A_288, %parallel_loop3A_260 : vector<16xf32>
          tpu.vector_store_idx %arg25[%parallel_loop3A_331, %parallel_loop3A_357], %parallel_loop3A_358 : memref<256x36xf32, #tpu.memory_space<vmem>>[vector<16xi32>, vector<16xi32>], vector<16xf32>,
          %parallel_loop3A_359 = arith.constant 9 : i32
          %parallel_loop3A_360 = vector.broadcast %parallel_loop3A_359 : i32 to vector<16xi32>
          %parallel_loop3A_361 = arith.mulf %parallel_loop3A_288, %parallel_loop3A_269 : vector<16xf32>
          tpu.vector_store_idx %arg25[%parallel_loop3A_331, %parallel_loop3A_360], %parallel_loop3A_361 : memref<256x36xf32, #tpu.memory_space<vmem>>[vector<16xi32>, vector<16xi32>], vector<16xf32>,
          %parallel_loop3A_362 = arith.constant 10 : i32
          %parallel_loop3A_363 = vector.broadcast %parallel_loop3A_362 : i32 to vector<16xi32>
          %parallel_loop3A_364 = arith.mulf %parallel_loop3A_288, %parallel_loop3A_273 : vector<16xf32>
          tpu.vector_store_idx %arg25[%parallel_loop3A_331, %parallel_loop3A_363], %parallel_loop3A_364 : memref<256x36xf32, #tpu.memory_space<vmem>>[vector<16xi32>, vector<16xi32>], vector<16xf32>,
          %parallel_loop3A_365 = arith.constant 11 : i32
          %parallel_loop3A_366 = vector.broadcast %parallel_loop3A_365 : i32 to vector<16xi32>
          %parallel_loop3A_367 = arith.mulf %parallel_loop3A_288, %parallel_loop3A_278 : vector<16xf32>
          tpu.vector_store_idx %arg25[%parallel_loop3A_331, %parallel_loop3A_366], %parallel_loop3A_367 : memref<256x36xf32, #tpu.memory_space<vmem>>[vector<16xi32>, vector<16xi32>], vector<16xf32>,
          %parallel_loop3A_368 = arith.constant 12 : i32
          %parallel_loop3A_369 = vector.broadcast %parallel_loop3A_368 : i32 to vector<16xi32>
          %parallel_loop3A_370 = arith.mulf %parallel_loop3A_292, %parallel_loop3A_260 : vector<16xf32>
          tpu.vector_store_idx %arg25[%parallel_loop3A_331, %parallel_loop3A_369], %parallel_loop3A_370 : memref<256x36xf32, #tpu.memory_space<vmem>>[vector<16xi32>, vector<16xi32>], vector<16xf32>,
          %parallel_loop3A_371 = arith.constant 13 : i32
          %parallel_loop3A_372 = vector.broadcast %parallel_loop3A_371 : i32 to vector<16xi32>
          %parallel_loop3A_373 = arith.mulf %parallel_loop3A_292, %parallel_loop3A_269 : vector<16xf32>
          tpu.vector_store_idx %arg25[%parallel_loop3A_331, %parallel_loop3A_372], %parallel_loop3A_373 : memref<256x36xf32, #tpu.memory_space<vmem>>[vector<16xi32>, vector<16xi32>], vector<16xf32>,
          %parallel_loop3A_374 = arith.constant 14 : i32
          %parallel_loop3A_375 = vector.broadcast %parallel_loop3A_374 : i32 to vector<16xi32>
          %parallel_loop3A_376 = arith.mulf %parallel_loop3A_292, %parallel_loop3A_273 : vector<16xf32>
          tpu.vector_store_idx %arg25[%parallel_loop3A_331, %parallel_loop3A_375], %parallel_loop3A_376 : memref<256x36xf32, #tpu.memory_space<vmem>>[vector<16xi32>, vector<16xi32>], vector<16xf32>,
          %parallel_loop3A_377 = arith.constant 15 : i32
          %parallel_loop3A_378 = vector.broadcast %parallel_loop3A_377 : i32 to vector<16xi32>
          %parallel_loop3A_379 = arith.mulf %parallel_loop3A_292, %parallel_loop3A_278 : vector<16xf32>
          tpu.vector_store_idx %arg25[%parallel_loop3A_331, %parallel_loop3A_378], %parallel_loop3A_379 : memref<256x36xf32, #tpu.memory_space<vmem>>[vector<16xi32>, vector<16xi32>], vector<16xf32>,
          %parallel_loop3A_380 = arith.constant 16 : i32
          %parallel_loop3A_381 = vector.broadcast %parallel_loop3A_380 : i32 to vector<16xi32>
          %parallel_loop3A_382 = arith.mulf %parallel_loop3A_297, %parallel_loop3A_260 : vector<16xf32>
          tpu.vector_store_idx %arg25[%parallel_loop3A_331, %parallel_loop3A_381], %parallel_loop3A_382 : memref<256x36xf32, #tpu.memory_space<vmem>>[vector<16xi32>, vector<16xi32>], vector<16xf32>,
          %parallel_loop3A_383 = arith.constant 17 : i32
          %parallel_loop3A_384 = vector.broadcast %parallel_loop3A_383 : i32 to vector<16xi32>
          %parallel_loop3A_385 = arith.mulf %parallel_loop3A_297, %parallel_loop3A_269 : vector<16xf32>
          tpu.vector_store_idx %arg25[%parallel_loop3A_331, %parallel_loop3A_384], %parallel_loop3A_385 : memref<256x36xf32, #tpu.memory_space<vmem>>[vector<16xi32>, vector<16xi32>], vector<16xf32>,
          %parallel_loop3A_386 = arith.constant 18 : i32
          %parallel_loop3A_387 = vector.broadcast %parallel_loop3A_386 : i32 to vector<16xi32>
          %parallel_loop3A_388 = arith.mulf %parallel_loop3A_297, %parallel_loop3A_273 : vector<16xf32>
          tpu.vector_store_idx %arg25[%parallel_loop3A_331, %parallel_loop3A_387], %parallel_loop3A_388 : memref<256x36xf32, #tpu.memory_space<vmem>>[vector<16xi32>, vector<16xi32>], vector<16xf32>,
          %parallel_loop3A_389 = arith.constant 19 : i32
          %parallel_loop3A_390 = vector.broadcast %parallel_loop3A_389 : i32 to vector<16xi32>
          %parallel_loop3A_391 = arith.mulf %parallel_loop3A_297, %parallel_loop3A_278 : vector<16xf32>
          tpu.vector_store_idx %arg25[%parallel_loop3A_331, %parallel_loop3A_390], %parallel_loop3A_391 : memref<256x36xf32, #tpu.memory_space<vmem>>[vector<16xi32>, vector<16xi32>], vector<16xf32>,
          %parallel_loop3A_392 = arith.constant 20 : i32
          %parallel_loop3A_393 = vector.broadcast %parallel_loop3A_392 : i32 to vector<16xi32>
          %parallel_loop3A_394 = arith.mulf %parallel_loop3A_302, %parallel_loop3A_260 : vector<16xf32>
          tpu.vector_store_idx %arg25[%parallel_loop3A_331, %parallel_loop3A_393], %parallel_loop3A_394 : memref<256x36xf32, #tpu.memory_space<vmem>>[vector<16xi32>, vector<16xi32>], vector<16xf32>,
          %parallel_loop3A_395 = arith.constant 21 : i32
          %parallel_loop3A_396 = vector.broadcast %parallel_loop3A_395 : i32 to vector<16xi32>
          %parallel_loop3A_397 = arith.mulf %parallel_loop3A_302, %parallel_loop3A_269 : vector<16xf32>
          tpu.vector_store_idx %arg25[%parallel_loop3A_331, %parallel_loop3A_396], %parallel_loop3A_397 : memref<256x36xf32, #tpu.memory_space<vmem>>[vector<16xi32>, vector<16xi32>], vector<16xf32>,
          %parallel_loop3A_398 = arith.constant 22 : i32
          %parallel_loop3A_399 = vector.broadcast %parallel_loop3A_398 : i32 to vector<16xi32>
          %parallel_loop3A_400 = arith.mulf %parallel_loop3A_302, %parallel_loop3A_273 : vector<16xf32>
          tpu.vector_store_idx %arg25[%parallel_loop3A_331, %parallel_loop3A_399], %parallel_loop3A_400 : memref<256x36xf32, #tpu.memory_space<vmem>>[vector<16xi32>, vector<16xi32>], vector<16xf32>,
          %parallel_loop3A_401 = arith.constant 23 : i32
          %parallel_loop3A_402 = vector.broadcast %parallel_loop3A_401 : i32 to vector<16xi32>
          %parallel_loop3A_403 = arith.mulf %parallel_loop3A_302, %parallel_loop3A_278 : vector<16xf32>
          tpu.vector_store_idx %arg25[%parallel_loop3A_331, %parallel_loop3A_402], %parallel_loop3A_403 : memref<256x36xf32, #tpu.memory_space<vmem>>[vector<16xi32>, vector<16xi32>], vector<16xf32>,
          %parallel_loop3A_404 = arith.constant 24 : i32
          %parallel_loop3A_405 = vector.broadcast %parallel_loop3A_404 : i32 to vector<16xi32>
          %parallel_loop3A_406 = arith.mulf %parallel_loop3A_314, %parallel_loop3A_260 : vector<16xf32>
          tpu.vector_store_idx %arg25[%parallel_loop3A_331, %parallel_loop3A_405], %parallel_loop3A_406 : memref<256x36xf32, #tpu.memory_space<vmem>>[vector<16xi32>, vector<16xi32>], vector<16xf32>,
          %parallel_loop3A_407 = arith.constant 25 : i32
          %parallel_loop3A_408 = vector.broadcast %parallel_loop3A_407 : i32 to vector<16xi32>
          %parallel_loop3A_409 = arith.mulf %parallel_loop3A_314, %parallel_loop3A_269 : vector<16xf32>
          tpu.vector_store_idx %arg25[%parallel_loop3A_331, %parallel_loop3A_408], %parallel_loop3A_409 : memref<256x36xf32, #tpu.memory_space<vmem>>[vector<16xi32>, vector<16xi32>], vector<16xf32>,
          %parallel_loop3A_410 = arith.constant 26 : i32
          %parallel_loop3A_411 = vector.broadcast %parallel_loop3A_410 : i32 to vector<16xi32>
          %parallel_loop3A_412 = arith.mulf %parallel_loop3A_314, %parallel_loop3A_273 : vector<16xf32>
          tpu.vector_store_idx %arg25[%parallel_loop3A_331, %parallel_loop3A_411], %parallel_loop3A_412 : memref<256x36xf32, #tpu.memory_space<vmem>>[vector<16xi32>, vector<16xi32>], vector<16xf32>,
          %parallel_loop3A_413 = arith.constant 27 : i32
          %parallel_loop3A_414 = vector.broadcast %parallel_loop3A_413 : i32 to vector<16xi32>
          %parallel_loop3A_415 = arith.mulf %parallel_loop3A_314, %parallel_loop3A_278 : vector<16xf32>
          tpu.vector_store_idx %arg25[%parallel_loop3A_331, %parallel_loop3A_414], %parallel_loop3A_415 : memref<256x36xf32, #tpu.memory_space<vmem>>[vector<16xi32>, vector<16xi32>], vector<16xf32>,
          %parallel_loop3A_416 = arith.constant 28 : i32
          %parallel_loop3A_417 = vector.broadcast %parallel_loop3A_416 : i32 to vector<16xi32>
          %parallel_loop3A_418 = arith.mulf %parallel_loop3A_319, %parallel_loop3A_260 : vector<16xf32>
          tpu.vector_store_idx %arg25[%parallel_loop3A_331, %parallel_loop3A_417], %parallel_loop3A_418 : memref<256x36xf32, #tpu.memory_space<vmem>>[vector<16xi32>, vector<16xi32>], vector<16xf32>,
          %parallel_loop3A_419 = arith.constant 29 : i32
          %parallel_loop3A_420 = vector.broadcast %parallel_loop3A_419 : i32 to vector<16xi32>
          %parallel_loop3A_421 = arith.mulf %parallel_loop3A_319, %parallel_loop3A_269 : vector<16xf32>
          tpu.vector_store_idx %arg25[%parallel_loop3A_331, %parallel_loop3A_420], %parallel_loop3A_421 : memref<256x36xf32, #tpu.memory_space<vmem>>[vector<16xi32>, vector<16xi32>], vector<16xf32>,
          %parallel_loop3A_422 = arith.constant 30 : i32
          %parallel_loop3A_423 = vector.broadcast %parallel_loop3A_422 : i32 to vector<16xi32>
          %parallel_loop3A_424 = arith.mulf %parallel_loop3A_319, %parallel_loop3A_273 : vector<16xf32>
          tpu.vector_store_idx %arg25[%parallel_loop3A_331, %parallel_loop3A_423], %parallel_loop3A_424 : memref<256x36xf32, #tpu.memory_space<vmem>>[vector<16xi32>, vector<16xi32>], vector<16xf32>,
          %parallel_loop3A_425 = arith.constant 31 : i32
          %parallel_loop3A_426 = vector.broadcast %parallel_loop3A_425 : i32 to vector<16xi32>
          %parallel_loop3A_427 = arith.mulf %parallel_loop3A_319, %parallel_loop3A_278 : vector<16xf32>
          tpu.vector_store_idx %arg25[%parallel_loop3A_331, %parallel_loop3A_426], %parallel_loop3A_427 : memref<256x36xf32, #tpu.memory_space<vmem>>[vector<16xi32>, vector<16xi32>], vector<16xf32>,
          %parallel_loop3A_428 = arith.constant 32 : i32
          %parallel_loop3A_429 = vector.broadcast %parallel_loop3A_428 : i32 to vector<16xi32>
          %parallel_loop3A_430 = arith.mulf %parallel_loop3A_326, %parallel_loop3A_260 : vector<16xf32>
          tpu.vector_store_idx %arg25[%parallel_loop3A_331, %parallel_loop3A_429], %parallel_loop3A_430 : memref<256x36xf32, #tpu.memory_space<vmem>>[vector<16xi32>, vector<16xi32>], vector<16xf32>,
          %parallel_loop3A_431 = arith.constant 33 : i32
          %parallel_loop3A_432 = vector.broadcast %parallel_loop3A_431 : i32 to vector<16xi32>
          %parallel_loop3A_433 = arith.mulf %parallel_loop3A_326, %parallel_loop3A_269 : vector<16xf32>
          tpu.vector_store_idx %arg25[%parallel_loop3A_331, %parallel_loop3A_432], %parallel_loop3A_433 : memref<256x36xf32, #tpu.memory_space<vmem>>[vector<16xi32>, vector<16xi32>], vector<16xf32>,
          %parallel_loop3A_434 = arith.constant 34 : i32
          %parallel_loop3A_435 = vector.broadcast %parallel_loop3A_434 : i32 to vector<16xi32>
          %parallel_loop3A_436 = arith.mulf %parallel_loop3A_326, %parallel_loop3A_273 : vector<16xf32>
          tpu.vector_store_idx %arg25[%parallel_loop3A_331, %parallel_loop3A_435], %parallel_loop3A_436 : memref<256x36xf32, #tpu.memory_space<vmem>>[vector<16xi32>, vector<16xi32>], vector<16xf32>,
          %parallel_loop3A_437 = arith.constant 35 : i32
          %parallel_loop3A_438 = vector.broadcast %parallel_loop3A_437 : i32 to vector<16xi32>
          %parallel_loop3A_439 = arith.mulf %parallel_loop3A_326, %parallel_loop3A_278 : vector<16xf32>
          tpu.vector_store_idx %arg25[%parallel_loop3A_331, %parallel_loop3A_438], %parallel_loop3A_439 : memref<256x36xf32, #tpu.memory_space<vmem>>[vector<16xi32>, vector<16xi32>], vector<16xf32>,
        } {sc.loop_unroll_factor = 4 : i64, sc.parallel_access}
        %mul3A_143 = arith.constant 32 : i32
        %mul3A_144 = arith.muli %add3A_107, %mul3A_143 : i32
        %add3A_145 = arith.addi %add3A, %mul3A_144 : i32
        %mul3A_146 = arith.constant 256 : i32
        %mul3A_147 = arith.muli %add3A_145, %mul3A_146 : i32
        %dma_start3A_148 = arith.constant 0 : i32
        %dma_start3A_149 = tpu.memref_slice %arg7[%mul3A_147, %dma_start3A_148] : memref<800000x36xf32, #tpu.memory_space<hbm>> -> memref<256x36xf32, #tpu.memory_space<hbm>>
        %dma_start3A_150 = arith.constant 0 : i32
        %dma_start3A_151 = tpu.memref_slice %arg7[%mul3A_147, %dma_start3A_150] : memref<800000x36xf32, #tpu.memory_space<hbm>> -> memref<256x36xf32, #tpu.memory_space<hbm>>
        tpu.enqueue_dma source(%arg25 : memref<256x36xf32, #tpu.memory_space<vmem>>) target(%dma_start3A_151 : memref<256x36xf32, #tpu.memory_space<hbm>>) target_semaphore(%arg34 : memref<!tpu.dma_semaphore, #tpu.memory_space<semaphore_mem>>)
      } else {
      }
    }
    %while3A_88 = arith.constant 1 : i32
    scf.for %while3A_98 = %while3A_86 to %while3A_82 step %while3A_88  : i32 {
      %mul3A_99 = arith.muli %while3A_98, %while3A : i32
      %add3A_100 = arith.addi %while3A_79, %mul3A_99 : i32
      %add3A_101 = arith.constant 0 : i32
      %add3A_102 = arith.addi %add3A_100, %add3A_101 : i32
      %lt3A = arith.cmpi slt, %add3A_102, %add3A_20 : i32
      %convert_element_type3A_103 = arith.extui %lt3A : i1 to i32
      %cond3A_104 = arith.constant 0 : i32
      %cond3A_105 = arith.cmpi ne, %convert_element_type3A_103, %cond3A_104 : i32
      scf.if %cond3A_105 {
        %dma_wait3A_112 = arith.constant 0 : i32
        %dma_wait3A_113 = tpu.memref_slice %arg26[%dma_wait3A_112] : memref<50000xf32, #tpu.memory_space<vmem_shared>> -> memref<50000xf32, #tpu.memory_space<vmem_shared>>
        tpu.wait_indirect_dma semaphore(%arg31 : memref<!tpu.dma_semaphore, #tpu.memory_space<semaphore_mem>>) src(%dma_wait3A_113 : memref<50000xf32, #tpu.memory_space<vmem_shared>>) dst(%arg12 : memref<256xf32, #tpu.memory_space<vmem>>)
        %dma_wait3A_114 = arith.constant 0 : i32
        %dma_wait3A_115 = tpu.memref_slice %arg27[%dma_wait3A_114] : memref<50000xf32, #tpu.memory_space<vmem_shared>> -> memref<50000xf32, #tpu.memory_space<vmem_shared>>
        tpu.wait_indirect_dma semaphore(%arg31 : memref<!tpu.dma_semaphore, #tpu.memory_space<semaphore_mem>>) src(%dma_wait3A_115 : memref<50000xf32, #tpu.memory_space<vmem_shared>>) dst(%arg13 : memref<256xf32, #tpu.memory_space<vmem>>)
        %dma_wait3A_116 = arith.constant 0 : i32
        %dma_wait3A_117 = tpu.memref_slice %arg28[%dma_wait3A_116] : memref<50000xf32, #tpu.memory_space<vmem_shared>> -> memref<50000xf32, #tpu.memory_space<vmem_shared>>
        tpu.wait_indirect_dma semaphore(%arg31 : memref<!tpu.dma_semaphore, #tpu.memory_space<semaphore_mem>>) src(%dma_wait3A_117 : memref<50000xf32, #tpu.memory_space<vmem_shared>>) dst(%arg14 : memref<256xf32, #tpu.memory_space<vmem>>)
        %dma_wait3A_118 = arith.constant 0 : i32
        %dma_wait3A_119 = tpu.memref_slice %arg26[%dma_wait3A_118] : memref<50000xf32, #tpu.memory_space<vmem_shared>> -> memref<50000xf32, #tpu.memory_space<vmem_shared>>
        tpu.wait_indirect_dma semaphore(%arg31 : memref<!tpu.dma_semaphore, #tpu.memory_space<semaphore_mem>>) src(%dma_wait3A_119 : memref<50000xf32, #tpu.memory_space<vmem_shared>>) dst(%arg15 : memref<256xf32, #tpu.memory_space<vmem>>)
        %dma_wait3A_120 = arith.constant 0 : i32
        %dma_wait3A_121 = tpu.memref_slice %arg27[%dma_wait3A_120] : memref<50000xf32, #tpu.memory_space<vmem_shared>> -> memref<50000xf32, #tpu.memory_space<vmem_shared>>
        tpu.wait_indirect_dma semaphore(%arg31 : memref<!tpu.dma_semaphore, #tpu.memory_space<semaphore_mem>>) src(%dma_wait3A_121 : memref<50000xf32, #tpu.memory_space<vmem_shared>>) dst(%arg16 : memref<256xf32, #tpu.memory_space<vmem>>)
        %dma_wait3A_122 = arith.constant 0 : i32
        %dma_wait3A_123 = tpu.memref_slice %arg28[%dma_wait3A_122] : memref<50000xf32, #tpu.memory_space<vmem_shared>> -> memref<50000xf32, #tpu.memory_space<vmem_shared>>
        tpu.wait_indirect_dma semaphore(%arg31 : memref<!tpu.dma_semaphore, #tpu.memory_space<semaphore_mem>>) src(%dma_wait3A_123 : memref<50000xf32, #tpu.memory_space<vmem_shared>>) dst(%arg17 : memref<256xf32, #tpu.memory_space<vmem>>)
        %add3A_124 = arith.constant 2 : i32
        %add3A_125 = arith.addi %add3A_102, %add3A_124 : i32
        %lt3A_126 = arith.cmpi slt, %add3A_125, %add3A_20 : i32
        %convert_element_type3A_127 = arith.extui %lt3A_126 : i1 to i32
        %cond3A_128 = arith.constant 0 : i32
        %cond3A_129 = arith.cmpi ne, %convert_element_type3A_127, %cond3A_128 : i32
        scf.if %cond3A_129 {
          %add3A_152 = arith.constant 2 : i32
          %add3A_153 = arith.addi %add3A_102, %add3A_152 : i32
          %mul3A_154 = arith.constant 32 : i32
          %mul3A_155 = arith.muli %add3A_153, %mul3A_154 : i32
          %add3A_156 = arith.addi %add3A, %mul3A_155 : i32
          %dma_start3A_157 = arith.constant 0 : i32
          %dma_start3A_158 = tpu.memref_slice %arg5[%add3A_156, %dma_start3A_157] : memref<3125x256xi32, #tpu.memory_space<hbm>> -> memref<1x256xi32, #tpu.memory_space<hbm>>
          %dma_start3A_159 = tpu.memref_squeeze %dma_start3A_158 : memref<1x256xi32, #tpu.memory_space<hbm>> -> memref<256xi32, #tpu.memory_space<hbm>>
          %dma_start3A_160 = arith.constant 0 : i32
          %dma_start3A_161 = tpu.memref_slice %arg5[%add3A_156, %dma_start3A_160] : memref<3125x256xi32, #tpu.memory_space<hbm>> -> memref<1x256xi32, #tpu.memory_space<hbm>>
          %dma_start3A_162 = tpu.memref_squeeze %dma_start3A_161 : memref<1x256xi32, #tpu.memory_space<hbm>> -> memref<256xi32, #tpu.memory_space<hbm>>
          tpu.enqueue_dma source(%dma_start3A_162 : memref<256xi32, #tpu.memory_space<hbm>>) target(%arg8 : memref<256xi32, #tpu.memory_space<vmem>>) target_semaphore(%arg29 : memref<!tpu.dma_semaphore, #tpu.memory_space<semaphore_mem>>)
          %mul3A_163 = arith.constant 32 : i32
          %mul3A_164 = arith.muli %add3A_153, %mul3A_163 : i32
          %add3A_165 = arith.addi %add3A, %mul3A_164 : i32
          %dma_start3A_166 = arith.constant 0 : i32
          %dma_start3A_167 = tpu.memref_slice %arg6[%add3A_165, %dma_start3A_166] : memref<3125x256xi32, #tpu.memory_space<hbm>> -> memref<1x256xi32, #tpu.memory_space<hbm>>
          %dma_start3A_168 = tpu.memref_squeeze %dma_start3A_167 : memref<1x256xi32, #tpu.memory_space<hbm>> -> memref<256xi32, #tpu.memory_space<hbm>>
          %dma_start3A_169 = arith.constant 0 : i32
          %dma_start3A_170 = tpu.memref_slice %arg6[%add3A_165, %dma_start3A_169] : memref<3125x256xi32, #tpu.memory_space<hbm>> -> memref<1x256xi32, #tpu.memory_space<hbm>>
          %dma_start3A_171 = tpu.memref_squeeze %dma_start3A_170 : memref<1x256xi32, #tpu.memory_space<hbm>> -> memref<256xi32, #tpu.memory_space<hbm>>
          tpu.enqueue_dma source(%dma_start3A_171 : memref<256xi32, #tpu.memory_space<hbm>>) target(%arg10 : memref<256xi32, #tpu.memory_space<vmem>>) target_semaphore(%arg29 : memref<!tpu.dma_semaphore, #tpu.memory_space<semaphore_mem>>)
        } else {
        }
        %add3A_130 = arith.constant 1 : i32
        %add3A_131 = arith.addi %add3A_102, %add3A_130 : i32
        %lt3A_132 = arith.cmpi slt, %add3A_131, %add3A_20 : i32
        %convert_element_type3A_133 = arith.extui %lt3A_132 : i1 to i32
        %cond3A_134 = arith.constant 0 : i32
        %cond3A_135 = arith.cmpi ne, %convert_element_type3A_133, %cond3A_134 : i32
        scf.if %cond3A_135 {
          %dma_wait3A_152 = arith.constant 0 : i32
          %dma_wait3A_153 = arith.constant 0 : i32
          %dma_wait3A_154 = tpu.memref_slice %arg5[%dma_wait3A_152, %dma_wait3A_153] : memref<3125x256xi32, #tpu.memory_space<hbm>> -> memref<1x256xi32, #tpu.memory_space<hbm>>
          %dma_wait3A_155 = tpu.memref_squeeze %dma_wait3A_154 : memref<1x256xi32, #tpu.memory_space<hbm>> -> memref<256xi32, #tpu.memory_space<hbm>>
          %dma_wait3A_156 = arith.constant 0 : i32
          %dma_wait3A_157 = tpu.memref_slice %arg5[%dma_wait3A_152, %dma_wait3A_156] : memref<3125x256xi32, #tpu.memory_space<hbm>> -> memref<1x256xi32, #tpu.memory_space<hbm>>
          %dma_wait3A_158 = tpu.memref_squeeze %dma_wait3A_157 : memref<1x256xi32, #tpu.memory_space<hbm>> -> memref<256xi32, #tpu.memory_space<hbm>>
          tpu.wait_dma2 semaphore(%arg30 : memref<!tpu.dma_semaphore, #tpu.memory_space<semaphore_mem>>) src(%dma_wait3A_158 : memref<256xi32, #tpu.memory_space<hbm>>) dst(%arg9 : memref<256xi32, #tpu.memory_space<vmem>>)
          %dma_wait3A_159 = arith.constant 0 : i32
          %dma_wait3A_160 = arith.constant 0 : i32
          %dma_wait3A_161 = tpu.memref_slice %arg6[%dma_wait3A_159, %dma_wait3A_160] : memref<3125x256xi32, #tpu.memory_space<hbm>> -> memref<1x256xi32, #tpu.memory_space<hbm>>
          %dma_wait3A_162 = tpu.memref_squeeze %dma_wait3A_161 : memref<1x256xi32, #tpu.memory_space<hbm>> -> memref<256xi32, #tpu.memory_space<hbm>>
          %dma_wait3A_163 = arith.constant 0 : i32
          %dma_wait3A_164 = tpu.memref_slice %arg6[%dma_wait3A_159, %dma_wait3A_163] : memref<3125x256xi32, #tpu.memory_space<hbm>> -> memref<1x256xi32, #tpu.memory_space<hbm>>
          %dma_wait3A_165 = tpu.memref_squeeze %dma_wait3A_164 : memref<1x256xi32, #tpu.memory_space<hbm>> -> memref<256xi32, #tpu.memory_space<hbm>>
          tpu.wait_dma2 semaphore(%arg30 : memref<!tpu.dma_semaphore, #tpu.memory_space<semaphore_mem>>) src(%dma_wait3A_165 : memref<256xi32, #tpu.memory_space<hbm>>) dst(%arg11 : memref<256xi32, #tpu.memory_space<vmem>>)
          %dma_start3A_166 = arith.constant 0 : i32
          %dma_start3A_167 = tpu.memref_slice %arg26[%dma_start3A_166] : memref<50000xf32, #tpu.memory_space<vmem_shared>> -> memref<50000xf32, #tpu.memory_space<vmem_shared>>
          tpu.enqueue_indirect_dma source(%dma_start3A_167 : memref<50000xf32, #tpu.memory_space<vmem_shared>>) target(%arg18 : memref<256xf32, #tpu.memory_space<vmem>>) offsets(%arg9 : memref<256xi32, #tpu.memory_space<vmem>>) semaphore(%arg32 : memref<!tpu.dma_semaphore, #tpu.memory_space<semaphore_mem>>)
          %dma_start3A_168 = arith.constant 0 : i32
          %dma_start3A_169 = tpu.memref_slice %arg27[%dma_start3A_168] : memref<50000xf32, #tpu.memory_space<vmem_shared>> -> memref<50000xf32, #tpu.memory_space<vmem_shared>>
          tpu.enqueue_indirect_dma source(%dma_start3A_169 : memref<50000xf32, #tpu.memory_space<vmem_shared>>) target(%arg19 : memref<256xf32, #tpu.memory_space<vmem>>) offsets(%arg9 : memref<256xi32, #tpu.memory_space<vmem>>) semaphore(%arg32 : memref<!tpu.dma_semaphore, #tpu.memory_space<semaphore_mem>>)
          %dma_start3A_170 = arith.constant 0 : i32
          %dma_start3A_171 = tpu.memref_slice %arg28[%dma_start3A_170] : memref<50000xf32, #tpu.memory_space<vmem_shared>> -> memref<50000xf32, #tpu.memory_space<vmem_shared>>
          tpu.enqueue_indirect_dma source(%dma_start3A_171 : memref<50000xf32, #tpu.memory_space<vmem_shared>>) target(%arg20 : memref<256xf32, #tpu.memory_space<vmem>>) offsets(%arg9 : memref<256xi32, #tpu.memory_space<vmem>>) semaphore(%arg32 : memref<!tpu.dma_semaphore, #tpu.memory_space<semaphore_mem>>)
          %dma_start3A_172 = arith.constant 0 : i32
          %dma_start3A_173 = tpu.memref_slice %arg26[%dma_start3A_172] : memref<50000xf32, #tpu.memory_space<vmem_shared>> -> memref<50000xf32, #tpu.memory_space<vmem_shared>>
          tpu.enqueue_indirect_dma source(%dma_start3A_173 : memref<50000xf32, #tpu.memory_space<vmem_shared>>) target(%arg21 : memref<256xf32, #tpu.memory_space<vmem>>) offsets(%arg11 : memref<256xi32, #tpu.memory_space<vmem>>) semaphore(%arg32 : memref<!tpu.dma_semaphore, #tpu.memory_space<semaphore_mem>>)
          %dma_start3A_174 = arith.constant 0 : i32
          %dma_start3A_175 = tpu.memref_slice %arg27[%dma_start3A_174] : memref<50000xf32, #tpu.memory_space<vmem_shared>> -> memref<50000xf32, #tpu.memory_space<vmem_shared>>
          tpu.enqueue_indirect_dma source(%dma_start3A_175 : memref<50000xf32, #tpu.memory_space<vmem_shared>>) target(%arg22 : memref<256xf32, #tpu.memory_space<vmem>>) offsets(%arg11 : memref<256xi32, #tpu.memory_space<vmem>>) semaphore(%arg32 : memref<!tpu.dma_semaphore, #tpu.memory_space<semaphore_mem>>)
          %dma_start3A_176 = arith.constant 0 : i32
          %dma_start3A_177 = tpu.memref_slice %arg28[%dma_start3A_176] : memref<50000xf32, #tpu.memory_space<vmem_shared>> -> memref<50000xf32, #tpu.memory_space<vmem_shared>>
          tpu.enqueue_indirect_dma source(%dma_start3A_177 : memref<50000xf32, #tpu.memory_space<vmem_shared>>) target(%arg23 : memref<256xf32, #tpu.memory_space<vmem>>) offsets(%arg11 : memref<256xi32, #tpu.memory_space<vmem>>) semaphore(%arg32 : memref<!tpu.dma_semaphore, #tpu.memory_space<semaphore_mem>>)
        } else {
        }
        %ge3A_136 = arith.constant 2 : i32
        %ge3A_137 = arith.cmpi sge, %add3A_102, %ge3A_136 : i32
        %convert_element_type3A_138 = arith.extui %ge3A_137 : i1 to i32
        %cond3A_139 = arith.constant 0 : i32
        %cond3A_140 = arith.cmpi ne, %convert_element_type3A_138, %cond3A_139 : i32
        scf.if %cond3A_140 {
          %dma_wait3A_152 = arith.constant 0 : i32
          %dma_wait3A_153 = arith.constant 0 : i32
          %dma_wait3A_154 = tpu.memref_slice %arg7[%dma_wait3A_152, %dma_wait3A_153] : memref<800000x36xf32, #tpu.memory_space<hbm>> -> memref<256x36xf32, #tpu.memory_space<hbm>>
          %dma_wait3A_155 = arith.constant 0 : i32
          %dma_wait3A_156 = arith.constant 0 : i32
          %dma_wait3A_157 = tpu.memref_slice %arg7[%dma_wait3A_155, %dma_wait3A_156] : memref<800000x36xf32, #tpu.memory_space<hbm>> -> memref<256x36xf32, #tpu.memory_space<hbm>>
          tpu.wait_dma2 semaphore(%arg33 : memref<!tpu.dma_semaphore, #tpu.memory_space<semaphore_mem>>) src(%arg24 : memref<256x36xf32, #tpu.memory_space<vmem>>) dst(%dma_wait3A_157 : memref<256x36xf32, #tpu.memory_space<hbm>>)
        } else {
        }
        %parallel_loop3A = arith.constant 0 : i32
        %parallel_loop3A_141 = arith.constant 16 : i32
        %parallel_loop3A_142 = arith.constant 1 : i32
        scf.for %parallel_loop3A_152 = %parallel_loop3A to %parallel_loop3A_141 step %parallel_loop3A_142  : i32 {
          %parallel_loop3A_153 = arith.constant 16 : i32
          %parallel_loop3A_154 = arith.muli %parallel_loop3A_152, %parallel_loop3A_153 : i32
          %parallel_loop3A_155 = arith.index_cast %parallel_loop3A_154 : i32 to index
          %parallel_loop3A_156 = tpu.vector_load %arg15[%parallel_loop3A_155] {strides = array<i32>} : memref<256xf32, #tpu.memory_space<vmem>>, vector<16xf32>,
          %parallel_loop3A_157 = arith.index_cast %parallel_loop3A_154 : i32 to index
          %parallel_loop3A_158 = tpu.vector_load %arg12[%parallel_loop3A_157] {strides = array<i32>} : memref<256xf32, #tpu.memory_space<vmem>>, vector<16xf32>,
          %parallel_loop3A_159 = arith.subf %parallel_loop3A_156, %parallel_loop3A_158 : vector<16xf32>
          %parallel_loop3A_160 = arith.index_cast %parallel_loop3A_154 : i32 to index
          %parallel_loop3A_161 = tpu.vector_load %arg16[%parallel_loop3A_160] {strides = array<i32>} : memref<256xf32, #tpu.memory_space<vmem>>, vector<16xf32>,
          %parallel_loop3A_162 = arith.index_cast %parallel_loop3A_154 : i32 to index
          %parallel_loop3A_163 = tpu.vector_load %arg13[%parallel_loop3A_162] {strides = array<i32>} : memref<256xf32, #tpu.memory_space<vmem>>, vector<16xf32>,
          %parallel_loop3A_164 = arith.subf %parallel_loop3A_161, %parallel_loop3A_163 : vector<16xf32>
          %parallel_loop3A_165 = arith.index_cast %parallel_loop3A_154 : i32 to index
          %parallel_loop3A_166 = tpu.vector_load %arg17[%parallel_loop3A_165] {strides = array<i32>} : memref<256xf32, #tpu.memory_space<vmem>>, vector<16xf32>,
          %parallel_loop3A_167 = arith.index_cast %parallel_loop3A_154 : i32 to index
          %parallel_loop3A_168 = tpu.vector_load %arg14[%parallel_loop3A_167] {strides = array<i32>} : memref<256xf32, #tpu.memory_space<vmem>>, vector<16xf32>,
          %parallel_loop3A_169 = arith.subf %parallel_loop3A_166, %parallel_loop3A_168 : vector<16xf32>
          %parallel_loop3A_170 = arith.mulf %parallel_loop3A_159, %parallel_loop3A_159 : vector<16xf32>
          %parallel_loop3A_171 = arith.mulf %parallel_loop3A_164, %parallel_loop3A_164 : vector<16xf32>
          %parallel_loop3A_172 = arith.addf %parallel_loop3A_170, %parallel_loop3A_171 : vector<16xf32>
          %parallel_loop3A_173 = arith.mulf %parallel_loop3A_169, %parallel_loop3A_169 : vector<16xf32>
          %parallel_loop3A_174 = arith.addf %parallel_loop3A_172, %parallel_loop3A_173 : vector<16xf32>
          %parallel_loop3A_175 = arith.constant 9.99999996E-13 : f32
          %parallel_loop3A_176 = vector.broadcast %parallel_loop3A_175 : f32 to vector<16xf32>
          %parallel_loop3A_177 = arith.addf %parallel_loop3A_174, %parallel_loop3A_176 : vector<16xf32>
          %parallel_loop3A_178 = tpu.bitcast %parallel_loop3A_177 : vector<16xf32> -> vector<16xi32>
          %parallel_loop3A_179 = arith.constant 1 : i32
          %parallel_loop3A_180 = vector.broadcast %parallel_loop3A_179 : i32 to vector<16xi32>
          %parallel_loop3A_181 = arith.shrsi %parallel_loop3A_178, %parallel_loop3A_180 : vector<16xi32>
          %parallel_loop3A_182 = arith.constant 1597463007 : i32
          %parallel_loop3A_183 = vector.broadcast %parallel_loop3A_182 : i32 to vector<16xi32>
          %parallel_loop3A_184 = arith.subi %parallel_loop3A_183, %parallel_loop3A_181 : vector<16xi32>
          %parallel_loop3A_185 = tpu.bitcast %parallel_loop3A_184 : vector<16xi32> -> vector<16xf32>
          %parallel_loop3A_186 = arith.constant 5.000000e-01 : f32
          %parallel_loop3A_187 = vector.broadcast %parallel_loop3A_186 : f32 to vector<16xf32>
          %parallel_loop3A_188 = arith.mulf %parallel_loop3A_187, %parallel_loop3A_177 : vector<16xf32>
          %parallel_loop3A_189 = arith.mulf %parallel_loop3A_188, %parallel_loop3A_185 : vector<16xf32>
          %parallel_loop3A_190 = arith.mulf %parallel_loop3A_189, %parallel_loop3A_185 : vector<16xf32>
          %parallel_loop3A_191 = arith.constant 1.500000e+00 : f32
          %parallel_loop3A_192 = vector.broadcast %parallel_loop3A_191 : f32 to vector<16xf32>
          %parallel_loop3A_193 = arith.subf %parallel_loop3A_192, %parallel_loop3A_190 : vector<16xf32>
          %parallel_loop3A_194 = arith.mulf %parallel_loop3A_185, %parallel_loop3A_193 : vector<16xf32>
          %parallel_loop3A_195 = arith.constant 5.000000e-01 : f32
          %parallel_loop3A_196 = vector.broadcast %parallel_loop3A_195 : f32 to vector<16xf32>
          %parallel_loop3A_197 = arith.mulf %parallel_loop3A_196, %parallel_loop3A_177 : vector<16xf32>
          %parallel_loop3A_198 = arith.mulf %parallel_loop3A_197, %parallel_loop3A_194 : vector<16xf32>
          %parallel_loop3A_199 = arith.mulf %parallel_loop3A_198, %parallel_loop3A_194 : vector<16xf32>
          %parallel_loop3A_200 = arith.constant 1.500000e+00 : f32
          %parallel_loop3A_201 = vector.broadcast %parallel_loop3A_200 : f32 to vector<16xf32>
          %parallel_loop3A_202 = arith.subf %parallel_loop3A_201, %parallel_loop3A_199 : vector<16xf32>
          %parallel_loop3A_203 = arith.mulf %parallel_loop3A_194, %parallel_loop3A_202 : vector<16xf32>
          %parallel_loop3A_204 = arith.mulf %parallel_loop3A_177, %parallel_loop3A_203 : vector<16xf32>
          %parallel_loop3A_205 = arith.mulf %parallel_loop3A_203, %parallel_loop3A_203 : vector<16xf32>
          %parallel_loop3A_206 = arith.constant 0.314159274 : f32
          %parallel_loop3A_207 = vector.broadcast %parallel_loop3A_206 : f32 to vector<16xf32>
          %parallel_loop3A_208 = arith.mulf %parallel_loop3A_207, %parallel_loop3A_204 : vector<16xf32>
          %parallel_loop3A_209 = arith.constant 1.57079637 : f32
          %parallel_loop3A_210 = vector.broadcast %parallel_loop3A_209 : f32 to vector<16xf32>
          %parallel_loop3A_211 = arith.minimumf %parallel_loop3A_208, %parallel_loop3A_210 : vector<16xf32>
          %parallel_loop3A_212 = arith.mulf %parallel_loop3A_211, %parallel_loop3A_211 : vector<16xf32>
          %parallel_loop3A_213 = arith.constant -1.14707454E-11 : f32
          %parallel_loop3A_214 = vector.broadcast %parallel_loop3A_213 : f32 to vector<16xf32>
          %parallel_loop3A_215 = arith.mulf %parallel_loop3A_214, %parallel_loop3A_212 : vector<16xf32>
          %parallel_loop3A_216 = arith.constant 2.08767559E-9 : f32
          %parallel_loop3A_217 = vector.broadcast %parallel_loop3A_216 : f32 to vector<16xf32>
          %parallel_loop3A_218 = arith.addf %parallel_loop3A_215, %parallel_loop3A_217 : vector<16xf32>
          %parallel_loop3A_219 = arith.mulf %parallel_loop3A_218, %parallel_loop3A_212 : vector<16xf32>
          %parallel_loop3A_220 = arith.constant -2.755732E-7 : f32
          %parallel_loop3A_221 = vector.broadcast %parallel_loop3A_220 : f32 to vector<16xf32>
          %parallel_loop3A_222 = arith.addf %parallel_loop3A_219, %parallel_loop3A_221 : vector<16xf32>
          %parallel_loop3A_223 = arith.mulf %parallel_loop3A_222, %parallel_loop3A_212 : vector<16xf32>
          %parallel_loop3A_224 = arith.constant 2.48015876E-5 : f32
          %parallel_loop3A_225 = vector.broadcast %parallel_loop3A_224 : f32 to vector<16xf32>
          %parallel_loop3A_226 = arith.addf %parallel_loop3A_223, %parallel_loop3A_225 : vector<16xf32>
          %parallel_loop3A_227 = arith.mulf %parallel_loop3A_226, %parallel_loop3A_212 : vector<16xf32>
          %parallel_loop3A_228 = arith.constant -0.00138888892 : f32
          %parallel_loop3A_229 = vector.broadcast %parallel_loop3A_228 : f32 to vector<16xf32>
          %parallel_loop3A_230 = arith.addf %parallel_loop3A_227, %parallel_loop3A_229 : vector<16xf32>
          %parallel_loop3A_231 = arith.mulf %parallel_loop3A_230, %parallel_loop3A_212 : vector<16xf32>
          %parallel_loop3A_232 = arith.constant 0.0416666679 : f32
          %parallel_loop3A_233 = vector.broadcast %parallel_loop3A_232 : f32 to vector<16xf32>
          %parallel_loop3A_234 = arith.addf %parallel_loop3A_231, %parallel_loop3A_233 : vector<16xf32>
          %parallel_loop3A_235 = arith.mulf %parallel_loop3A_234, %parallel_loop3A_212 : vector<16xf32>
          %parallel_loop3A_236 = arith.constant -5.000000e-01 : f32
          %parallel_loop3A_237 = vector.broadcast %parallel_loop3A_236 : f32 to vector<16xf32>
          %parallel_loop3A_238 = arith.addf %parallel_loop3A_235, %parallel_loop3A_237 : vector<16xf32>
          %parallel_loop3A_239 = arith.mulf %parallel_loop3A_238, %parallel_loop3A_212 : vector<16xf32>
          %parallel_loop3A_240 = arith.constant 1.000000e+00 : f32
          %parallel_loop3A_241 = vector.broadcast %parallel_loop3A_240 : f32 to vector<16xf32>
          %parallel_loop3A_242 = arith.addf %parallel_loop3A_239, %parallel_loop3A_241 : vector<16xf32>
          %parallel_loop3A_243 = arith.constant 5.000000e+00 : f32
          %parallel_loop3A_244 = vector.broadcast %parallel_loop3A_243 : f32 to vector<16xf32>
          %parallel_loop3A_245 = arith.cmpf olt, %parallel_loop3A_204, %parallel_loop3A_244 : vector<16xf32>
          %parallel_loop3A_246 = arith.mulf %parallel_loop3A_242, %parallel_loop3A_242 : vector<16xf32>
          %parallel_loop3A_247 = arith.constant 0.000000e+00 : f32
          %parallel_loop3A_248 = vector.broadcast %parallel_loop3A_247 : f32 to vector<16xf32>
          %parallel_loop3A_249 = arith.select %parallel_loop3A_245, %parallel_loop3A_246, %parallel_loop3A_248 : vector<16xi1>, vector<16xf32>
          %parallel_loop3A_250 = arith.constant 5.000000e+00 : f32
          %parallel_loop3A_251 = vector.broadcast %parallel_loop3A_250 : f32 to vector<16xf32>
          %parallel_loop3A_252 = arith.minimumf %parallel_loop3A_204, %parallel_loop3A_251 : vector<16xf32>
          %parallel_loop3A_253 = arith.constant 0.000000e+00 : f32
          %parallel_loop3A_254 = arith.constant 6.400000e-01 : f32
          %parallel_loop3A_255 = arith.subf %parallel_loop3A_253, %parallel_loop3A_254 : f32
          %parallel_loop3A_256 = vector.broadcast %parallel_loop3A_255 : f32 to vector<16xf32>
          %parallel_loop3A_257 = arith.mulf %parallel_loop3A_256, %parallel_loop3A_252 : vector<16xf32>
          %parallel_loop3A_258 = arith.mulf %parallel_loop3A_257, %parallel_loop3A_252 : vector<16xf32>
          %parallel_loop3A_259 = math.exp %parallel_loop3A_258 : vector<16xf32>
          %parallel_loop3A_260 = arith.mulf %parallel_loop3A_259, %parallel_loop3A_249 : vector<16xf32>
          %parallel_loop3A_261 = arith.constant 2.13333344 : f32
          %parallel_loop3A_262 = vector.broadcast %parallel_loop3A_261 : f32 to vector<16xf32>
          %parallel_loop3A_263 = arith.mulf %parallel_loop3A_262, %parallel_loop3A_252 : vector<16xf32>
          %parallel_loop3A_264 = math.exp %parallel_loop3A_263 : vector<16xf32>
          %parallel_loop3A_265 = arith.mulf %parallel_loop3A_264, %parallel_loop3A_264 : vector<16xf32>
          %parallel_loop3A_266 = arith.constant 0.169013321 : f32
          %parallel_loop3A_267 = vector.broadcast %parallel_loop3A_266 : f32 to vector<16xf32>
          %parallel_loop3A_268 = arith.mulf %parallel_loop3A_260, %parallel_loop3A_267 : vector<16xf32>
          %parallel_loop3A_269 = arith.mulf %parallel_loop3A_268, %parallel_loop3A_264 : vector<16xf32>
          %parallel_loop3A_270 = arith.constant 8.15987819E-4 : f32
          %parallel_loop3A_271 = vector.broadcast %parallel_loop3A_270 : f32 to vector<16xf32>
          %parallel_loop3A_272 = arith.mulf %parallel_loop3A_260, %parallel_loop3A_271 : vector<16xf32>
          %parallel_loop3A_273 = arith.mulf %parallel_loop3A_272, %parallel_loop3A_265 : vector<16xf32>
          %parallel_loop3A_274 = arith.constant 1.12535176E-7 : f32
          %parallel_loop3A_275 = vector.broadcast %parallel_loop3A_274 : f32 to vector<16xf32>
          %parallel_loop3A_276 = arith.mulf %parallel_loop3A_260, %parallel_loop3A_275 : vector<16xf32>
          %parallel_loop3A_277 = arith.mulf %parallel_loop3A_265, %parallel_loop3A_264 : vector<16xf32>
          %parallel_loop3A_278 = arith.mulf %parallel_loop3A_276, %parallel_loop3A_277 : vector<16xf32>
          %parallel_loop3A_279 = arith.constant 0.282094806 : f32
          %parallel_loop3A_280 = vector.broadcast %parallel_loop3A_279 : f32 to vector<16xf32>
          %parallel_loop3A_281 = arith.constant 0.488602519 : f32
          %parallel_loop3A_282 = vector.broadcast %parallel_loop3A_281 : f32 to vector<16xf32>
          %parallel_loop3A_283 = arith.mulf %parallel_loop3A_282, %parallel_loop3A_164 : vector<16xf32>
          %parallel_loop3A_284 = arith.mulf %parallel_loop3A_283, %parallel_loop3A_203 : vector<16xf32>
          %parallel_loop3A_285 = arith.constant 0.488602519 : f32
          %parallel_loop3A_286 = vector.broadcast %parallel_loop3A_285 : f32 to vector<16xf32>
          %parallel_loop3A_287 = arith.mulf %parallel_loop3A_286, %parallel_loop3A_169 : vector<16xf32>
          %parallel_loop3A_288 = arith.mulf %parallel_loop3A_287, %parallel_loop3A_203 : vector<16xf32>
          %parallel_loop3A_289 = arith.constant 0.488602519 : f32
          %parallel_loop3A_290 = vector.broadcast %parallel_loop3A_289 : f32 to vector<16xf32>
          %parallel_loop3A_291 = arith.mulf %parallel_loop3A_290, %parallel_loop3A_159 : vector<16xf32>
          %parallel_loop3A_292 = arith.mulf %parallel_loop3A_291, %parallel_loop3A_203 : vector<16xf32>
          %parallel_loop3A_293 = arith.constant 1.09254849 : f32
          %parallel_loop3A_294 = vector.broadcast %parallel_loop3A_293 : f32 to vector<16xf32>
          %parallel_loop3A_295 = arith.mulf %parallel_loop3A_294, %parallel_loop3A_159 : vector<16xf32>
          %parallel_loop3A_296 = arith.mulf %parallel_loop3A_295, %parallel_loop3A_164 : vector<16xf32>
          %parallel_loop3A_297 = arith.mulf %parallel_loop3A_296, %parallel_loop3A_205 : vector<16xf32>
          %parallel_loop3A_298 = arith.constant 1.09254849 : f32
          %parallel_loop3A_299 = vector.broadcast %parallel_loop3A_298 : f32 to vector<16xf32>
          %parallel_loop3A_300 = arith.mulf %parallel_loop3A_299, %parallel_loop3A_164 : vector<16xf32>
          %parallel_loop3A_301 = arith.mulf %parallel_loop3A_300, %parallel_loop3A_169 : vector<16xf32>
          %parallel_loop3A_302 = arith.mulf %parallel_loop3A_301, %parallel_loop3A_205 : vector<16xf32>
          %parallel_loop3A_303 = arith.constant 2.000000e+00 : f32
          %parallel_loop3A_304 = vector.broadcast %parallel_loop3A_303 : f32 to vector<16xf32>
          %parallel_loop3A_305 = arith.mulf %parallel_loop3A_304, %parallel_loop3A_169 : vector<16xf32>
          %parallel_loop3A_306 = arith.mulf %parallel_loop3A_305, %parallel_loop3A_169 : vector<16xf32>
          %parallel_loop3A_307 = arith.mulf %parallel_loop3A_159, %parallel_loop3A_159 : vector<16xf32>
          %parallel_loop3A_308 = arith.subf %parallel_loop3A_306, %parallel_loop3A_307 : vector<16xf32>
          %parallel_loop3A_309 = arith.mulf %parallel_loop3A_164, %parallel_loop3A_164 : vector<16xf32>
          %parallel_loop3A_310 = arith.subf %parallel_loop3A_308, %parallel_loop3A_309 : vector<16xf32>
          %parallel_loop3A_311 = arith.constant 0.31539157 : f32
          %parallel_loop3A_312 = vector.broadcast %parallel_loop3A_311 : f32 to vector<16xf32>
          %parallel_loop3A_313 = arith.mulf %parallel_loop3A_312, %parallel_loop3A_310 : vector<16xf32>
          %parallel_loop3A_314 = arith.mulf %parallel_loop3A_313, %parallel_loop3A_205 : vector<16xf32>
          %parallel_loop3A_315 = arith.constant 1.09254849 : f32
          %parallel_loop3A_316 = vector.broadcast %parallel_loop3A_315 : f32 to vector<16xf32>
          %parallel_loop3A_317 = arith.mulf %parallel_loop3A_316, %parallel_loop3A_159 : vector<16xf32>
          %parallel_loop3A_318 = arith.mulf %parallel_loop3A_317, %parallel_loop3A_169 : vector<16xf32>
          %parallel_loop3A_319 = arith.mulf %parallel_loop3A_318, %parallel_loop3A_205 : vector<16xf32>
          %parallel_loop3A_320 = arith.mulf %parallel_loop3A_159, %parallel_loop3A_159 : vector<16xf32>
          %parallel_loop3A_321 = arith.mulf %parallel_loop3A_164, %parallel_loop3A_164 : vector<16xf32>
          %parallel_loop3A_322 = arith.subf %parallel_loop3A_320, %parallel_loop3A_321 : vector<16xf32>
          %parallel_loop3A_323 = arith.constant 0.546274245 : f32
          %parallel_loop3A_324 = vector.broadcast %parallel_loop3A_323 : f32 to vector<16xf32>
          %parallel_loop3A_325 = arith.mulf %parallel_loop3A_324, %parallel_loop3A_322 : vector<16xf32>
          %parallel_loop3A_326 = arith.mulf %parallel_loop3A_325, %parallel_loop3A_205 : vector<16xf32>
          %parallel_loop3A_327 = tpu.iota {dimensions = array<i32: 0>} : vector<16xi32>
          %parallel_loop3A_328 = arith.constant 16 : i32
          %parallel_loop3A_329 = arith.muli %parallel_loop3A_152, %parallel_loop3A_328 : i32
          %parallel_loop3A_330 = vector.broadcast %parallel_loop3A_329 : i32 to vector<16xi32>
          %parallel_loop3A_331 = arith.addi %parallel_loop3A_327, %parallel_loop3A_330 : vector<16xi32>
          %parallel_loop3A_332 = arith.constant 0 : i32
          %parallel_loop3A_333 = vector.broadcast %parallel_loop3A_332 : i32 to vector<16xi32>
          %parallel_loop3A_334 = arith.mulf %parallel_loop3A_280, %parallel_loop3A_260 : vector<16xf32>
          tpu.vector_store_idx %arg24[%parallel_loop3A_331, %parallel_loop3A_333], %parallel_loop3A_334 : memref<256x36xf32, #tpu.memory_space<vmem>>[vector<16xi32>, vector<16xi32>], vector<16xf32>,
          %parallel_loop3A_335 = arith.constant 1 : i32
          %parallel_loop3A_336 = vector.broadcast %parallel_loop3A_335 : i32 to vector<16xi32>
          %parallel_loop3A_337 = arith.mulf %parallel_loop3A_280, %parallel_loop3A_269 : vector<16xf32>
          tpu.vector_store_idx %arg24[%parallel_loop3A_331, %parallel_loop3A_336], %parallel_loop3A_337 : memref<256x36xf32, #tpu.memory_space<vmem>>[vector<16xi32>, vector<16xi32>], vector<16xf32>,
          %parallel_loop3A_338 = arith.constant 2 : i32
          %parallel_loop3A_339 = vector.broadcast %parallel_loop3A_338 : i32 to vector<16xi32>
          %parallel_loop3A_340 = arith.mulf %parallel_loop3A_280, %parallel_loop3A_273 : vector<16xf32>
          tpu.vector_store_idx %arg24[%parallel_loop3A_331, %parallel_loop3A_339], %parallel_loop3A_340 : memref<256x36xf32, #tpu.memory_space<vmem>>[vector<16xi32>, vector<16xi32>], vector<16xf32>,
          %parallel_loop3A_341 = arith.constant 3 : i32
          %parallel_loop3A_342 = vector.broadcast %parallel_loop3A_341 : i32 to vector<16xi32>
          %parallel_loop3A_343 = arith.mulf %parallel_loop3A_280, %parallel_loop3A_278 : vector<16xf32>
          tpu.vector_store_idx %arg24[%parallel_loop3A_331, %parallel_loop3A_342], %parallel_loop3A_343 : memref<256x36xf32, #tpu.memory_space<vmem>>[vector<16xi32>, vector<16xi32>], vector<16xf32>,
          %parallel_loop3A_344 = arith.constant 4 : i32
          %parallel_loop3A_345 = vector.broadcast %parallel_loop3A_344 : i32 to vector<16xi32>
          %parallel_loop3A_346 = arith.mulf %parallel_loop3A_284, %parallel_loop3A_260 : vector<16xf32>
          tpu.vector_store_idx %arg24[%parallel_loop3A_331, %parallel_loop3A_345], %parallel_loop3A_346 : memref<256x36xf32, #tpu.memory_space<vmem>>[vector<16xi32>, vector<16xi32>], vector<16xf32>,
          %parallel_loop3A_347 = arith.constant 5 : i32
          %parallel_loop3A_348 = vector.broadcast %parallel_loop3A_347 : i32 to vector<16xi32>
          %parallel_loop3A_349 = arith.mulf %parallel_loop3A_284, %parallel_loop3A_269 : vector<16xf32>
          tpu.vector_store_idx %arg24[%parallel_loop3A_331, %parallel_loop3A_348], %parallel_loop3A_349 : memref<256x36xf32, #tpu.memory_space<vmem>>[vector<16xi32>, vector<16xi32>], vector<16xf32>,
          %parallel_loop3A_350 = arith.constant 6 : i32
          %parallel_loop3A_351 = vector.broadcast %parallel_loop3A_350 : i32 to vector<16xi32>
          %parallel_loop3A_352 = arith.mulf %parallel_loop3A_284, %parallel_loop3A_273 : vector<16xf32>
          tpu.vector_store_idx %arg24[%parallel_loop3A_331, %parallel_loop3A_351], %parallel_loop3A_352 : memref<256x36xf32, #tpu.memory_space<vmem>>[vector<16xi32>, vector<16xi32>], vector<16xf32>,
          %parallel_loop3A_353 = arith.constant 7 : i32
          %parallel_loop3A_354 = vector.broadcast %parallel_loop3A_353 : i32 to vector<16xi32>
          %parallel_loop3A_355 = arith.mulf %parallel_loop3A_284, %parallel_loop3A_278 : vector<16xf32>
          tpu.vector_store_idx %arg24[%parallel_loop3A_331, %parallel_loop3A_354], %parallel_loop3A_355 : memref<256x36xf32, #tpu.memory_space<vmem>>[vector<16xi32>, vector<16xi32>], vector<16xf32>,
          %parallel_loop3A_356 = arith.constant 8 : i32
          %parallel_loop3A_357 = vector.broadcast %parallel_loop3A_356 : i32 to vector<16xi32>
          %parallel_loop3A_358 = arith.mulf %parallel_loop3A_288, %parallel_loop3A_260 : vector<16xf32>
          tpu.vector_store_idx %arg24[%parallel_loop3A_331, %parallel_loop3A_357], %parallel_loop3A_358 : memref<256x36xf32, #tpu.memory_space<vmem>>[vector<16xi32>, vector<16xi32>], vector<16xf32>,
          %parallel_loop3A_359 = arith.constant 9 : i32
          %parallel_loop3A_360 = vector.broadcast %parallel_loop3A_359 : i32 to vector<16xi32>
          %parallel_loop3A_361 = arith.mulf %parallel_loop3A_288, %parallel_loop3A_269 : vector<16xf32>
          tpu.vector_store_idx %arg24[%parallel_loop3A_331, %parallel_loop3A_360], %parallel_loop3A_361 : memref<256x36xf32, #tpu.memory_space<vmem>>[vector<16xi32>, vector<16xi32>], vector<16xf32>,
          %parallel_loop3A_362 = arith.constant 10 : i32
          %parallel_loop3A_363 = vector.broadcast %parallel_loop3A_362 : i32 to vector<16xi32>
          %parallel_loop3A_364 = arith.mulf %parallel_loop3A_288, %parallel_loop3A_273 : vector<16xf32>
          tpu.vector_store_idx %arg24[%parallel_loop3A_331, %parallel_loop3A_363], %parallel_loop3A_364 : memref<256x36xf32, #tpu.memory_space<vmem>>[vector<16xi32>, vector<16xi32>], vector<16xf32>,
          %parallel_loop3A_365 = arith.constant 11 : i32
          %parallel_loop3A_366 = vector.broadcast %parallel_loop3A_365 : i32 to vector<16xi32>
          %parallel_loop3A_367 = arith.mulf %parallel_loop3A_288, %parallel_loop3A_278 : vector<16xf32>
          tpu.vector_store_idx %arg24[%parallel_loop3A_331, %parallel_loop3A_366], %parallel_loop3A_367 : memref<256x36xf32, #tpu.memory_space<vmem>>[vector<16xi32>, vector<16xi32>], vector<16xf32>,
          %parallel_loop3A_368 = arith.constant 12 : i32
          %parallel_loop3A_369 = vector.broadcast %parallel_loop3A_368 : i32 to vector<16xi32>
          %parallel_loop3A_370 = arith.mulf %parallel_loop3A_292, %parallel_loop3A_260 : vector<16xf32>
          tpu.vector_store_idx %arg24[%parallel_loop3A_331, %parallel_loop3A_369], %parallel_loop3A_370 : memref<256x36xf32, #tpu.memory_space<vmem>>[vector<16xi32>, vector<16xi32>], vector<16xf32>,
          %parallel_loop3A_371 = arith.constant 13 : i32
          %parallel_loop3A_372 = vector.broadcast %parallel_loop3A_371 : i32 to vector<16xi32>
          %parallel_loop3A_373 = arith.mulf %parallel_loop3A_292, %parallel_loop3A_269 : vector<16xf32>
          tpu.vector_store_idx %arg24[%parallel_loop3A_331, %parallel_loop3A_372], %parallel_loop3A_373 : memref<256x36xf32, #tpu.memory_space<vmem>>[vector<16xi32>, vector<16xi32>], vector<16xf32>,
          %parallel_loop3A_374 = arith.constant 14 : i32
          %parallel_loop3A_375 = vector.broadcast %parallel_loop3A_374 : i32 to vector<16xi32>
          %parallel_loop3A_376 = arith.mulf %parallel_loop3A_292, %parallel_loop3A_273 : vector<16xf32>
          tpu.vector_store_idx %arg24[%parallel_loop3A_331, %parallel_loop3A_375], %parallel_loop3A_376 : memref<256x36xf32, #tpu.memory_space<vmem>>[vector<16xi32>, vector<16xi32>], vector<16xf32>,
          %parallel_loop3A_377 = arith.constant 15 : i32
          %parallel_loop3A_378 = vector.broadcast %parallel_loop3A_377 : i32 to vector<16xi32>
          %parallel_loop3A_379 = arith.mulf %parallel_loop3A_292, %parallel_loop3A_278 : vector<16xf32>
          tpu.vector_store_idx %arg24[%parallel_loop3A_331, %parallel_loop3A_378], %parallel_loop3A_379 : memref<256x36xf32, #tpu.memory_space<vmem>>[vector<16xi32>, vector<16xi32>], vector<16xf32>,
          %parallel_loop3A_380 = arith.constant 16 : i32
          %parallel_loop3A_381 = vector.broadcast %parallel_loop3A_380 : i32 to vector<16xi32>
          %parallel_loop3A_382 = arith.mulf %parallel_loop3A_297, %parallel_loop3A_260 : vector<16xf32>
          tpu.vector_store_idx %arg24[%parallel_loop3A_331, %parallel_loop3A_381], %parallel_loop3A_382 : memref<256x36xf32, #tpu.memory_space<vmem>>[vector<16xi32>, vector<16xi32>], vector<16xf32>,
          %parallel_loop3A_383 = arith.constant 17 : i32
          %parallel_loop3A_384 = vector.broadcast %parallel_loop3A_383 : i32 to vector<16xi32>
          %parallel_loop3A_385 = arith.mulf %parallel_loop3A_297, %parallel_loop3A_269 : vector<16xf32>
          tpu.vector_store_idx %arg24[%parallel_loop3A_331, %parallel_loop3A_384], %parallel_loop3A_385 : memref<256x36xf32, #tpu.memory_space<vmem>>[vector<16xi32>, vector<16xi32>], vector<16xf32>,
          %parallel_loop3A_386 = arith.constant 18 : i32
          %parallel_loop3A_387 = vector.broadcast %parallel_loop3A_386 : i32 to vector<16xi32>
          %parallel_loop3A_388 = arith.mulf %parallel_loop3A_297, %parallel_loop3A_273 : vector<16xf32>
          tpu.vector_store_idx %arg24[%parallel_loop3A_331, %parallel_loop3A_387], %parallel_loop3A_388 : memref<256x36xf32, #tpu.memory_space<vmem>>[vector<16xi32>, vector<16xi32>], vector<16xf32>,
          %parallel_loop3A_389 = arith.constant 19 : i32
          %parallel_loop3A_390 = vector.broadcast %parallel_loop3A_389 : i32 to vector<16xi32>
          %parallel_loop3A_391 = arith.mulf %parallel_loop3A_297, %parallel_loop3A_278 : vector<16xf32>
          tpu.vector_store_idx %arg24[%parallel_loop3A_331, %parallel_loop3A_390], %parallel_loop3A_391 : memref<256x36xf32, #tpu.memory_space<vmem>>[vector<16xi32>, vector<16xi32>], vector<16xf32>,
          %parallel_loop3A_392 = arith.constant 20 : i32
          %parallel_loop3A_393 = vector.broadcast %parallel_loop3A_392 : i32 to vector<16xi32>
          %parallel_loop3A_394 = arith.mulf %parallel_loop3A_302, %parallel_loop3A_260 : vector<16xf32>
          tpu.vector_store_idx %arg24[%parallel_loop3A_331, %parallel_loop3A_393], %parallel_loop3A_394 : memref<256x36xf32, #tpu.memory_space<vmem>>[vector<16xi32>, vector<16xi32>], vector<16xf32>,
          %parallel_loop3A_395 = arith.constant 21 : i32
          %parallel_loop3A_396 = vector.broadcast %parallel_loop3A_395 : i32 to vector<16xi32>
          %parallel_loop3A_397 = arith.mulf %parallel_loop3A_302, %parallel_loop3A_269 : vector<16xf32>
          tpu.vector_store_idx %arg24[%parallel_loop3A_331, %parallel_loop3A_396], %parallel_loop3A_397 : memref<256x36xf32, #tpu.memory_space<vmem>>[vector<16xi32>, vector<16xi32>], vector<16xf32>,
          %parallel_loop3A_398 = arith.constant 22 : i32
          %parallel_loop3A_399 = vector.broadcast %parallel_loop3A_398 : i32 to vector<16xi32>
          %parallel_loop3A_400 = arith.mulf %parallel_loop3A_302, %parallel_loop3A_273 : vector<16xf32>
          tpu.vector_store_idx %arg24[%parallel_loop3A_331, %parallel_loop3A_399], %parallel_loop3A_400 : memref<256x36xf32, #tpu.memory_space<vmem>>[vector<16xi32>, vector<16xi32>], vector<16xf32>,
          %parallel_loop3A_401 = arith.constant 23 : i32
          %parallel_loop3A_402 = vector.broadcast %parallel_loop3A_401 : i32 to vector<16xi32>
          %parallel_loop3A_403 = arith.mulf %parallel_loop3A_302, %parallel_loop3A_278 : vector<16xf32>
          tpu.vector_store_idx %arg24[%parallel_loop3A_331, %parallel_loop3A_402], %parallel_loop3A_403 : memref<256x36xf32, #tpu.memory_space<vmem>>[vector<16xi32>, vector<16xi32>], vector<16xf32>,
          %parallel_loop3A_404 = arith.constant 24 : i32
          %parallel_loop3A_405 = vector.broadcast %parallel_loop3A_404 : i32 to vector<16xi32>
          %parallel_loop3A_406 = arith.mulf %parallel_loop3A_314, %parallel_loop3A_260 : vector<16xf32>
          tpu.vector_store_idx %arg24[%parallel_loop3A_331, %parallel_loop3A_405], %parallel_loop3A_406 : memref<256x36xf32, #tpu.memory_space<vmem>>[vector<16xi32>, vector<16xi32>], vector<16xf32>,
          %parallel_loop3A_407 = arith.constant 25 : i32
          %parallel_loop3A_408 = vector.broadcast %parallel_loop3A_407 : i32 to vector<16xi32>
          %parallel_loop3A_409 = arith.mulf %parallel_loop3A_314, %parallel_loop3A_269 : vector<16xf32>
          tpu.vector_store_idx %arg24[%parallel_loop3A_331, %parallel_loop3A_408], %parallel_loop3A_409 : memref<256x36xf32, #tpu.memory_space<vmem>>[vector<16xi32>, vector<16xi32>], vector<16xf32>,
          %parallel_loop3A_410 = arith.constant 26 : i32
          %parallel_loop3A_411 = vector.broadcast %parallel_loop3A_410 : i32 to vector<16xi32>
          %parallel_loop3A_412 = arith.mulf %parallel_loop3A_314, %parallel_loop3A_273 : vector<16xf32>
          tpu.vector_store_idx %arg24[%parallel_loop3A_331, %parallel_loop3A_411], %parallel_loop3A_412 : memref<256x36xf32, #tpu.memory_space<vmem>>[vector<16xi32>, vector<16xi32>], vector<16xf32>,
          %parallel_loop3A_413 = arith.constant 27 : i32
          %parallel_loop3A_414 = vector.broadcast %parallel_loop3A_413 : i32 to vector<16xi32>
          %parallel_loop3A_415 = arith.mulf %parallel_loop3A_314, %parallel_loop3A_278 : vector<16xf32>
          tpu.vector_store_idx %arg24[%parallel_loop3A_331, %parallel_loop3A_414], %parallel_loop3A_415 : memref<256x36xf32, #tpu.memory_space<vmem>>[vector<16xi32>, vector<16xi32>], vector<16xf32>,
          %parallel_loop3A_416 = arith.constant 28 : i32
          %parallel_loop3A_417 = vector.broadcast %parallel_loop3A_416 : i32 to vector<16xi32>
          %parallel_loop3A_418 = arith.mulf %parallel_loop3A_319, %parallel_loop3A_260 : vector<16xf32>
          tpu.vector_store_idx %arg24[%parallel_loop3A_331, %parallel_loop3A_417], %parallel_loop3A_418 : memref<256x36xf32, #tpu.memory_space<vmem>>[vector<16xi32>, vector<16xi32>], vector<16xf32>,
          %parallel_loop3A_419 = arith.constant 29 : i32
          %parallel_loop3A_420 = vector.broadcast %parallel_loop3A_419 : i32 to vector<16xi32>
          %parallel_loop3A_421 = arith.mulf %parallel_loop3A_319, %parallel_loop3A_269 : vector<16xf32>
          tpu.vector_store_idx %arg24[%parallel_loop3A_331, %parallel_loop3A_420], %parallel_loop3A_421 : memref<256x36xf32, #tpu.memory_space<vmem>>[vector<16xi32>, vector<16xi32>], vector<16xf32>,
          %parallel_loop3A_422 = arith.constant 30 : i32
          %parallel_loop3A_423 = vector.broadcast %parallel_loop3A_422 : i32 to vector<16xi32>
          %parallel_loop3A_424 = arith.mulf %parallel_loop3A_319, %parallel_loop3A_273 : vector<16xf32>
          tpu.vector_store_idx %arg24[%parallel_loop3A_331, %parallel_loop3A_423], %parallel_loop3A_424 : memref<256x36xf32, #tpu.memory_space<vmem>>[vector<16xi32>, vector<16xi32>], vector<16xf32>,
          %parallel_loop3A_425 = arith.constant 31 : i32
          %parallel_loop3A_426 = vector.broadcast %parallel_loop3A_425 : i32 to vector<16xi32>
          %parallel_loop3A_427 = arith.mulf %parallel_loop3A_319, %parallel_loop3A_278 : vector<16xf32>
          tpu.vector_store_idx %arg24[%parallel_loop3A_331, %parallel_loop3A_426], %parallel_loop3A_427 : memref<256x36xf32, #tpu.memory_space<vmem>>[vector<16xi32>, vector<16xi32>], vector<16xf32>,
          %parallel_loop3A_428 = arith.constant 32 : i32
          %parallel_loop3A_429 = vector.broadcast %parallel_loop3A_428 : i32 to vector<16xi32>
          %parallel_loop3A_430 = arith.mulf %parallel_loop3A_326, %parallel_loop3A_260 : vector<16xf32>
          tpu.vector_store_idx %arg24[%parallel_loop3A_331, %parallel_loop3A_429], %parallel_loop3A_430 : memref<256x36xf32, #tpu.memory_space<vmem>>[vector<16xi32>, vector<16xi32>], vector<16xf32>,
          %parallel_loop3A_431 = arith.constant 33 : i32
          %parallel_loop3A_432 = vector.broadcast %parallel_loop3A_431 : i32 to vector<16xi32>
          %parallel_loop3A_433 = arith.mulf %parallel_loop3A_326, %parallel_loop3A_269 : vector<16xf32>
          tpu.vector_store_idx %arg24[%parallel_loop3A_331, %parallel_loop3A_432], %parallel_loop3A_433 : memref<256x36xf32, #tpu.memory_space<vmem>>[vector<16xi32>, vector<16xi32>], vector<16xf32>,
          %parallel_loop3A_434 = arith.constant 34 : i32
          %parallel_loop3A_435 = vector.broadcast %parallel_loop3A_434 : i32 to vector<16xi32>
          %parallel_loop3A_436 = arith.mulf %parallel_loop3A_326, %parallel_loop3A_273 : vector<16xf32>
          tpu.vector_store_idx %arg24[%parallel_loop3A_331, %parallel_loop3A_435], %parallel_loop3A_436 : memref<256x36xf32, #tpu.memory_space<vmem>>[vector<16xi32>, vector<16xi32>], vector<16xf32>,
          %parallel_loop3A_437 = arith.constant 35 : i32
          %parallel_loop3A_438 = vector.broadcast %parallel_loop3A_437 : i32 to vector<16xi32>
          %parallel_loop3A_439 = arith.mulf %parallel_loop3A_326, %parallel_loop3A_278 : vector<16xf32>
          tpu.vector_store_idx %arg24[%parallel_loop3A_331, %parallel_loop3A_438], %parallel_loop3A_439 : memref<256x36xf32, #tpu.memory_space<vmem>>[vector<16xi32>, vector<16xi32>], vector<16xf32>,
        } {sc.loop_unroll_factor = 4 : i64, sc.parallel_access}
        %mul3A_143 = arith.constant 32 : i32
        %mul3A_144 = arith.muli %add3A_102, %mul3A_143 : i32
        %add3A_145 = arith.addi %add3A, %mul3A_144 : i32
        %mul3A_146 = arith.constant 256 : i32
        %mul3A_147 = arith.muli %add3A_145, %mul3A_146 : i32
        %dma_start3A_148 = arith.constant 0 : i32
        %dma_start3A_149 = tpu.memref_slice %arg7[%mul3A_147, %dma_start3A_148] : memref<800000x36xf32, #tpu.memory_space<hbm>> -> memref<256x36xf32, #tpu.memory_space<hbm>>
        %dma_start3A_150 = arith.constant 0 : i32
        %dma_start3A_151 = tpu.memref_slice %arg7[%mul3A_147, %dma_start3A_150] : memref<800000x36xf32, #tpu.memory_space<hbm>> -> memref<256x36xf32, #tpu.memory_space<hbm>>
        tpu.enqueue_dma source(%arg24 : memref<256x36xf32, #tpu.memory_space<vmem>>) target(%dma_start3A_151 : memref<256x36xf32, #tpu.memory_space<hbm>>) target_semaphore(%arg33 : memref<!tpu.dma_semaphore, #tpu.memory_space<semaphore_mem>>)
      } else {
      }
      %add3A_106 = arith.constant 1 : i32
      %add3A_107 = arith.addi %add3A_100, %add3A_106 : i32
      %lt3A_108 = arith.cmpi slt, %add3A_107, %add3A_20 : i32
      %convert_element_type3A_109 = arith.extui %lt3A_108 : i1 to i32
      %cond3A_110 = arith.constant 0 : i32
      %cond3A_111 = arith.cmpi ne, %convert_element_type3A_109, %cond3A_110 : i32
      scf.if %cond3A_111 {
        %dma_wait3A_112 = arith.constant 0 : i32
        %dma_wait3A_113 = tpu.memref_slice %arg26[%dma_wait3A_112] : memref<50000xf32, #tpu.memory_space<vmem_shared>> -> memref<50000xf32, #tpu.memory_space<vmem_shared>>
        tpu.wait_indirect_dma semaphore(%arg32 : memref<!tpu.dma_semaphore, #tpu.memory_space<semaphore_mem>>) src(%dma_wait3A_113 : memref<50000xf32, #tpu.memory_space<vmem_shared>>) dst(%arg18 : memref<256xf32, #tpu.memory_space<vmem>>)
        %dma_wait3A_114 = arith.constant 0 : i32
        %dma_wait3A_115 = tpu.memref_slice %arg27[%dma_wait3A_114] : memref<50000xf32, #tpu.memory_space<vmem_shared>> -> memref<50000xf32, #tpu.memory_space<vmem_shared>>
        tpu.wait_indirect_dma semaphore(%arg32 : memref<!tpu.dma_semaphore, #tpu.memory_space<semaphore_mem>>) src(%dma_wait3A_115 : memref<50000xf32, #tpu.memory_space<vmem_shared>>) dst(%arg19 : memref<256xf32, #tpu.memory_space<vmem>>)
        %dma_wait3A_116 = arith.constant 0 : i32
        %dma_wait3A_117 = tpu.memref_slice %arg28[%dma_wait3A_116] : memref<50000xf32, #tpu.memory_space<vmem_shared>> -> memref<50000xf32, #tpu.memory_space<vmem_shared>>
        tpu.wait_indirect_dma semaphore(%arg32 : memref<!tpu.dma_semaphore, #tpu.memory_space<semaphore_mem>>) src(%dma_wait3A_117 : memref<50000xf32, #tpu.memory_space<vmem_shared>>) dst(%arg20 : memref<256xf32, #tpu.memory_space<vmem>>)
        %dma_wait3A_118 = arith.constant 0 : i32
        %dma_wait3A_119 = tpu.memref_slice %arg26[%dma_wait3A_118] : memref<50000xf32, #tpu.memory_space<vmem_shared>> -> memref<50000xf32, #tpu.memory_space<vmem_shared>>
        tpu.wait_indirect_dma semaphore(%arg32 : memref<!tpu.dma_semaphore, #tpu.memory_space<semaphore_mem>>) src(%dma_wait3A_119 : memref<50000xf32, #tpu.memory_space<vmem_shared>>) dst(%arg21 : memref<256xf32, #tpu.memory_space<vmem>>)
        %dma_wait3A_120 = arith.constant 0 : i32
        %dma_wait3A_121 = tpu.memref_slice %arg27[%dma_wait3A_120] : memref<50000xf32, #tpu.memory_space<vmem_shared>> -> memref<50000xf32, #tpu.memory_space<vmem_shared>>
        tpu.wait_indirect_dma semaphore(%arg32 : memref<!tpu.dma_semaphore, #tpu.memory_space<semaphore_mem>>) src(%dma_wait3A_121 : memref<50000xf32, #tpu.memory_space<vmem_shared>>) dst(%arg22 : memref<256xf32, #tpu.memory_space<vmem>>)
        %dma_wait3A_122 = arith.constant 0 : i32
        %dma_wait3A_123 = tpu.memref_slice %arg28[%dma_wait3A_122] : memref<50000xf32, #tpu.memory_space<vmem_shared>> -> memref<50000xf32, #tpu.memory_space<vmem_shared>>
        tpu.wait_indirect_dma semaphore(%arg32 : memref<!tpu.dma_semaphore, #tpu.memory_space<semaphore_mem>>) src(%dma_wait3A_123 : memref<50000xf32, #tpu.memory_space<vmem_shared>>) dst(%arg23 : memref<256xf32, #tpu.memory_space<vmem>>)
        %add3A_124 = arith.constant 2 : i32
        %add3A_125 = arith.addi %add3A_107, %add3A_124 : i32
        %lt3A_126 = arith.cmpi slt, %add3A_125, %add3A_20 : i32
        %convert_element_type3A_127 = arith.extui %lt3A_126 : i1 to i32
        %cond3A_128 = arith.constant 0 : i32
        %cond3A_129 = arith.cmpi ne, %convert_element_type3A_127, %cond3A_128 : i32
        scf.if %cond3A_129 {
          %add3A_152 = arith.constant 2 : i32
          %add3A_153 = arith.addi %add3A_107, %add3A_152 : i32
          %mul3A_154 = arith.constant 32 : i32
          %mul3A_155 = arith.muli %add3A_153, %mul3A_154 : i32
          %add3A_156 = arith.addi %add3A, %mul3A_155 : i32
          %dma_start3A_157 = arith.constant 0 : i32
          %dma_start3A_158 = tpu.memref_slice %arg5[%add3A_156, %dma_start3A_157] : memref<3125x256xi32, #tpu.memory_space<hbm>> -> memref<1x256xi32, #tpu.memory_space<hbm>>
          %dma_start3A_159 = tpu.memref_squeeze %dma_start3A_158 : memref<1x256xi32, #tpu.memory_space<hbm>> -> memref<256xi32, #tpu.memory_space<hbm>>
          %dma_start3A_160 = arith.constant 0 : i32
          %dma_start3A_161 = tpu.memref_slice %arg5[%add3A_156, %dma_start3A_160] : memref<3125x256xi32, #tpu.memory_space<hbm>> -> memref<1x256xi32, #tpu.memory_space<hbm>>
          %dma_start3A_162 = tpu.memref_squeeze %dma_start3A_161 : memref<1x256xi32, #tpu.memory_space<hbm>> -> memref<256xi32, #tpu.memory_space<hbm>>
          tpu.enqueue_dma source(%dma_start3A_162 : memref<256xi32, #tpu.memory_space<hbm>>) target(%arg9 : memref<256xi32, #tpu.memory_space<vmem>>) target_semaphore(%arg30 : memref<!tpu.dma_semaphore, #tpu.memory_space<semaphore_mem>>)
          %mul3A_163 = arith.constant 32 : i32
          %mul3A_164 = arith.muli %add3A_153, %mul3A_163 : i32
          %add3A_165 = arith.addi %add3A, %mul3A_164 : i32
          %dma_start3A_166 = arith.constant 0 : i32
          %dma_start3A_167 = tpu.memref_slice %arg6[%add3A_165, %dma_start3A_166] : memref<3125x256xi32, #tpu.memory_space<hbm>> -> memref<1x256xi32, #tpu.memory_space<hbm>>
          %dma_start3A_168 = tpu.memref_squeeze %dma_start3A_167 : memref<1x256xi32, #tpu.memory_space<hbm>> -> memref<256xi32, #tpu.memory_space<hbm>>
          %dma_start3A_169 = arith.constant 0 : i32
          %dma_start3A_170 = tpu.memref_slice %arg6[%add3A_165, %dma_start3A_169] : memref<3125x256xi32, #tpu.memory_space<hbm>> -> memref<1x256xi32, #tpu.memory_space<hbm>>
          %dma_start3A_171 = tpu.memref_squeeze %dma_start3A_170 : memref<1x256xi32, #tpu.memory_space<hbm>> -> memref<256xi32, #tpu.memory_space<hbm>>
          tpu.enqueue_dma source(%dma_start3A_171 : memref<256xi32, #tpu.memory_space<hbm>>) target(%arg11 : memref<256xi32, #tpu.memory_space<vmem>>) target_semaphore(%arg30 : memref<!tpu.dma_semaphore, #tpu.memory_space<semaphore_mem>>)
        } else {
        }
        %add3A_130 = arith.constant 1 : i32
        %add3A_131 = arith.addi %add3A_107, %add3A_130 : i32
        %lt3A_132 = arith.cmpi slt, %add3A_131, %add3A_20 : i32
        %convert_element_type3A_133 = arith.extui %lt3A_132 : i1 to i32
        %cond3A_134 = arith.constant 0 : i32
        %cond3A_135 = arith.cmpi ne, %convert_element_type3A_133, %cond3A_134 : i32
        scf.if %cond3A_135 {
          %dma_wait3A_152 = arith.constant 0 : i32
          %dma_wait3A_153 = arith.constant 0 : i32
          %dma_wait3A_154 = tpu.memref_slice %arg5[%dma_wait3A_152, %dma_wait3A_153] : memref<3125x256xi32, #tpu.memory_space<hbm>> -> memref<1x256xi32, #tpu.memory_space<hbm>>
          %dma_wait3A_155 = tpu.memref_squeeze %dma_wait3A_154 : memref<1x256xi32, #tpu.memory_space<hbm>> -> memref<256xi32, #tpu.memory_space<hbm>>
          %dma_wait3A_156 = arith.constant 0 : i32
          %dma_wait3A_157 = tpu.memref_slice %arg5[%dma_wait3A_152, %dma_wait3A_156] : memref<3125x256xi32, #tpu.memory_space<hbm>> -> memref<1x256xi32, #tpu.memory_space<hbm>>
          %dma_wait3A_158 = tpu.memref_squeeze %dma_wait3A_157 : memref<1x256xi32, #tpu.memory_space<hbm>> -> memref<256xi32, #tpu.memory_space<hbm>>
          tpu.wait_dma2 semaphore(%arg29 : memref<!tpu.dma_semaphore, #tpu.memory_space<semaphore_mem>>) src(%dma_wait3A_158 : memref<256xi32, #tpu.memory_space<hbm>>) dst(%arg8 : memref<256xi32, #tpu.memory_space<vmem>>)
          %dma_wait3A_159 = arith.constant 0 : i32
          %dma_wait3A_160 = arith.constant 0 : i32
          %dma_wait3A_161 = tpu.memref_slice %arg6[%dma_wait3A_159, %dma_wait3A_160] : memref<3125x256xi32, #tpu.memory_space<hbm>> -> memref<1x256xi32, #tpu.memory_space<hbm>>
          %dma_wait3A_162 = tpu.memref_squeeze %dma_wait3A_161 : memref<1x256xi32, #tpu.memory_space<hbm>> -> memref<256xi32, #tpu.memory_space<hbm>>
          %dma_wait3A_163 = arith.constant 0 : i32
          %dma_wait3A_164 = tpu.memref_slice %arg6[%dma_wait3A_159, %dma_wait3A_163] : memref<3125x256xi32, #tpu.memory_space<hbm>> -> memref<1x256xi32, #tpu.memory_space<hbm>>
          %dma_wait3A_165 = tpu.memref_squeeze %dma_wait3A_164 : memref<1x256xi32, #tpu.memory_space<hbm>> -> memref<256xi32, #tpu.memory_space<hbm>>
          tpu.wait_dma2 semaphore(%arg29 : memref<!tpu.dma_semaphore, #tpu.memory_space<semaphore_mem>>) src(%dma_wait3A_165 : memref<256xi32, #tpu.memory_space<hbm>>) dst(%arg10 : memref<256xi32, #tpu.memory_space<vmem>>)
          %dma_start3A_166 = arith.constant 0 : i32
          %dma_start3A_167 = tpu.memref_slice %arg26[%dma_start3A_166] : memref<50000xf32, #tpu.memory_space<vmem_shared>> -> memref<50000xf32, #tpu.memory_space<vmem_shared>>
          tpu.enqueue_indirect_dma source(%dma_start3A_167 : memref<50000xf32, #tpu.memory_space<vmem_shared>>) target(%arg12 : memref<256xf32, #tpu.memory_space<vmem>>) offsets(%arg8 : memref<256xi32, #tpu.memory_space<vmem>>) semaphore(%arg31 : memref<!tpu.dma_semaphore, #tpu.memory_space<semaphore_mem>>)
          %dma_start3A_168 = arith.constant 0 : i32
          %dma_start3A_169 = tpu.memref_slice %arg27[%dma_start3A_168] : memref<50000xf32, #tpu.memory_space<vmem_shared>> -> memref<50000xf32, #tpu.memory_space<vmem_shared>>
          tpu.enqueue_indirect_dma source(%dma_start3A_169 : memref<50000xf32, #tpu.memory_space<vmem_shared>>) target(%arg13 : memref<256xf32, #tpu.memory_space<vmem>>) offsets(%arg8 : memref<256xi32, #tpu.memory_space<vmem>>) semaphore(%arg31 : memref<!tpu.dma_semaphore, #tpu.memory_space<semaphore_mem>>)
          %dma_start3A_170 = arith.constant 0 : i32
          %dma_start3A_171 = tpu.memref_slice %arg28[%dma_start3A_170] : memref<50000xf32, #tpu.memory_space<vmem_shared>> -> memref<50000xf32, #tpu.memory_space<vmem_shared>>
          tpu.enqueue_indirect_dma source(%dma_start3A_171 : memref<50000xf32, #tpu.memory_space<vmem_shared>>) target(%arg14 : memref<256xf32, #tpu.memory_space<vmem>>) offsets(%arg8 : memref<256xi32, #tpu.memory_space<vmem>>) semaphore(%arg31 : memref<!tpu.dma_semaphore, #tpu.memory_space<semaphore_mem>>)
          %dma_start3A_172 = arith.constant 0 : i32
          %dma_start3A_173 = tpu.memref_slice %arg26[%dma_start3A_172] : memref<50000xf32, #tpu.memory_space<vmem_shared>> -> memref<50000xf32, #tpu.memory_space<vmem_shared>>
          tpu.enqueue_indirect_dma source(%dma_start3A_173 : memref<50000xf32, #tpu.memory_space<vmem_shared>>) target(%arg15 : memref<256xf32, #tpu.memory_space<vmem>>) offsets(%arg10 : memref<256xi32, #tpu.memory_space<vmem>>) semaphore(%arg31 : memref<!tpu.dma_semaphore, #tpu.memory_space<semaphore_mem>>)
          %dma_start3A_174 = arith.constant 0 : i32
          %dma_start3A_175 = tpu.memref_slice %arg27[%dma_start3A_174] : memref<50000xf32, #tpu.memory_space<vmem_shared>> -> memref<50000xf32, #tpu.memory_space<vmem_shared>>
          tpu.enqueue_indirect_dma source(%dma_start3A_175 : memref<50000xf32, #tpu.memory_space<vmem_shared>>) target(%arg16 : memref<256xf32, #tpu.memory_space<vmem>>) offsets(%arg10 : memref<256xi32, #tpu.memory_space<vmem>>) semaphore(%arg31 : memref<!tpu.dma_semaphore, #tpu.memory_space<semaphore_mem>>)
          %dma_start3A_176 = arith.constant 0 : i32
          %dma_start3A_177 = tpu.memref_slice %arg28[%dma_start3A_176] : memref<50000xf32, #tpu.memory_space<vmem_shared>> -> memref<50000xf32, #tpu.memory_space<vmem_shared>>
          tpu.enqueue_indirect_dma source(%dma_start3A_177 : memref<50000xf32, #tpu.memory_space<vmem_shared>>) target(%arg17 : memref<256xf32, #tpu.memory_space<vmem>>) offsets(%arg10 : memref<256xi32, #tpu.memory_space<vmem>>) semaphore(%arg31 : memref<!tpu.dma_semaphore, #tpu.memory_space<semaphore_mem>>)
        } else {
        }
        %ge3A_136 = arith.constant 2 : i32
        %ge3A_137 = arith.cmpi sge, %add3A_107, %ge3A_136 : i32
        %convert_element_type3A_138 = arith.extui %ge3A_137 : i1 to i32
        %cond3A_139 = arith.constant 0 : i32
        %cond3A_140 = arith.cmpi ne, %convert_element_type3A_138, %cond3A_139 : i32
        scf.if %cond3A_140 {
          %dma_wait3A_152 = arith.constant 0 : i32
          %dma_wait3A_153 = arith.constant 0 : i32
          %dma_wait3A_154 = tpu.memref_slice %arg7[%dma_wait3A_152, %dma_wait3A_153] : memref<800000x36xf32, #tpu.memory_space<hbm>> -> memref<256x36xf32, #tpu.memory_space<hbm>>
          %dma_wait3A_155 = arith.constant 0 : i32
          %dma_wait3A_156 = arith.constant 0 : i32
          %dma_wait3A_157 = tpu.memref_slice %arg7[%dma_wait3A_155, %dma_wait3A_156] : memref<800000x36xf32, #tpu.memory_space<hbm>> -> memref<256x36xf32, #tpu.memory_space<hbm>>
          tpu.wait_dma2 semaphore(%arg34 : memref<!tpu.dma_semaphore, #tpu.memory_space<semaphore_mem>>) src(%arg25 : memref<256x36xf32, #tpu.memory_space<vmem>>) dst(%dma_wait3A_157 : memref<256x36xf32, #tpu.memory_space<hbm>>)
        } else {
        }
        %parallel_loop3A = arith.constant 0 : i32
        %parallel_loop3A_141 = arith.constant 16 : i32
        %parallel_loop3A_142 = arith.constant 1 : i32
        scf.for %parallel_loop3A_152 = %parallel_loop3A to %parallel_loop3A_141 step %parallel_loop3A_142  : i32 {
          %parallel_loop3A_153 = arith.constant 16 : i32
          %parallel_loop3A_154 = arith.muli %parallel_loop3A_152, %parallel_loop3A_153 : i32
          %parallel_loop3A_155 = arith.index_cast %parallel_loop3A_154 : i32 to index
          %parallel_loop3A_156 = tpu.vector_load %arg21[%parallel_loop3A_155] {strides = array<i32>} : memref<256xf32, #tpu.memory_space<vmem>>, vector<16xf32>,
          %parallel_loop3A_157 = arith.index_cast %parallel_loop3A_154 : i32 to index
          %parallel_loop3A_158 = tpu.vector_load %arg18[%parallel_loop3A_157] {strides = array<i32>} : memref<256xf32, #tpu.memory_space<vmem>>, vector<16xf32>,
          %parallel_loop3A_159 = arith.subf %parallel_loop3A_156, %parallel_loop3A_158 : vector<16xf32>
          %parallel_loop3A_160 = arith.index_cast %parallel_loop3A_154 : i32 to index
          %parallel_loop3A_161 = tpu.vector_load %arg22[%parallel_loop3A_160] {strides = array<i32>} : memref<256xf32, #tpu.memory_space<vmem>>, vector<16xf32>,
          %parallel_loop3A_162 = arith.index_cast %parallel_loop3A_154 : i32 to index
          %parallel_loop3A_163 = tpu.vector_load %arg19[%parallel_loop3A_162] {strides = array<i32>} : memref<256xf32, #tpu.memory_space<vmem>>, vector<16xf32>,
          %parallel_loop3A_164 = arith.subf %parallel_loop3A_161, %parallel_loop3A_163 : vector<16xf32>
          %parallel_loop3A_165 = arith.index_cast %parallel_loop3A_154 : i32 to index
          %parallel_loop3A_166 = tpu.vector_load %arg23[%parallel_loop3A_165] {strides = array<i32>} : memref<256xf32, #tpu.memory_space<vmem>>, vector<16xf32>,
          %parallel_loop3A_167 = arith.index_cast %parallel_loop3A_154 : i32 to index
          %parallel_loop3A_168 = tpu.vector_load %arg20[%parallel_loop3A_167] {strides = array<i32>} : memref<256xf32, #tpu.memory_space<vmem>>, vector<16xf32>,
          %parallel_loop3A_169 = arith.subf %parallel_loop3A_166, %parallel_loop3A_168 : vector<16xf32>
          %parallel_loop3A_170 = arith.mulf %parallel_loop3A_159, %parallel_loop3A_159 : vector<16xf32>
          %parallel_loop3A_171 = arith.mulf %parallel_loop3A_164, %parallel_loop3A_164 : vector<16xf32>
          %parallel_loop3A_172 = arith.addf %parallel_loop3A_170, %parallel_loop3A_171 : vector<16xf32>
          %parallel_loop3A_173 = arith.mulf %parallel_loop3A_169, %parallel_loop3A_169 : vector<16xf32>
          %parallel_loop3A_174 = arith.addf %parallel_loop3A_172, %parallel_loop3A_173 : vector<16xf32>
          %parallel_loop3A_175 = arith.constant 9.99999996E-13 : f32
          %parallel_loop3A_176 = vector.broadcast %parallel_loop3A_175 : f32 to vector<16xf32>
          %parallel_loop3A_177 = arith.addf %parallel_loop3A_174, %parallel_loop3A_176 : vector<16xf32>
          %parallel_loop3A_178 = tpu.bitcast %parallel_loop3A_177 : vector<16xf32> -> vector<16xi32>
          %parallel_loop3A_179 = arith.constant 1 : i32
          %parallel_loop3A_180 = vector.broadcast %parallel_loop3A_179 : i32 to vector<16xi32>
          %parallel_loop3A_181 = arith.shrsi %parallel_loop3A_178, %parallel_loop3A_180 : vector<16xi32>
          %parallel_loop3A_182 = arith.constant 1597463007 : i32
          %parallel_loop3A_183 = vector.broadcast %parallel_loop3A_182 : i32 to vector<16xi32>
          %parallel_loop3A_184 = arith.subi %parallel_loop3A_183, %parallel_loop3A_181 : vector<16xi32>
          %parallel_loop3A_185 = tpu.bitcast %parallel_loop3A_184 : vector<16xi32> -> vector<16xf32>
          %parallel_loop3A_186 = arith.constant 5.000000e-01 : f32
          %parallel_loop3A_187 = vector.broadcast %parallel_loop3A_186 : f32 to vector<16xf32>
          %parallel_loop3A_188 = arith.mulf %parallel_loop3A_187, %parallel_loop3A_177 : vector<16xf32>
          %parallel_loop3A_189 = arith.mulf %parallel_loop3A_188, %parallel_loop3A_185 : vector<16xf32>
          %parallel_loop3A_190 = arith.mulf %parallel_loop3A_189, %parallel_loop3A_185 : vector<16xf32>
          %parallel_loop3A_191 = arith.constant 1.500000e+00 : f32
          %parallel_loop3A_192 = vector.broadcast %parallel_loop3A_191 : f32 to vector<16xf32>
          %parallel_loop3A_193 = arith.subf %parallel_loop3A_192, %parallel_loop3A_190 : vector<16xf32>
          %parallel_loop3A_194 = arith.mulf %parallel_loop3A_185, %parallel_loop3A_193 : vector<16xf32>
          %parallel_loop3A_195 = arith.constant 5.000000e-01 : f32
          %parallel_loop3A_196 = vector.broadcast %parallel_loop3A_195 : f32 to vector<16xf32>
          %parallel_loop3A_197 = arith.mulf %parallel_loop3A_196, %parallel_loop3A_177 : vector<16xf32>
          %parallel_loop3A_198 = arith.mulf %parallel_loop3A_197, %parallel_loop3A_194 : vector<16xf32>
          %parallel_loop3A_199 = arith.mulf %parallel_loop3A_198, %parallel_loop3A_194 : vector<16xf32>
          %parallel_loop3A_200 = arith.constant 1.500000e+00 : f32
          %parallel_loop3A_201 = vector.broadcast %parallel_loop3A_200 : f32 to vector<16xf32>
          %parallel_loop3A_202 = arith.subf %parallel_loop3A_201, %parallel_loop3A_199 : vector<16xf32>
          %parallel_loop3A_203 = arith.mulf %parallel_loop3A_194, %parallel_loop3A_202 : vector<16xf32>
          %parallel_loop3A_204 = arith.mulf %parallel_loop3A_177, %parallel_loop3A_203 : vector<16xf32>
          %parallel_loop3A_205 = arith.mulf %parallel_loop3A_203, %parallel_loop3A_203 : vector<16xf32>
          %parallel_loop3A_206 = arith.constant 0.314159274 : f32
          %parallel_loop3A_207 = vector.broadcast %parallel_loop3A_206 : f32 to vector<16xf32>
          %parallel_loop3A_208 = arith.mulf %parallel_loop3A_207, %parallel_loop3A_204 : vector<16xf32>
          %parallel_loop3A_209 = arith.constant 1.57079637 : f32
          %parallel_loop3A_210 = vector.broadcast %parallel_loop3A_209 : f32 to vector<16xf32>
          %parallel_loop3A_211 = arith.minimumf %parallel_loop3A_208, %parallel_loop3A_210 : vector<16xf32>
          %parallel_loop3A_212 = arith.mulf %parallel_loop3A_211, %parallel_loop3A_211 : vector<16xf32>
          %parallel_loop3A_213 = arith.constant -1.14707454E-11 : f32
          %parallel_loop3A_214 = vector.broadcast %parallel_loop3A_213 : f32 to vector<16xf32>
          %parallel_loop3A_215 = arith.mulf %parallel_loop3A_214, %parallel_loop3A_212 : vector<16xf32>
          %parallel_loop3A_216 = arith.constant 2.08767559E-9 : f32
          %parallel_loop3A_217 = vector.broadcast %parallel_loop3A_216 : f32 to vector<16xf32>
          %parallel_loop3A_218 = arith.addf %parallel_loop3A_215, %parallel_loop3A_217 : vector<16xf32>
          %parallel_loop3A_219 = arith.mulf %parallel_loop3A_218, %parallel_loop3A_212 : vector<16xf32>
          %parallel_loop3A_220 = arith.constant -2.755732E-7 : f32
          %parallel_loop3A_221 = vector.broadcast %parallel_loop3A_220 : f32 to vector<16xf32>
          %parallel_loop3A_222 = arith.addf %parallel_loop3A_219, %parallel_loop3A_221 : vector<16xf32>
          %parallel_loop3A_223 = arith.mulf %parallel_loop3A_222, %parallel_loop3A_212 : vector<16xf32>
          %parallel_loop3A_224 = arith.constant 2.48015876E-5 : f32
          %parallel_loop3A_225 = vector.broadcast %parallel_loop3A_224 : f32 to vector<16xf32>
          %parallel_loop3A_226 = arith.addf %parallel_loop3A_223, %parallel_loop3A_225 : vector<16xf32>
          %parallel_loop3A_227 = arith.mulf %parallel_loop3A_226, %parallel_loop3A_212 : vector<16xf32>
          %parallel_loop3A_228 = arith.constant -0.00138888892 : f32
          %parallel_loop3A_229 = vector.broadcast %parallel_loop3A_228 : f32 to vector<16xf32>
          %parallel_loop3A_230 = arith.addf %parallel_loop3A_227, %parallel_loop3A_229 : vector<16xf32>
          %parallel_loop3A_231 = arith.mulf %parallel_loop3A_230, %parallel_loop3A_212 : vector<16xf32>
          %parallel_loop3A_232 = arith.constant 0.0416666679 : f32
          %parallel_loop3A_233 = vector.broadcast %parallel_loop3A_232 : f32 to vector<16xf32>
          %parallel_loop3A_234 = arith.addf %parallel_loop3A_231, %parallel_loop3A_233 : vector<16xf32>
          %parallel_loop3A_235 = arith.mulf %parallel_loop3A_234, %parallel_loop3A_212 : vector<16xf32>
          %parallel_loop3A_236 = arith.constant -5.000000e-01 : f32
          %parallel_loop3A_237 = vector.broadcast %parallel_loop3A_236 : f32 to vector<16xf32>
          %parallel_loop3A_238 = arith.addf %parallel_loop3A_235, %parallel_loop3A_237 : vector<16xf32>
          %parallel_loop3A_239 = arith.mulf %parallel_loop3A_238, %parallel_loop3A_212 : vector<16xf32>
          %parallel_loop3A_240 = arith.constant 1.000000e+00 : f32
          %parallel_loop3A_241 = vector.broadcast %parallel_loop3A_240 : f32 to vector<16xf32>
          %parallel_loop3A_242 = arith.addf %parallel_loop3A_239, %parallel_loop3A_241 : vector<16xf32>
          %parallel_loop3A_243 = arith.constant 5.000000e+00 : f32
          %parallel_loop3A_244 = vector.broadcast %parallel_loop3A_243 : f32 to vector<16xf32>
          %parallel_loop3A_245 = arith.cmpf olt, %parallel_loop3A_204, %parallel_loop3A_244 : vector<16xf32>
          %parallel_loop3A_246 = arith.mulf %parallel_loop3A_242, %parallel_loop3A_242 : vector<16xf32>
          %parallel_loop3A_247 = arith.constant 0.000000e+00 : f32
          %parallel_loop3A_248 = vector.broadcast %parallel_loop3A_247 : f32 to vector<16xf32>
          %parallel_loop3A_249 = arith.select %parallel_loop3A_245, %parallel_loop3A_246, %parallel_loop3A_248 : vector<16xi1>, vector<16xf32>
          %parallel_loop3A_250 = arith.constant 5.000000e+00 : f32
          %parallel_loop3A_251 = vector.broadcast %parallel_loop3A_250 : f32 to vector<16xf32>
          %parallel_loop3A_252 = arith.minimumf %parallel_loop3A_204, %parallel_loop3A_251 : vector<16xf32>
          %parallel_loop3A_253 = arith.constant 0.000000e+00 : f32
          %parallel_loop3A_254 = arith.constant 6.400000e-01 : f32
          %parallel_loop3A_255 = arith.subf %parallel_loop3A_253, %parallel_loop3A_254 : f32
          %parallel_loop3A_256 = vector.broadcast %parallel_loop3A_255 : f32 to vector<16xf32>
          %parallel_loop3A_257 = arith.mulf %parallel_loop3A_256, %parallel_loop3A_252 : vector<16xf32>
          %parallel_loop3A_258 = arith.mulf %parallel_loop3A_257, %parallel_loop3A_252 : vector<16xf32>
          %parallel_loop3A_259 = math.exp %parallel_loop3A_258 : vector<16xf32>
          %parallel_loop3A_260 = arith.mulf %parallel_loop3A_259, %parallel_loop3A_249 : vector<16xf32>
          %parallel_loop3A_261 = arith.constant 2.13333344 : f32
          %parallel_loop3A_262 = vector.broadcast %parallel_loop3A_261 : f32 to vector<16xf32>
          %parallel_loop3A_263 = arith.mulf %parallel_loop3A_262, %parallel_loop3A_252 : vector<16xf32>
          %parallel_loop3A_264 = math.exp %parallel_loop3A_263 : vector<16xf32>
          %parallel_loop3A_265 = arith.mulf %parallel_loop3A_264, %parallel_loop3A_264 : vector<16xf32>
          %parallel_loop3A_266 = arith.constant 0.169013321 : f32
          %parallel_loop3A_267 = vector.broadcast %parallel_loop3A_266 : f32 to vector<16xf32>
          %parallel_loop3A_268 = arith.mulf %parallel_loop3A_260, %parallel_loop3A_267 : vector<16xf32>
          %parallel_loop3A_269 = arith.mulf %parallel_loop3A_268, %parallel_loop3A_264 : vector<16xf32>
          %parallel_loop3A_270 = arith.constant 8.15987819E-4 : f32
          %parallel_loop3A_271 = vector.broadcast %parallel_loop3A_270 : f32 to vector<16xf32>
          %parallel_loop3A_272 = arith.mulf %parallel_loop3A_260, %parallel_loop3A_271 : vector<16xf32>
          %parallel_loop3A_273 = arith.mulf %parallel_loop3A_272, %parallel_loop3A_265 : vector<16xf32>
          %parallel_loop3A_274 = arith.constant 1.12535176E-7 : f32
          %parallel_loop3A_275 = vector.broadcast %parallel_loop3A_274 : f32 to vector<16xf32>
          %parallel_loop3A_276 = arith.mulf %parallel_loop3A_260, %parallel_loop3A_275 : vector<16xf32>
          %parallel_loop3A_277 = arith.mulf %parallel_loop3A_265, %parallel_loop3A_264 : vector<16xf32>
          %parallel_loop3A_278 = arith.mulf %parallel_loop3A_276, %parallel_loop3A_277 : vector<16xf32>
          %parallel_loop3A_279 = arith.constant 0.282094806 : f32
          %parallel_loop3A_280 = vector.broadcast %parallel_loop3A_279 : f32 to vector<16xf32>
          %parallel_loop3A_281 = arith.constant 0.488602519 : f32
          %parallel_loop3A_282 = vector.broadcast %parallel_loop3A_281 : f32 to vector<16xf32>
          %parallel_loop3A_283 = arith.mulf %parallel_loop3A_282, %parallel_loop3A_164 : vector<16xf32>
          %parallel_loop3A_284 = arith.mulf %parallel_loop3A_283, %parallel_loop3A_203 : vector<16xf32>
          %parallel_loop3A_285 = arith.constant 0.488602519 : f32
          %parallel_loop3A_286 = vector.broadcast %parallel_loop3A_285 : f32 to vector<16xf32>
          %parallel_loop3A_287 = arith.mulf %parallel_loop3A_286, %parallel_loop3A_169 : vector<16xf32>
          %parallel_loop3A_288 = arith.mulf %parallel_loop3A_287, %parallel_loop3A_203 : vector<16xf32>
          %parallel_loop3A_289 = arith.constant 0.488602519 : f32
          %parallel_loop3A_290 = vector.broadcast %parallel_loop3A_289 : f32 to vector<16xf32>
          %parallel_loop3A_291 = arith.mulf %parallel_loop3A_290, %parallel_loop3A_159 : vector<16xf32>
          %parallel_loop3A_292 = arith.mulf %parallel_loop3A_291, %parallel_loop3A_203 : vector<16xf32>
          %parallel_loop3A_293 = arith.constant 1.09254849 : f32
          %parallel_loop3A_294 = vector.broadcast %parallel_loop3A_293 : f32 to vector<16xf32>
          %parallel_loop3A_295 = arith.mulf %parallel_loop3A_294, %parallel_loop3A_159 : vector<16xf32>
          %parallel_loop3A_296 = arith.mulf %parallel_loop3A_295, %parallel_loop3A_164 : vector<16xf32>
          %parallel_loop3A_297 = arith.mulf %parallel_loop3A_296, %parallel_loop3A_205 : vector<16xf32>
          %parallel_loop3A_298 = arith.constant 1.09254849 : f32
          %parallel_loop3A_299 = vector.broadcast %parallel_loop3A_298 : f32 to vector<16xf32>
          %parallel_loop3A_300 = arith.mulf %parallel_loop3A_299, %parallel_loop3A_164 : vector<16xf32>
          %parallel_loop3A_301 = arith.mulf %parallel_loop3A_300, %parallel_loop3A_169 : vector<16xf32>
          %parallel_loop3A_302 = arith.mulf %parallel_loop3A_301, %parallel_loop3A_205 : vector<16xf32>
          %parallel_loop3A_303 = arith.constant 2.000000e+00 : f32
          %parallel_loop3A_304 = vector.broadcast %parallel_loop3A_303 : f32 to vector<16xf32>
          %parallel_loop3A_305 = arith.mulf %parallel_loop3A_304, %parallel_loop3A_169 : vector<16xf32>
          %parallel_loop3A_306 = arith.mulf %parallel_loop3A_305, %parallel_loop3A_169 : vector<16xf32>
          %parallel_loop3A_307 = arith.mulf %parallel_loop3A_159, %parallel_loop3A_159 : vector<16xf32>
          %parallel_loop3A_308 = arith.subf %parallel_loop3A_306, %parallel_loop3A_307 : vector<16xf32>
          %parallel_loop3A_309 = arith.mulf %parallel_loop3A_164, %parallel_loop3A_164 : vector<16xf32>
          %parallel_loop3A_310 = arith.subf %parallel_loop3A_308, %parallel_loop3A_309 : vector<16xf32>
          %parallel_loop3A_311 = arith.constant 0.31539157 : f32
          %parallel_loop3A_312 = vector.broadcast %parallel_loop3A_311 : f32 to vector<16xf32>
          %parallel_loop3A_313 = arith.mulf %parallel_loop3A_312, %parallel_loop3A_310 : vector<16xf32>
          %parallel_loop3A_314 = arith.mulf %parallel_loop3A_313, %parallel_loop3A_205 : vector<16xf32>
          %parallel_loop3A_315 = arith.constant 1.09254849 : f32
          %parallel_loop3A_316 = vector.broadcast %parallel_loop3A_315 : f32 to vector<16xf32>
          %parallel_loop3A_317 = arith.mulf %parallel_loop3A_316, %parallel_loop3A_159 : vector<16xf32>
          %parallel_loop3A_318 = arith.mulf %parallel_loop3A_317, %parallel_loop3A_169 : vector<16xf32>
          %parallel_loop3A_319 = arith.mulf %parallel_loop3A_318, %parallel_loop3A_205 : vector<16xf32>
          %parallel_loop3A_320 = arith.mulf %parallel_loop3A_159, %parallel_loop3A_159 : vector<16xf32>
          %parallel_loop3A_321 = arith.mulf %parallel_loop3A_164, %parallel_loop3A_164 : vector<16xf32>
          %parallel_loop3A_322 = arith.subf %parallel_loop3A_320, %parallel_loop3A_321 : vector<16xf32>
          %parallel_loop3A_323 = arith.constant 0.546274245 : f32
          %parallel_loop3A_324 = vector.broadcast %parallel_loop3A_323 : f32 to vector<16xf32>
          %parallel_loop3A_325 = arith.mulf %parallel_loop3A_324, %parallel_loop3A_322 : vector<16xf32>
          %parallel_loop3A_326 = arith.mulf %parallel_loop3A_325, %parallel_loop3A_205 : vector<16xf32>
          %parallel_loop3A_327 = tpu.iota {dimensions = array<i32: 0>} : vector<16xi32>
          %parallel_loop3A_328 = arith.constant 16 : i32
          %parallel_loop3A_329 = arith.muli %parallel_loop3A_152, %parallel_loop3A_328 : i32
          %parallel_loop3A_330 = vector.broadcast %parallel_loop3A_329 : i32 to vector<16xi32>
          %parallel_loop3A_331 = arith.addi %parallel_loop3A_327, %parallel_loop3A_330 : vector<16xi32>
          %parallel_loop3A_332 = arith.constant 0 : i32
          %parallel_loop3A_333 = vector.broadcast %parallel_loop3A_332 : i32 to vector<16xi32>
          %parallel_loop3A_334 = arith.mulf %parallel_loop3A_280, %parallel_loop3A_260 : vector<16xf32>
          tpu.vector_store_idx %arg25[%parallel_loop3A_331, %parallel_loop3A_333], %parallel_loop3A_334 : memref<256x36xf32, #tpu.memory_space<vmem>>[vector<16xi32>, vector<16xi32>], vector<16xf32>,
          %parallel_loop3A_335 = arith.constant 1 : i32
          %parallel_loop3A_336 = vector.broadcast %parallel_loop3A_335 : i32 to vector<16xi32>
          %parallel_loop3A_337 = arith.mulf %parallel_loop3A_280, %parallel_loop3A_269 : vector<16xf32>
          tpu.vector_store_idx %arg25[%parallel_loop3A_331, %parallel_loop3A_336], %parallel_loop3A_337 : memref<256x36xf32, #tpu.memory_space<vmem>>[vector<16xi32>, vector<16xi32>], vector<16xf32>,
          %parallel_loop3A_338 = arith.constant 2 : i32
          %parallel_loop3A_339 = vector.broadcast %parallel_loop3A_338 : i32 to vector<16xi32>
          %parallel_loop3A_340 = arith.mulf %parallel_loop3A_280, %parallel_loop3A_273 : vector<16xf32>
          tpu.vector_store_idx %arg25[%parallel_loop3A_331, %parallel_loop3A_339], %parallel_loop3A_340 : memref<256x36xf32, #tpu.memory_space<vmem>>[vector<16xi32>, vector<16xi32>], vector<16xf32>,
          %parallel_loop3A_341 = arith.constant 3 : i32
          %parallel_loop3A_342 = vector.broadcast %parallel_loop3A_341 : i32 to vector<16xi32>
          %parallel_loop3A_343 = arith.mulf %parallel_loop3A_280, %parallel_loop3A_278 : vector<16xf32>
          tpu.vector_store_idx %arg25[%parallel_loop3A_331, %parallel_loop3A_342], %parallel_loop3A_343 : memref<256x36xf32, #tpu.memory_space<vmem>>[vector<16xi32>, vector<16xi32>], vector<16xf32>,
          %parallel_loop3A_344 = arith.constant 4 : i32
          %parallel_loop3A_345 = vector.broadcast %parallel_loop3A_344 : i32 to vector<16xi32>
          %parallel_loop3A_346 = arith.mulf %parallel_loop3A_284, %parallel_loop3A_260 : vector<16xf32>
          tpu.vector_store_idx %arg25[%parallel_loop3A_331, %parallel_loop3A_345], %parallel_loop3A_346 : memref<256x36xf32, #tpu.memory_space<vmem>>[vector<16xi32>, vector<16xi32>], vector<16xf32>,
          %parallel_loop3A_347 = arith.constant 5 : i32
          %parallel_loop3A_348 = vector.broadcast %parallel_loop3A_347 : i32 to vector<16xi32>
          %parallel_loop3A_349 = arith.mulf %parallel_loop3A_284, %parallel_loop3A_269 : vector<16xf32>
          tpu.vector_store_idx %arg25[%parallel_loop3A_331, %parallel_loop3A_348], %parallel_loop3A_349 : memref<256x36xf32, #tpu.memory_space<vmem>>[vector<16xi32>, vector<16xi32>], vector<16xf32>,
          %parallel_loop3A_350 = arith.constant 6 : i32
          %parallel_loop3A_351 = vector.broadcast %parallel_loop3A_350 : i32 to vector<16xi32>
          %parallel_loop3A_352 = arith.mulf %parallel_loop3A_284, %parallel_loop3A_273 : vector<16xf32>
          tpu.vector_store_idx %arg25[%parallel_loop3A_331, %parallel_loop3A_351], %parallel_loop3A_352 : memref<256x36xf32, #tpu.memory_space<vmem>>[vector<16xi32>, vector<16xi32>], vector<16xf32>,
          %parallel_loop3A_353 = arith.constant 7 : i32
          %parallel_loop3A_354 = vector.broadcast %parallel_loop3A_353 : i32 to vector<16xi32>
          %parallel_loop3A_355 = arith.mulf %parallel_loop3A_284, %parallel_loop3A_278 : vector<16xf32>
          tpu.vector_store_idx %arg25[%parallel_loop3A_331, %parallel_loop3A_354], %parallel_loop3A_355 : memref<256x36xf32, #tpu.memory_space<vmem>>[vector<16xi32>, vector<16xi32>], vector<16xf32>,
          %parallel_loop3A_356 = arith.constant 8 : i32
          %parallel_loop3A_357 = vector.broadcast %parallel_loop3A_356 : i32 to vector<16xi32>
          %parallel_loop3A_358 = arith.mulf %parallel_loop3A_288, %parallel_loop3A_260 : vector<16xf32>
          tpu.vector_store_idx %arg25[%parallel_loop3A_331, %parallel_loop3A_357], %parallel_loop3A_358 : memref<256x36xf32, #tpu.memory_space<vmem>>[vector<16xi32>, vector<16xi32>], vector<16xf32>,
          %parallel_loop3A_359 = arith.constant 9 : i32
          %parallel_loop3A_360 = vector.broadcast %parallel_loop3A_359 : i32 to vector<16xi32>
          %parallel_loop3A_361 = arith.mulf %parallel_loop3A_288, %parallel_loop3A_269 : vector<16xf32>
          tpu.vector_store_idx %arg25[%parallel_loop3A_331, %parallel_loop3A_360], %parallel_loop3A_361 : memref<256x36xf32, #tpu.memory_space<vmem>>[vector<16xi32>, vector<16xi32>], vector<16xf32>,
          %parallel_loop3A_362 = arith.constant 10 : i32
          %parallel_loop3A_363 = vector.broadcast %parallel_loop3A_362 : i32 to vector<16xi32>
          %parallel_loop3A_364 = arith.mulf %parallel_loop3A_288, %parallel_loop3A_273 : vector<16xf32>
          tpu.vector_store_idx %arg25[%parallel_loop3A_331, %parallel_loop3A_363], %parallel_loop3A_364 : memref<256x36xf32, #tpu.memory_space<vmem>>[vector<16xi32>, vector<16xi32>], vector<16xf32>,
          %parallel_loop3A_365 = arith.constant 11 : i32
          %parallel_loop3A_366 = vector.broadcast %parallel_loop3A_365 : i32 to vector<16xi32>
          %parallel_loop3A_367 = arith.mulf %parallel_loop3A_288, %parallel_loop3A_278 : vector<16xf32>
          tpu.vector_store_idx %arg25[%parallel_loop3A_331, %parallel_loop3A_366], %parallel_loop3A_367 : memref<256x36xf32, #tpu.memory_space<vmem>>[vector<16xi32>, vector<16xi32>], vector<16xf32>,
          %parallel_loop3A_368 = arith.constant 12 : i32
          %parallel_loop3A_369 = vector.broadcast %parallel_loop3A_368 : i32 to vector<16xi32>
          %parallel_loop3A_370 = arith.mulf %parallel_loop3A_292, %parallel_loop3A_260 : vector<16xf32>
          tpu.vector_store_idx %arg25[%parallel_loop3A_331, %parallel_loop3A_369], %parallel_loop3A_370 : memref<256x36xf32, #tpu.memory_space<vmem>>[vector<16xi32>, vector<16xi32>], vector<16xf32>,
          %parallel_loop3A_371 = arith.constant 13 : i32
          %parallel_loop3A_372 = vector.broadcast %parallel_loop3A_371 : i32 to vector<16xi32>
          %parallel_loop3A_373 = arith.mulf %parallel_loop3A_292, %parallel_loop3A_269 : vector<16xf32>
          tpu.vector_store_idx %arg25[%parallel_loop3A_331, %parallel_loop3A_372], %parallel_loop3A_373 : memref<256x36xf32, #tpu.memory_space<vmem>>[vector<16xi32>, vector<16xi32>], vector<16xf32>,
          %parallel_loop3A_374 = arith.constant 14 : i32
          %parallel_loop3A_375 = vector.broadcast %parallel_loop3A_374 : i32 to vector<16xi32>
          %parallel_loop3A_376 = arith.mulf %parallel_loop3A_292, %parallel_loop3A_273 : vector<16xf32>
          tpu.vector_store_idx %arg25[%parallel_loop3A_331, %parallel_loop3A_375], %parallel_loop3A_376 : memref<256x36xf32, #tpu.memory_space<vmem>>[vector<16xi32>, vector<16xi32>], vector<16xf32>,
          %parallel_loop3A_377 = arith.constant 15 : i32
          %parallel_loop3A_378 = vector.broadcast %parallel_loop3A_377 : i32 to vector<16xi32>
          %parallel_loop3A_379 = arith.mulf %parallel_loop3A_292, %parallel_loop3A_278 : vector<16xf32>
          tpu.vector_store_idx %arg25[%parallel_loop3A_331, %parallel_loop3A_378], %parallel_loop3A_379 : memref<256x36xf32, #tpu.memory_space<vmem>>[vector<16xi32>, vector<16xi32>], vector<16xf32>,
          %parallel_loop3A_380 = arith.constant 16 : i32
          %parallel_loop3A_381 = vector.broadcast %parallel_loop3A_380 : i32 to vector<16xi32>
          %parallel_loop3A_382 = arith.mulf %parallel_loop3A_297, %parallel_loop3A_260 : vector<16xf32>
          tpu.vector_store_idx %arg25[%parallel_loop3A_331, %parallel_loop3A_381], %parallel_loop3A_382 : memref<256x36xf32, #tpu.memory_space<vmem>>[vector<16xi32>, vector<16xi32>], vector<16xf32>,
          %parallel_loop3A_383 = arith.constant 17 : i32
          %parallel_loop3A_384 = vector.broadcast %parallel_loop3A_383 : i32 to vector<16xi32>
          %parallel_loop3A_385 = arith.mulf %parallel_loop3A_297, %parallel_loop3A_269 : vector<16xf32>
          tpu.vector_store_idx %arg25[%parallel_loop3A_331, %parallel_loop3A_384], %parallel_loop3A_385 : memref<256x36xf32, #tpu.memory_space<vmem>>[vector<16xi32>, vector<16xi32>], vector<16xf32>,
          %parallel_loop3A_386 = arith.constant 18 : i32
          %parallel_loop3A_387 = vector.broadcast %parallel_loop3A_386 : i32 to vector<16xi32>
          %parallel_loop3A_388 = arith.mulf %parallel_loop3A_297, %parallel_loop3A_273 : vector<16xf32>
          tpu.vector_store_idx %arg25[%parallel_loop3A_331, %parallel_loop3A_387], %parallel_loop3A_388 : memref<256x36xf32, #tpu.memory_space<vmem>>[vector<16xi32>, vector<16xi32>], vector<16xf32>,
          %parallel_loop3A_389 = arith.constant 19 : i32
          %parallel_loop3A_390 = vector.broadcast %parallel_loop3A_389 : i32 to vector<16xi32>
          %parallel_loop3A_391 = arith.mulf %parallel_loop3A_297, %parallel_loop3A_278 : vector<16xf32>
          tpu.vector_store_idx %arg25[%parallel_loop3A_331, %parallel_loop3A_390], %parallel_loop3A_391 : memref<256x36xf32, #tpu.memory_space<vmem>>[vector<16xi32>, vector<16xi32>], vector<16xf32>,
          %parallel_loop3A_392 = arith.constant 20 : i32
          %parallel_loop3A_393 = vector.broadcast %parallel_loop3A_392 : i32 to vector<16xi32>
          %parallel_loop3A_394 = arith.mulf %parallel_loop3A_302, %parallel_loop3A_260 : vector<16xf32>
          tpu.vector_store_idx %arg25[%parallel_loop3A_331, %parallel_loop3A_393], %parallel_loop3A_394 : memref<256x36xf32, #tpu.memory_space<vmem>>[vector<16xi32>, vector<16xi32>], vector<16xf32>,
          %parallel_loop3A_395 = arith.constant 21 : i32
          %parallel_loop3A_396 = vector.broadcast %parallel_loop3A_395 : i32 to vector<16xi32>
          %parallel_loop3A_397 = arith.mulf %parallel_loop3A_302, %parallel_loop3A_269 : vector<16xf32>
          tpu.vector_store_idx %arg25[%parallel_loop3A_331, %parallel_loop3A_396], %parallel_loop3A_397 : memref<256x36xf32, #tpu.memory_space<vmem>>[vector<16xi32>, vector<16xi32>], vector<16xf32>,
          %parallel_loop3A_398 = arith.constant 22 : i32
          %parallel_loop3A_399 = vector.broadcast %parallel_loop3A_398 : i32 to vector<16xi32>
          %parallel_loop3A_400 = arith.mulf %parallel_loop3A_302, %parallel_loop3A_273 : vector<16xf32>
          tpu.vector_store_idx %arg25[%parallel_loop3A_331, %parallel_loop3A_399], %parallel_loop3A_400 : memref<256x36xf32, #tpu.memory_space<vmem>>[vector<16xi32>, vector<16xi32>], vector<16xf32>,
          %parallel_loop3A_401 = arith.constant 23 : i32
          %parallel_loop3A_402 = vector.broadcast %parallel_loop3A_401 : i32 to vector<16xi32>
          %parallel_loop3A_403 = arith.mulf %parallel_loop3A_302, %parallel_loop3A_278 : vector<16xf32>
          tpu.vector_store_idx %arg25[%parallel_loop3A_331, %parallel_loop3A_402], %parallel_loop3A_403 : memref<256x36xf32, #tpu.memory_space<vmem>>[vector<16xi32>, vector<16xi32>], vector<16xf32>,
          %parallel_loop3A_404 = arith.constant 24 : i32
          %parallel_loop3A_405 = vector.broadcast %parallel_loop3A_404 : i32 to vector<16xi32>
          %parallel_loop3A_406 = arith.mulf %parallel_loop3A_314, %parallel_loop3A_260 : vector<16xf32>
          tpu.vector_store_idx %arg25[%parallel_loop3A_331, %parallel_loop3A_405], %parallel_loop3A_406 : memref<256x36xf32, #tpu.memory_space<vmem>>[vector<16xi32>, vector<16xi32>], vector<16xf32>,
          %parallel_loop3A_407 = arith.constant 25 : i32
          %parallel_loop3A_408 = vector.broadcast %parallel_loop3A_407 : i32 to vector<16xi32>
          %parallel_loop3A_409 = arith.mulf %parallel_loop3A_314, %parallel_loop3A_269 : vector<16xf32>
          tpu.vector_store_idx %arg25[%parallel_loop3A_331, %parallel_loop3A_408], %parallel_loop3A_409 : memref<256x36xf32, #tpu.memory_space<vmem>>[vector<16xi32>, vector<16xi32>], vector<16xf32>,
          %parallel_loop3A_410 = arith.constant 26 : i32
          %parallel_loop3A_411 = vector.broadcast %parallel_loop3A_410 : i32 to vector<16xi32>
          %parallel_loop3A_412 = arith.mulf %parallel_loop3A_314, %parallel_loop3A_273 : vector<16xf32>
          tpu.vector_store_idx %arg25[%parallel_loop3A_331, %parallel_loop3A_411], %parallel_loop3A_412 : memref<256x36xf32, #tpu.memory_space<vmem>>[vector<16xi32>, vector<16xi32>], vector<16xf32>,
          %parallel_loop3A_413 = arith.constant 27 : i32
          %parallel_loop3A_414 = vector.broadcast %parallel_loop3A_413 : i32 to vector<16xi32>
          %parallel_loop3A_415 = arith.mulf %parallel_loop3A_314, %parallel_loop3A_278 : vector<16xf32>
          tpu.vector_store_idx %arg25[%parallel_loop3A_331, %parallel_loop3A_414], %parallel_loop3A_415 : memref<256x36xf32, #tpu.memory_space<vmem>>[vector<16xi32>, vector<16xi32>], vector<16xf32>,
          %parallel_loop3A_416 = arith.constant 28 : i32
          %parallel_loop3A_417 = vector.broadcast %parallel_loop3A_416 : i32 to vector<16xi32>
          %parallel_loop3A_418 = arith.mulf %parallel_loop3A_319, %parallel_loop3A_260 : vector<16xf32>
          tpu.vector_store_idx %arg25[%parallel_loop3A_331, %parallel_loop3A_417], %parallel_loop3A_418 : memref<256x36xf32, #tpu.memory_space<vmem>>[vector<16xi32>, vector<16xi32>], vector<16xf32>,
          %parallel_loop3A_419 = arith.constant 29 : i32
          %parallel_loop3A_420 = vector.broadcast %parallel_loop3A_419 : i32 to vector<16xi32>
          %parallel_loop3A_421 = arith.mulf %parallel_loop3A_319, %parallel_loop3A_269 : vector<16xf32>
          tpu.vector_store_idx %arg25[%parallel_loop3A_331, %parallel_loop3A_420], %parallel_loop3A_421 : memref<256x36xf32, #tpu.memory_space<vmem>>[vector<16xi32>, vector<16xi32>], vector<16xf32>,
          %parallel_loop3A_422 = arith.constant 30 : i32
          %parallel_loop3A_423 = vector.broadcast %parallel_loop3A_422 : i32 to vector<16xi32>
          %parallel_loop3A_424 = arith.mulf %parallel_loop3A_319, %parallel_loop3A_273 : vector<16xf32>
          tpu.vector_store_idx %arg25[%parallel_loop3A_331, %parallel_loop3A_423], %parallel_loop3A_424 : memref<256x36xf32, #tpu.memory_space<vmem>>[vector<16xi32>, vector<16xi32>], vector<16xf32>,
          %parallel_loop3A_425 = arith.constant 31 : i32
          %parallel_loop3A_426 = vector.broadcast %parallel_loop3A_425 : i32 to vector<16xi32>
          %parallel_loop3A_427 = arith.mulf %parallel_loop3A_319, %parallel_loop3A_278 : vector<16xf32>
          tpu.vector_store_idx %arg25[%parallel_loop3A_331, %parallel_loop3A_426], %parallel_loop3A_427 : memref<256x36xf32, #tpu.memory_space<vmem>>[vector<16xi32>, vector<16xi32>], vector<16xf32>,
          %parallel_loop3A_428 = arith.constant 32 : i32
          %parallel_loop3A_429 = vector.broadcast %parallel_loop3A_428 : i32 to vector<16xi32>
          %parallel_loop3A_430 = arith.mulf %parallel_loop3A_326, %parallel_loop3A_260 : vector<16xf32>
          tpu.vector_store_idx %arg25[%parallel_loop3A_331, %parallel_loop3A_429], %parallel_loop3A_430 : memref<256x36xf32, #tpu.memory_space<vmem>>[vector<16xi32>, vector<16xi32>], vector<16xf32>,
          %parallel_loop3A_431 = arith.constant 33 : i32
          %parallel_loop3A_432 = vector.broadcast %parallel_loop3A_431 : i32 to vector<16xi32>
          %parallel_loop3A_433 = arith.mulf %parallel_loop3A_326, %parallel_loop3A_269 : vector<16xf32>
          tpu.vector_store_idx %arg25[%parallel_loop3A_331, %parallel_loop3A_432], %parallel_loop3A_433 : memref<256x36xf32, #tpu.memory_space<vmem>>[vector<16xi32>, vector<16xi32>], vector<16xf32>,
          %parallel_loop3A_434 = arith.constant 34 : i32
          %parallel_loop3A_435 = vector.broadcast %parallel_loop3A_434 : i32 to vector<16xi32>
          %parallel_loop3A_436 = arith.mulf %parallel_loop3A_326, %parallel_loop3A_273 : vector<16xf32>
          tpu.vector_store_idx %arg25[%parallel_loop3A_331, %parallel_loop3A_435], %parallel_loop3A_436 : memref<256x36xf32, #tpu.memory_space<vmem>>[vector<16xi32>, vector<16xi32>], vector<16xf32>,
          %parallel_loop3A_437 = arith.constant 35 : i32
          %parallel_loop3A_438 = vector.broadcast %parallel_loop3A_437 : i32 to vector<16xi32>
          %parallel_loop3A_439 = arith.mulf %parallel_loop3A_326, %parallel_loop3A_278 : vector<16xf32>
          tpu.vector_store_idx %arg25[%parallel_loop3A_331, %parallel_loop3A_438], %parallel_loop3A_439 : memref<256x36xf32, #tpu.memory_space<vmem>>[vector<16xi32>, vector<16xi32>], vector<16xf32>,
        } {sc.loop_unroll_factor = 4 : i64, sc.parallel_access}
        %mul3A_143 = arith.constant 32 : i32
        %mul3A_144 = arith.muli %add3A_107, %mul3A_143 : i32
        %add3A_145 = arith.addi %add3A, %mul3A_144 : i32
        %mul3A_146 = arith.constant 256 : i32
        %mul3A_147 = arith.muli %add3A_145, %mul3A_146 : i32
        %dma_start3A_148 = arith.constant 0 : i32
        %dma_start3A_149 = tpu.memref_slice %arg7[%mul3A_147, %dma_start3A_148] : memref<800000x36xf32, #tpu.memory_space<hbm>> -> memref<256x36xf32, #tpu.memory_space<hbm>>
        %dma_start3A_150 = arith.constant 0 : i32
        %dma_start3A_151 = tpu.memref_slice %arg7[%mul3A_147, %dma_start3A_150] : memref<800000x36xf32, #tpu.memory_space<hbm>> -> memref<256x36xf32, #tpu.memory_space<hbm>>
        tpu.enqueue_dma source(%arg25 : memref<256x36xf32, #tpu.memory_space<vmem>>) target(%dma_start3A_151 : memref<256x36xf32, #tpu.memory_space<hbm>>) target_semaphore(%arg34 : memref<!tpu.dma_semaphore, #tpu.memory_space<semaphore_mem>>)
      } else {
      }
    }
    %ge3A = arith.constant 2 : i32
    %ge3A_89 = arith.cmpi sge, %add3A_20, %ge3A : i32
    %convert_element_type3A_90 = arith.extui %ge3A_89 : i1 to i32
    %cond3A_91 = arith.constant 0 : i32
    %cond3A_92 = arith.cmpi ne, %convert_element_type3A_90, %cond3A_91 : i32
    scf.if %cond3A_92 {
      %dma_wait3A_98 = arith.constant 0 : i32
      %dma_wait3A_99 = arith.constant 0 : i32
      %dma_wait3A_100 = tpu.memref_slice %arg7[%dma_wait3A_98, %dma_wait3A_99] : memref<800000x36xf32, #tpu.memory_space<hbm>> -> memref<256x36xf32, #tpu.memory_space<hbm>>
      %dma_wait3A_101 = arith.constant 0 : i32
      %dma_wait3A_102 = arith.constant 0 : i32
      %dma_wait3A_103 = tpu.memref_slice %arg7[%dma_wait3A_101, %dma_wait3A_102] : memref<800000x36xf32, #tpu.memory_space<hbm>> -> memref<256x36xf32, #tpu.memory_space<hbm>>
      tpu.wait_dma2 semaphore(%arg33 : memref<!tpu.dma_semaphore, #tpu.memory_space<semaphore_mem>>) src(%arg24 : memref<256x36xf32, #tpu.memory_space<vmem>>) dst(%dma_wait3A_103 : memref<256x36xf32, #tpu.memory_space<hbm>>)
      %dma_wait3A_104 = arith.constant 0 : i32
      %dma_wait3A_105 = arith.constant 0 : i32
      %dma_wait3A_106 = tpu.memref_slice %arg7[%dma_wait3A_104, %dma_wait3A_105] : memref<800000x36xf32, #tpu.memory_space<hbm>> -> memref<256x36xf32, #tpu.memory_space<hbm>>
      %dma_wait3A_107 = arith.constant 0 : i32
      %dma_wait3A_108 = arith.constant 0 : i32
      %dma_wait3A_109 = tpu.memref_slice %arg7[%dma_wait3A_107, %dma_wait3A_108] : memref<800000x36xf32, #tpu.memory_space<hbm>> -> memref<256x36xf32, #tpu.memory_space<hbm>>
      tpu.wait_dma2 semaphore(%arg34 : memref<!tpu.dma_semaphore, #tpu.memory_space<semaphore_mem>>) src(%arg25 : memref<256x36xf32, #tpu.memory_space<vmem>>) dst(%dma_wait3A_109 : memref<256x36xf32, #tpu.memory_space<hbm>>)
    } else {
    }
    %eq3A_93 = arith.constant 1 : i32
    %eq3A_94 = arith.cmpi eq, %add3A_20, %eq3A_93 : i32
    %convert_element_type3A_95 = arith.extui %eq3A_94 : i1 to i32
    %cond3A_96 = arith.constant 0 : i32
    %cond3A_97 = arith.cmpi ne, %convert_element_type3A_95, %cond3A_96 : i32
    scf.if %cond3A_97 {
      %dma_wait3A_98 = arith.constant 0 : i32
      %dma_wait3A_99 = arith.constant 0 : i32
      %dma_wait3A_100 = tpu.memref_slice %arg7[%dma_wait3A_98, %dma_wait3A_99] : memref<800000x36xf32, #tpu.memory_space<hbm>> -> memref<256x36xf32, #tpu.memory_space<hbm>>
      %dma_wait3A_101 = arith.constant 0 : i32
      %dma_wait3A_102 = arith.constant 0 : i32
      %dma_wait3A_103 = tpu.memref_slice %arg7[%dma_wait3A_101, %dma_wait3A_102] : memref<800000x36xf32, #tpu.memory_space<hbm>> -> memref<256x36xf32, #tpu.memory_space<hbm>>
      tpu.wait_dma2 semaphore(%arg33 : memref<!tpu.dma_semaphore, #tpu.memory_space<semaphore_mem>>) src(%arg24 : memref<256x36xf32, #tpu.memory_space<vmem>>) dst(%dma_wait3A_103 : memref<256x36xf32, #tpu.memory_space<hbm>>)
    } else {
    }
    return
  }
}

</mosaic_0001>

<sc_bundles>
// kernel: kernel.3.cloned.1.call-start
scs
__scs_entry_jumppad:
0x0: {  	(pc) =	sbr.rel $0x88, $3  }
0x1: {  	(tag) =	ssettag $0x0;
	lr =	simm.s32 $0x1  }
0x2: {  	[smem:$0x3F9F] =	sst lr;
	_ =	strace $0xD0000000  }
0x3: {  	_ = 	snop  }
0x4: {  	_ = 	snop  }
0x5: {  	_ = 	snop  }
0x6: {  	_ = 	snop  }
0x7: {  	_ = 	snop  }
__scs_overlays_trampoline_lowered:
0x8: {  	[smem:$0x3FAE] =	sst s0  }
0x9: {  	[smem:$0x3FAF] =	sst s1  }
0xa: {  	[smem:$0x3FB0] =	sst s2  }
0xb: {  	[smem:$0x3FB1] =	sst s3  }
0xc: {  	[smem:$0x3FB2] =	sst s4  }
0xd: {  	[smem:$0x3FB3] =	sst s5  }
0xe: {  	[smem:$0x3FB4] =	sst s6  }
0xf: {  	[smem:$0x3FB5] =	sst s7  }
0x10: {  	[smem:$0x3FB6] =	sst s8  }
0x11: {  	[smem:$0x3FB7] =	sst s9;
	s0 =	simm.s32 @!p0 $0x0  }
0x12: {  	s1 =	sld [smem:$0x3F9D];
	s0 =	simm.s32 @p0 $0x1  }
0x13: {  	[smem:$0x3FB8] =	sst s0;
	s0 =	simm.s32 @!p1 $0x0  }
0x14: {  	s2 =	sld [smem:$0x3F9C];
	s0 =	simm.s32 @p1 $0x1  }
0x15: {  	[smem:$0x3FB9] =	sst s0;
	s0 =	simm.s32 @!p2 $0x0  }
0x16: {  	s3 =	sld [smem:$0x3FDB];
	s0 =	simm.s32 @p2 $0x1  }
0x17: {  	s4 =	simm.s32 $0x1BF5;
	[smem:$0x3FBB] =	sst s0  }
0x18: {  	s0 =	sld [smem:$0x3F9E];
	_ =	swait.ge [sflag:s4], $0x0  }
0x19: {  	s7 =	sld [smem:$0x3F9F]  }
0x1a: {  	s8 =	sadd.s32 $0xFFFFE003, lr  }
0x1b: {  	s9 =	sadd.s32 $0xFFFFFEF7, lr;
	s5 =	simm.s32 $0xFFFFFFFF;
	p2 =	slt.u32 s8, $0xFFFFF086  }
0x1c: {  	p1 =	slt.u32 s9, $0xF7A;
	s5 =	simm.s32 @!p2 $0x0  }
0x1d: {  	s5 =	simm.s32 @p1 $0x1;
	p0 =	seq.s32 s7, s2  }
0x1e: {  	s7 =	smul.u32 @!p0 $0xF7A, s2;
	p2 =	seq.s32 @!p0 s5, $0x0  }
0x1f: {  	s9 =	smul.u32 $0xF7A, s1;
	s8 =	simm.s32 @!p0 $0x1BF5;
	p2 =	por !p2, p0  }
0x20: {  	[sflag:s8] =	ssyncset.s32 @!p0 $0xFFFFF086;
	s6 =	sadd.s32 @!p0 s3, s7;
	s7 =	simm.s32 @!p0 $0x108  }
0x21: {  	s3 =	sadd.s32 s3, s9;
	s6 =	sadd.s32 @!p0 $0x88, s6;
	s7 =	simm.s32 @p2 $0x1082  }
0x22: {  	[simem:s7], [sflag:s8] =	dma.local @!p0 [hbm:s6], $0xF7A  }
0x23: {  	s9 =	sor.u32 $0xD0000000, s2;
	s6 =	simm.s32 $0x108;
	_ =	swait.ge @!p0 [sflag:s8], $0x0  }
0x24: {  	s3 =	sadd.s32 $0x88, s3;
	s6 =	simm.s32 @!p1 $0x1082;
	[sflag:s4] =	ssyncset.s32 $0xFFFFF086  }
0x25: {  	[simem:s6], [sflag:s4] =	dma.local [hbm:s3], $0xF7A  }
0x26: {  	[smem:$0x3F9F] =	sst s1;
	(tag) =	ssettag s2;
	_ =	strace s9  }
0x27: {  	s1 =	sld [smem:$0x3FAF]  }
0x28: {  	s2 =	sld [smem:$0x3FB0]  }
0x29: {  	s4 =	sld [smem:$0x3FB2]  }
0x2a: {  	p0 =	seq.s32 s5, $0x0;
	s5 =	sld [smem:$0x3FB3]  }
0x2b: {  	s6 =	sld [smem:$0x3FB4]  }
0x2c: {  	s7 =	sld [smem:$0x3FB5]  }
0x2d: {  	s3 =	simm.s32 $0x108;
	s8 =	sld [smem:$0x3FB6]  }
0x2e: {  	s3 =	simm.s32 @!p0 $0x1082;
	s9 =	sld [smem:$0x3FB7]  }
0x2f: {  	lr =	sadd.s32 s0, s3;
	s0 =	sld [smem:$0x3FAE]  }
0x30: {  	s3 =	sld [smem:$0x3FB1]  }
0x31: {  	[smem:$0x3FBA] =	sst s10  }
0x32: {  	s10 =	sld [smem:$0x3FB8];
	_ =	sdelay $0x3  }
0x33: {  	p0 =	seq.s32 s10, $0x1;
	s10 =	sld [smem:$0x3FBA];
	_ =	sdelay $0x3  }
0x34: {  	[smem:$0x3FBA] =	sst s10  }
0x35: {  	s10 =	sld [smem:$0x3FB9];
	_ =	sdelay $0x3  }
0x36: {  	p1 =	seq.s32 s10, $0x1;
	s10 =	sld [smem:$0x3FBA];
	_ =	sdelay $0x3  }
0x37: {  	[smem:$0x3FBA] =	sst s10  }
0x38: {  	s10 =	sld [smem:$0x3FBB]  }
0x39: {  	_ = 	snop;
	(pc) =	sbr.ind lr, $3  }
0x3a: {  	_ = 	snop  }
0x3b: {  	_ = 	snop  }
0x3c: {  	p2 =	seq.s32 s10, $0x1;
	s10 =	sld [smem:$0x3FBA]  }
0x3d: {  	_ =	shalt  }
0x3e: {  	_ =	shalt  }
0x3f: {  	_ =	shalt  }
0x40: {  	_ =	shalt  }
0x41: {  	_ =	shalt  }
0x42: {  	_ =	shalt  }
0x43: {  	_ =	shalt  }
0x44: {  	_ =	shalt  }
0x45: {  	_ =	shalt  }
0x46: {  	_ =	shalt  }
0x47: {  	_ =	shalt  }
0x48: {  	_ =	shalt  }
0x49: {  	_ =	shalt  }
0x4a: {  	_ =	shalt  }
0x4b: {  	_ =	shalt  }
0x4c: {  	_ =	shalt  }
0x4d: {  	_ =	shalt  }
0x4e: {  	_ =	shalt  }
0x4f: {  	_ =	shalt  }
0x50: {  	_ =	shalt  }
0x51: {  	_ =	shalt  }
0x52: {  	_ =	shalt  }
0x53: {  	_ =	shalt  }
0x54: {  	_ =	shalt  }
0x55: {  	_ =	shalt  }
0x56: {  	_ =	shalt  }
0x57: {  	_ =	shalt  }
0x58: {  	_ =	shalt  }
0x59: {  	_ =	shalt  }
0x5a: {  	_ =	shalt  }
0x5b: {  	_ =	shalt  }
0x5c: {  	_ =	shalt  }
0x5d: {  	_ =	shalt  }
0x5e: {  	_ =	shalt  }
0x5f: {  	_ =	shalt  }
0x60: {  	_ =	shalt  }
0x61: {  	_ =	shalt  }
0x62: {  	_ =	shalt  }
0x63: {  	_ =	shalt  }
0x64: {  	_ =	shalt  }
0x65: {  	_ =	shalt  }
0x66: {  	_ =	shalt  }
0x67: {  	_ =	shalt  }
0x68: {  	_ =	shalt  }
0x69: {  	_ =	shalt  }
0x6a: {  	_ =	shalt  }
0x6b: {  	_ =	shalt  }
0x6c: {  	_ =	shalt  }
0x6d: {  	_ =	shalt  }
0x6e: {  	_ =	shalt  }
0x6f: {  	_ =	shalt  }
0x70: {  	_ =	shalt  }
0x71: {  	_ =	shalt  }
0x72: {  	_ =	shalt  }
0x73: {  	_ =	shalt  }
0x74: {  	_ =	shalt  }
0x75: {  	_ =	shalt  }
0x76: {  	_ =	shalt  }
0x77: {  	_ =	shalt  }
0x78: {  	_ =	shalt  }
0x79: {  	_ =	shalt  }
0x7a: {  	_ =	shalt  }
0x7b: {  	_ =	shalt  }
0x7c: {  	_ =	shalt  }
0x7d: {  	_ =	shalt  }
0x7e: {  	_ =	shalt  }
0x7f: {  	_ =	shalt  }
0x80: {  	_ =	shalt  }
0x81: {  	_ =	shalt  }
0x82: {  	_ =	shalt  }
0x83: {  	_ =	shalt  }
0x84: {  	_ =	shalt  }
0x85: {  	_ =	shalt  }
0x86: {  	_ =	shalt  }
0x87: {  	_ =	shalt  }
.Lfunc_end0:
.L_simem_size_0:
called_computation_lowered:
.L_overlay_start_0:
0x88: {  	s2 =	sld [smem:$0x3FD9]  }
0x89: {  	s3 =	sld [smem:$0x3FFE];
	_ =	sdelay $0x1  }
0x8a: {  	s1 =	srdreg.scid  }
0x8b: {  	s0 =	sand.u32 $0x1, s1  }
0x8c: {  	s17 =	sshll.u32 s0, $0xA;
	s2 =	sadd.s32 s3, s2  }
0x8d: {  	s2 =	sadd.s32 s2, s17  }
0x8e: {  	[smem:$0x3FC6] =	sst s2  }
0x8f: {  	_ = 	snop  }
0x90: {  	s2 =	sld [smem:$0x3FD0];
	(tm) =	ssettm $0x1  }
0x91: {  	s18 =	sld [smem:$0x3FFB];
	_ =	sdelay $0x3  }
0x92: {  	_ =	strace s18  }
0x93: {  	s3 =	sld [smem:$0x3FFC];
	_ =	sdelay $0x3  }
0x94: {  	_ =	strace s3  }
0x95: {  	s3 =	sld [smem:$0x3FFD];
	_ =	sdelay $0x3  }
0x96: {  	_ =	strace s3  }
0x97: {  	_ =	strace $0x8FFFFFFF  }
0x98: {  	s19 =	sld [smem:$0x3FDB];
	_ =	sdelay $0x1  }
0x99: {  	s4 =	simm.s32 $_scs_section_size  }
0x9a: {  	s5 =	simm.s32 $_size__tile_overlayer_lowered;
	s6 =	simm.s32 $_tile_overlayer_lowered  }
0x9b: {  	s22 =	simm.s32 $0x1BFF;
	s21 =	sshll.u32 s6, $0x1;
	s3 =	sadd.s32 s4, s19  }
0x9c: {  	s7 =	simm.s32 $0x0;
	s20 =	sshll.u32 s5, $0x1;
	s5 =	sadd.s32 s21, s3  }
0x9d: {  	[timem:s7], [sflag:s22] =	dma.local [hbm:s5], s20  }
0x9e: {  	_ =	swait.ge [sflag:s22], s20  }
0x9f: {  	s4 =	ssub.s32 $0x0, s20;
	[sflag:s22] =	ssyncset.done $0x0  }
0xa0: {  	[sflag:s22] =	ssyncadd.s32 s4;
	_ =	sdelay $0x1  }
0xa1: {  	s23 =	simm.s32 $0x1B8B  }
0xa2: {  	_ =	swait.ge [sflag:s23], $0x1  }
0xa3: {  	[sflag:s23] =	ssyncset.done $0x0  }
0xa4: {  	s25 =	simm.s32 $0x1B8E;
	s24 =	sld [smem:$0x3FFE];
	[sflag:s23] =	ssyncadd.s32 $0xFFFFFFFF  }
0xa5: {  	s26 =	simm.s32 $execute0_lowered;
	[smem:$0x3FD2] =	sst s25  }
0xa6: {  	s5 =	sshll.u32 s26, $0x1;
	_ =	strace $0x80000046;
	[dreg:$0x1] =	wrdreg $0xFFFFFFFF  }
0xa7: {  	s28 =	simm.s32 $_size_execute0_lowered;
	s3 =	sadd.s32 s3, s5;
	[dreg:$0x0] =	wrdreg $0x0  }
0xa8: {  	s5 =	sshll.u32 s28, $0x1;
	[dreg:$0x2] =	wrdreg s3  }
0xa9: {  	[dreg:$0x3] =	wrdreg s5  }
0xaa: {  	[dreg:$0x4] =	wrdreg $0xC0  }
0xab: {  	_ =	task [dreg:s7], $0x5FFFF  }
0xac: {  	[dreg:$0x1] =	wrdreg $0xFFFFFFFF  }
0xad: {  	[dreg:$0x0] =	wrdreg $0x60  }
0xae: {  	[dreg:$0x2] =	wrdreg s24  }
0xaf: {  	[dreg:$0x3] =	wrdreg s2  }
0xb0: {  	[dreg:$0x4] =	wrdreg $0x110000  }
0xb1: {  	[dreg:$0x5] =	wrdreg $0x11C380  }
0xb2: {  	[dreg:$0x6] =	wrdreg $0x128700  }
0xb3: {  	[dreg:$0x7] =	wrdreg $0x9  }
0xb4: {  	_ =	task.clear_ibuf [dreg:s7], $0x8FFFF;
	_ =	strace $0x90000046  }
0xb5: {  	s29 =	simm.s32 $0x9;
	_ =	strace $0x80000048  }
0xb6: {  	_ =	swait.ge [sflag:s29], $0x1  }
0xb7: {  	[sflag:s29] =	ssyncadd.s32 $0xFFFFFFFF  }
0xb8: {  	_ =	strace $0x90000048  }
0xb9: {  	_ =	sfence  }
0xba: {  	s30 =	sld [smem:$0x0];
	_ =	sdelay $0x2  }
0xbb: {  	s31 =	sshll.u32 s1, $0xD;
	s1 =	sshrl.u32 s1, $0x2  }
0xbc: {  	s3 =	sand.u32 $0x4000, s31;
	s1 =	sadd.s32 s1, s30  }
0xbd: {  	s0 =	sor.u32 s3, s0;
	s1 =	sshll.u32 s1, $0x11  }
0xbe: {  	s0 =	sor.u32 s1, s0  }
0xbf: {  	s0 =	sadd.s32 $0x8F2B, s0  }
0xc0: {  	[sflag:s0] =	ssyncadd.remote.s32 $0x1  }
0xc1: {  	_ =	sfence.sel $0xFFFF  }
0xc2: {  	[dreg:$0x0] =	wrdreg $0xFFFFFFFF;
	(pc) =	sbr.abs _section_cstart, $3  }
0xc3: {  	[dreg:$0x1] =	wrdreg $0xFFFFFFFF  }
0xc4: {  	_ =	task.clear_ibuf [dreg:s7], $0x2FFFF;
	_ =	strace $0x9FFFFFFF  }
0xc5: {  	(tm) =	ssettm $0x7FFFFFFF  }
tec
execute0_lowered:
.L_overlay_start_1:
0x0: {  	(tag) =	ssettag $0x1  }
0x1: {  	s8 =	rddreg [dreg:$0x0]  }
0x2: {  	s2 =	rddreg [dreg:$0x1]  }
0x3: {  	s3 =	rddreg [dreg:$0x2]  }
0x4: {  	s4 =	rddreg [dreg:$0x3]  }
0x5: {  	s5 =	rddreg [dreg:$0x4];
	s6 =	simm.s32 $0x0  }
0x6: {  	s21 =	srdreg.scid;
	s1 =	stileid.u32;
	s28 =	simm.s32 $0x100  }
0x7: {  	s30 =	simm.s32 $0x1;
	s29 =	simm.s32 $0x3;
	s31 =	simm.s32 $0x1000  }
0x8: {  	[smem:$0x7FF] =	sst s6;
	s0 =	sadd.s32 $0x3400, s8;
	s7 =	sadd.s32 $0x1A00, s8  }
0x9: {  	s22 =	sshll.u32 s1, $0x1;
	s9 =	sadd.s32 $0x4E00, s8;
	s10 =	sadd.s32 $0x1D600, s8  }
0xa: {  	s23 =	sshll.u32 s1, $0x6;
	p0 =	sne.s32 s1, $0x0;
	s1 =	simm.s32 $0x9000  }
0xb: {  	_ =	strace $0x80000047;
	[dreg:$0x6] =	wrdreg s0;
	s0 =	sand.u32 $0x1, s21  }
0xc: {  	[dreg:$0x7] =	wrdreg s7;
	s7 =	sor.u32 s0, s22;
	s0 =	ssub.s32 $0x2, s0  }
0xd: {  	s8 =	sand.u32 $0x300, s23;
	s11 =	sshll.u32 s7, $0x4;
	s12 =	sshrl.u32 s0, $0x1  }
0xe: {  	s24 =	ssub.s32 $0xC34, s7;
	s7 =	sshll.u32 s7, $0xC;
	s11 =	sand.u32 $0x70, s11  }
0xf: {  	s0 =	ssub.s32 s0, s12;
	s12 =	sshrl.u32 s24, $0x5;
	s18 =	sadd.s32 s10, s7  }
0x10: {  	s20 =	sor.u32 $0x20000, s7;
	s11 =	sor.u32 s8, s11;
	s0 =	smax.u32 s0, $0x1  }
0x11: {  	s24 =	simm.s32 $0x80;
	s8 =	sadd.s32 s2, s11;
	[dreg:$0xc] =	wrdreg s0  }
0x12: {  	s17 =	sadd.s32 $0xFFFFFFFE, s12;
	s13 =	sadd.s32 s9, s11;
	[dreg:$0x8] =	wrdreg s8  }
0x13: {  	s25 =	sor.u32 $0x400, s11;
	s0 =	sshrl.u32 @!p0 s3, $0x3;
	[dreg:$0x9] =	wrdreg s13  }
.Ltmp0:
0x14: {  	s26 =	sadd.s32 s2, s25;
	[dreg:$0xd] =	wrdreg s0;
	(pc) =	sbr.rel .LBB2_1-.Ltmp0, $4  }
0x15: {  	v0 =	vlaneseq.u32;
	s8 =	sadd.s32 s9, s25;
	s0 =	sshrl.u32 @!p0 s4, $0x3;
	[dreg:$0xa] =	wrdreg s26  }
0x16: {  	v31 =	vmul.u32 $0x80, v0;
	s25 =	simm.s32 $0x400;
	s13 =	simm.s32 $0x0;
	[dreg:$0xb] =	wrdreg s8  }
0x17: {  	[dreg:$0xe] =	wrdreg s0;
	s0 =	sshrl.u32 @!p0 s5, $0x3;
	s26 =	simm.s32 $0x200  }
0x18: {  	[tilespmem:$0x1FFF0] =	vst v31;
	s8 =	simm.s32 $0x6;
	[dreg:$0xf] =	wrdreg s0;
	s0 =	simm.s32 $0x4  }
.LBB2_9:
0x19: {  	s7 =	simm.s32 $0x5  }
0x1a: {  	_ =	swait.ge [sflag:s7], $0x8000  }
0x1b: {  	[sflag:s7] =	ssyncset.done $0x0  }
0x1c: {  	[sflag:s7] =	ssyncadd.s32 $0xFFFF8000  }
0x1d: {  	_ =	swait.ge [sflag:s8], $0x8000  }
0x1e: {  	s13 =	sadd.s32 $0x1, s13;
	s23 =	rddreg [dreg:$0xc]  }
0x1f: {  	p1 =	sne.s32 s13, s23  }
.Ltmp1:
0x20: {  	_ = 	snop;
	(pc) =	sbr.rel @!p1 .LBB2_10-.Ltmp1, $3  }
0x21: {  	_ =	sdelay $0x1  }
0x22: {  	[sflag:s8] =	ssyncset.done $0x0  }
0x23: {  	[sflag:s8] =	ssyncadd.s32 $0xFFFF8000  }
.LBB2_1:
0x24: {  	s7 =	rddreg [dreg:$0x6]  }
0x25: {  	s14 =	simm.s32 @!p0 $0x1C07;
	s15 =	rddreg [dreg:$0xd]  }
0x26: {  	[spmem:s15], [sflag:s14] =	dma.local @!p0 [hbm:s7], $0x1870  }
0x27: {  	s7 =	rddreg [dreg:$0x7]  }
0x28: {  	s15 =	rddreg [dreg:$0xe]  }
0x29: {  	[spmem:s15], [sflag:s14] =	dma.local @!p0 [hbm:s7], $0x1870  }
0x2a: {  	s7 =	rddreg [dreg:$0x0]  }
0x2b: {  	s15 =	rddreg [dreg:$0xf]  }
0x2c: {  	[spmem:s15], [sflag:s14] =	dma.local @!p0 [hbm:s7], $0x1870  }
0x2d: {  	s14 =	simm.s32 @!p0 $0x7  }
0x2e: {  	_ =	swait.ge @!p0 [sflag:s14], $0x1870  }
0x2f: {  	[sflag:s14] =	ssyncset.done @!p0 $0x0  }
0x30: {  	[sflag:s14] =	ssyncadd.s32 @!p0 $0xFFFFE790  }
0x31: {  	_ =	swait.ge @!p0 [sflag:s14], $0x1870  }
0x32: {  	[sflag:s14] =	ssyncset.done @!p0 $0x0  }
0x33: {  	[sflag:s14] =	ssyncadd.s32 @!p0 $0xFFFFE790  }
0x34: {  	_ =	swait.ge @!p0 [sflag:s14], $0x1870  }
0x35: {  	[sflag:s14] =	ssyncset.done @!p0 $0x0  }
0x36: {  	[sflag:s14] =	ssyncadd.s32 @!p0 $0xFFFFE790  }
0x37: {  	[bflag:$0x0] =	sbarrier.arrive $0xFFFF  }
0x38: {  	s21 =	rddreg [dreg:$0x8]  }
0x39: {  	[tilespmem:s6], [sflag:$0x1] =	stream.strided.gather [hbm4b:s21+s24], $0x100, s25, s24, $0x38;
	[tilespmem:$0x134A8] =	vst v63  }
0x3a: {  	s22 =	rddreg [dreg:$0x9]  }
0x3b: {  	[tilespmem:s26], [sflag:$0x1] =	stream.strided.gather [hbm4b:s22+s24], $0x100, s25, s24, $0x38;
	[tilespmem:$0x134A8] =	vst v63  }
0x3c: {  	s23 =	rddreg [dreg:$0xa]  }
0x3d: {  	[tilespmem:s28], [sflag:$0x2] =	stream.strided.gather [hbm4b:s23+s24], $0x100, s25, s24, $0x38;
	[tilespmem:$0x134A8] =	vst v63  }
0x3e: {  	s15 =	simm.s32 $0x300;
	s14 =	rddreg [dreg:$0xb]  }
0x3f: {  	[tilespmem:s15], [sflag:$0x2] =	stream.strided.gather [hbm4b:s14+s24], $0x100, s25, s24, $0x38;
	[tilespmem:$0x134A8] =	vst v63  }
0x40: {  	_ =	swait.ge [sflag:s30], $0x100  }
0x41: {  	[sflag:s30] =	ssyncset.done $0x0  }
0x42: {  	[sflag:s30] =	ssyncadd.s32 $0xFFFFFF00  }
0x43: {  	_ =	swait.ge [sflag:s30], $0x100  }
0x44: {  	[sflag:s30] =	ssyncset.done $0x0  }
0x45: {  	[sflag:s30] =	ssyncadd.s32 $0xFFFFFF00  }
0x46: {  	[tilespmem:s25], [sflag:$0x3] =	stream.indirect.gather [spmem:s3], $0x1, s6, s28, $0xb8;
	[tilespmem:$0x134A8] =	vst v63  }
0x47: {  	s16 =	simm.s32 $0x500  }
0x48: {  	[tilespmem:s16], [sflag:$0x3] =	stream.indirect.gather [spmem:s4], $0x1, s6, s28, $0xb8;
	[tilespmem:$0x134A8] =	vst v63  }
0x49: {  	s19 =	simm.s32 $0x600  }
0x4a: {  	[tilespmem:s19], [sflag:$0x3] =	stream.indirect.gather [spmem:s5], $0x1, s6, s28, $0xb8;
	[tilespmem:$0x134A8] =	vst v63  }
0x4b: {  	s21 =	simm.s32 $0x700  }
0x4c: {  	[tilespmem:s21], [sflag:$0x3] =	stream.indirect.gather [spmem:s3], $0x1, s26, s28, $0xb8;
	[tilespmem:$0x134A8] =	vst v63  }
.Ltmp2:
0x4d: {  	_ = 	snop;
	(pc) =	sbr.rel .LBB2_2-.Ltmp2, $4  }
0x4e: {  	s22 =	simm.s32 $0x800  }
0x4f: {  	[tilespmem:s22], [sflag:$0x3] =	stream.indirect.gather [spmem:s4], $0x1, s26, s28, $0xb8;
	[tilespmem:$0x134A8] =	vst v63  }
0x50: {  	s23 =	simm.s32 $0x900;
	s14 =	simm.s32 $0x0  }
0x51: {  	[tilespmem:s23], [sflag:$0x3] =	stream.indirect.gather [spmem:s5], $0x1, s26, s28, $0xb8;
	[tilespmem:$0x134A8] =	vst v63  }
.LBB2_8:
0x52: {  	s14 =	sadd.s32 $0x1, s14  }
0x53: {  	p1 =	sne.s32 s14, $0x31  }
.Ltmp3:
0x54: {  	_ = 	snop;
	(pc) =	sbr.rel @!p1 .LBB2_9-.Ltmp3, $1  }
0x55: {  	_ =	sdelay $0x3  }
.LBB2_2:
0x56: {  	_ =	swait.ge [sflag:s29], $0x100  }
0x57: {  	[sflag:s29] =	ssyncset.done $0x0  }
0x58: {  	[sflag:s29] =	ssyncadd.s32 $0xFFFFFF00  }
0x59: {  	_ =	swait.ge [sflag:s29], $0x100  }
0x5a: {  	[sflag:s29] =	ssyncset.done $0x0  }
0x5b: {  	[sflag:s29] =	ssyncadd.s32 $0xFFFFFF00  }
0x5c: {  	_ =	swait.ge [sflag:s29], $0x100  }
0x5d: {  	[sflag:s29] =	ssyncset.done $0x0  }
0x5e: {  	[sflag:s29] =	ssyncadd.s32 $0xFFFFFF00  }
0x5f: {  	_ =	swait.ge [sflag:s29], $0x100  }
0x60: {  	[sflag:s29] =	ssyncset.done $0x0  }
0x61: {  	[sflag:s29] =	ssyncadd.s32 $0xFFFFFF00  }
0x62: {  	s15 =	sshll.u32 s14, $0x1;
	_ =	swait.ge [sflag:s29], $0x100  }
0x63: {  	s16 =	sadd.s32 $0x2, s15;
	[sflag:s29] =	ssyncset.done $0x0  }
0x64: {  	p1 =	sgt.u32 s16, s12;
	[sflag:s29] =	ssyncadd.s32 $0xFFFFFF00  }
0x65: {  	s16 =	sshll.u32 @!p1 s16, $0xA;
	s21 =	simm.s32 @!p1 $0x80;
	_ =	swait.ge [sflag:s29], $0x100  }
0x66: {  	s22 =	simm.s32 @!p1 $0x400;
	s16 =	sor.u32 @!p1 s11, s16;
	[sflag:s29] =	ssyncset.done $0x0  }
0x67: {  	s23 =	simm.s32 @!p1 $0x0;
	s19 =	sadd.s32 @!p1 s2, s16;
	[sflag:s29] =	ssyncadd.s32 $0xFFFFFF00  }
0x68: {  	[tilespmem:s23], [sflag:$0x1] =	stream.strided.gather @!p1 [hbm4b:s19+s21], $0x100, s22, s21, $0x38;
	[tilespmem:$0x134A8] =	vst v63  }
0x69: {  	p2 =	sge.u32 s15, s12;
	s16 =	sadd.s32 @!p1 s9, s16;
	s19 =	simm.s32 @!p1 $0x200  }
0x6a: {  	[tilespmem:s19], [sflag:$0x1] =	stream.strided.gather @!p1 [hbm4b:s16+s21], $0x100, s22, s21, $0x38;
	[tilespmem:$0x134A8] =	vst v63  }
0x6b: {  	s16 =	simm.s32 @!p2 $0x2  }
0x6c: {  	_ =	swait.ge @!p2 [sflag:s16], $0x100  }
0x6d: {  	[sflag:s16] =	ssyncset.done @!p2 $0x0  }
0x6e: {  	[sflag:s16] =	ssyncadd.s32 @!p2 $0xFFFFFF00  }
0x6f: {  	_ =	swait.ge @!p2 [sflag:s16], $0x100  }
0x70: {  	[sflag:s16] =	ssyncset.done @!p2 $0x0  }
0x71: {  	s19 =	simm.s32 @!p2 $0xA00;
	[sflag:s16] =	ssyncadd.s32 @!p2 $0xFFFFFF00;
	s16 =	simm.s32 @!p2 $0x100  }
0x72: {  	[tilespmem:s19], [sflag:$0x4] =	stream.indirect.gather @!p2 [spmem:s3], $0x1, s16, s16, $0xb8;
	[tilespmem:$0x134A8] =	vst v63  }
0x73: {  	s19 =	simm.s32 @!p2 $0xB00  }
0x74: {  	[tilespmem:s19], [sflag:$0x4] =	stream.indirect.gather @!p2 [spmem:s4], $0x1, s16, s16, $0xb8;
	[tilespmem:$0x134A8] =	vst v63  }
0x75: {  	s19 =	simm.s32 @!p2 $0xC00  }
0x76: {  	[tilespmem:s19], [sflag:$0x4] =	stream.indirect.gather @!p2 [spmem:s5], $0x1, s16, s16, $0xb8;
	[tilespmem:$0x134A8] =	vst v63  }
0x77: {  	s21 =	simm.s32 @!p2 $0xD00;
	s19 =	simm.s32 @!p2 $0x300  }
0x78: {  	[tilespmem:s21], [sflag:$0x4] =	stream.indirect.gather @!p2 [spmem:s3], $0x1, s19, s16, $0xb8;
	[tilespmem:$0x134A8] =	vst v63  }
0x79: {  	s21 =	simm.s32 @!p2 $0xE00  }
0x7a: {  	[tilespmem:s21], [sflag:$0x4] =	stream.indirect.gather @!p2 [spmem:s4], $0x1, s19, s16, $0xb8;
	[tilespmem:$0x134A8] =	vst v63  }
0x7b: {  	p1 =	seq.s32 s14, $0x0;
	s21 =	simm.s32 @!p2 $0xF00  }
0x7c: {  	[tilespmem:s21], [sflag:$0x4] =	stream.indirect.gather @!p2 [spmem:s5], $0x1, s19, s16, $0xb8;
	[tilespmem:$0x134A8] =	vst v63  }
0x7d: {  	s16 =	simm.s32 @!p1 $0x5  }
0x7e: {  	_ =	swait.ge @!p1 [sflag:s16], $0x8000  }
0x7f: {  	s19 =	simm.s32 $0x0;
	[sflag:s16] =	ssyncset.done @!p1 $0x0  }
0x80: {  	s21 =	simm.s32 $0x0;
	[sflag:s16] =	ssyncadd.s32 @!p1 $0xFFFF8000;
	s16 =	simm.s32 $0xFFFFFFFC  }
.LBB2_3:
0x81: {  	s22 =	sshra.s32 s19, $0x2  }
0x82: {  	v1 =	vld [tilespmem:s22+$0x700]  }
0x83: {  	v2 =	vld [tilespmem:s22+$0x400]  }
0x84: {  	v3 =	vld [tilespmem:s22+$0x800]  }
0x85: {  	v4 =	vld [tilespmem:s22+$0x500]  }
0x86: {  	v5 =	vld [tilespmem:s22+$0x900]  }
0x87: {  	v6 =	vld [tilespmem:s22+$0x600];
	_ =	sdelay $0x2  }
0x88: {  	v8 =	vsub.f32 v1, v2;
	v4 =	vsub.f32 v3, v4;
	_ =	sdelay $0x1  }
0x89: {  	v5 =	vsub.f32 v5, v6;
	v42 =	vmul.f32 v8, v8;
	v10 =	vmul.f32 v4, v4;
	_ =	sdelay $0x1  }
0x8a: {  	v44 =	vmul.f32 v5, v5;
	v43 =	vadd.f32 v10, v42;
	_ =	sdelay $0x1  }
0x8b: {  	v1 =	vadd.f32 v44, v43;
	_ =	sdelay $0x1  }
0x8c: {  	v1 =	vadd.f32 $9.999999960e-13, v1;
	_ =	sdelay $0x1  }
0x8d: {  	v45 =	vshra.s32 v1, $0x1;
	v46 =	vmul.f32 $5.000000000e-01, v1  }
0x8e: {  	v2 =	vsub.s32 $0x5F3759DF, v45  }
0x8f: {  	v7 =	vmul.f32 v2, v46;
	_ =	sdelay $0x1  }
0x90: {  	v7 =	vmul.f32 v2, v7;
	_ =	sdelay $0x1  }
0x91: {  	v7 =	vsub.f32 $1.500000000e+00, v7;
	_ =	sdelay $0x1  }
0x92: {  	v2 =	vmul.f32 v2, v7;
	_ =	sdelay $0x1  }
0x93: {  	v3 =	vmul.f32 v2, v46;
	_ =	sdelay $0x1  }
0x94: {  	v3 =	vmul.f32 v3, v2;
	_ =	sdelay $0x1  }
0x95: {  	v3 =	vsub.f32 $1.500000000e+00, v3;
	_ =	sdelay $0x1  }
0x96: {  	v12 =	vmul.f32 v3, v2;
	_ =	sdelay $0x1  }
0x97: {  	v11 =	vmul.f32 v12, v1;
	_ =	sdelay $0x1  }
0x98: {  	v1 =	vmul.f32 $3.141592740e-01, v11;
	_ =	sdelay $0x1  }
0x99: {  	v1 =	vmin.f32 v1, $1.570796370e+00  }
0x9a: {  	v13 =	vmul.f32 v1, v1;
	_ =	sdelay $0x1  }
0x9b: {  	v1 =	vmul.f32 $1.147074540e-11, v13  }
0x9c: {  	v47 =	vld [tilespmem:s22+$0x710]  }
0x9d: {  	v48 =	vld [tilespmem:s22+$0x410];
	v1 =	vsub.f32 $2.087675590e-09, v1  }
0x9e: {  	v49 =	vld [tilespmem:s22+$0x810]  }
0x9f: {  	v14 =	vld [tilespmem:s22+$0x510];
	v1 =	vmul.f32 v1, v13  }
0xa0: {  	v15 =	vld [tilespmem:s22+$0x910]  }
0xa1: {  	v16 =	vld [tilespmem:s22+$0x610];
	v1 =	vadd.f32 $-2.755732000e-07, v1;
	_ =	sdelay $0x1  }
0xa2: {  	v1 =	vmul.f32 v1, v13  }
0xa3: {  	v9 =	vsub.f32 v47, v48;
	v7 =	vsub.f32 v49, v14  }
0xa4: {  	v1 =	vadd.f32 $2.480158760e-05, v1  }
0xa5: {  	v26 =	vmul.f32 v9, v9;
	v25 =	vmul.f32 v7, v7;
	v3 =	vsub.f32 v15, v16  }
0xa6: {  	v51 =	vmin.f32 v11, $5.000000000e+00;
	v50 =	vmul.f32 v1, v13  }
0xa7: {  	v17 =	vadd.f32 v25, v26;
	v18 =	vmul.f32 v3, v3;
	v52 =	vmul.f32 $-6.399999860e-01, v51  }
0xa8: {  	v14 =	vadd.f32 $-1.388888920e-03, v50  }
0xa9: {  	v17 =	vadd.f32 v18, v17;
	v16 =	vmul.f32 v52, v51  }
0xaa: {  	v15 =	vmul.f32 $2.133333440e+00, v51;
	v14 =	vmul.f32 v14, v13  }
0xab: {  	v17 =	vadd.f32 $9.999999960e-13, v17;
	v16 =	vmul.f32 $1.442695020e+00, v16  }
0xac: {  	v15 =	vmul.f32 $1.442695020e+00, v15;
	v14 =	vadd.f32 $4.166666790e-02, v14  }
0xad: {  	v54 =	vmul.f32 $5.000000000e-01, v17;
	(erf) = vpow2.f32 v16  }
0xae: {  	v53 =	vshra.s32 v17, $0x1;
	(erf) = vpow2.f32 v15;
	v14 =	vmul.f32 v14, v13  }
0xaf: {  	v16 =	vsub.s32 $0x5F3759DF, v53  }
0xb0: {  	v23 =	vmul.f32 $4.886025190e-01, v4;
	v19 =	vmul.f32 v16, v54;
	v14 =	vadd.f32 $-5.000000000e-01, v14  }
0xb1: {  	v63 =	vmul.f32 $4.886025190e-01, v5;
	v0 =	vmul.f32 $1.092548490e+00, v8  }
0xb2: {  	v55 =	vmul.f32 v16, v19;
	v13 =	vmul.f32 v14, v13  }
0xb3: {  	v24 =	vmul.f32 v4, v0;
	v4 =	vmul.f32 $1.092548490e+00, v4  }
0xb4: {  	v8 =	vmul.f32 $4.886025190e-01, v8;
	v14 =	vsub.f32 $1.500000000e+00, v55;
	v13 =	vadd.f32 $1.000000000e+00, v13  }
0xb5: {  	v4 =	vmul.f32 v5, v4;
	v59 =	vmul.f32 v12, v12  }
0xb6: {  	v56 =	vpop (erf);
	v14 =	vmul.f32 v16, v14;
	v13 =	vmul.f32 v13, v13  }
0xb7: {  	v61 =	vmul.f32 v12, v23;
	v8 =	vmul.f32 v12, v8;
	vm0 =	vlt.f32 v11, $5.000000000e+00;
	v15 =	vpop (erf)  }
0xb8: {  	v60 =	vmul.f32 v15, v15;
	v57 =	vmul.f32 v14, v54;
	v11 =	vnsel vm0, $0x0, v13  }
0xb9: {  	v6 =	vsub.f32 v42, v10;
	v2 =	vmul.f32 v59, v24;
	v11 =	vmul.f32 v11, v56  }
0xba: {  	v22 =	vmul.f32 v60, v15;
	v13 =	vmul.f32 v57, v14  }
0xbb: {  	v27 =	vld [tilespmem:s22+$0x920];
	v56 =	vmul.f32 $5.462742450e-01, v6;
	v58 =	vmul.f32 $1.690133210e-01, v11  }
0xbc: {  	v28 =	vld [tilespmem:s22+$0x620];
	v13 =	vsub.f32 $1.500000000e+00, v13;
	v20 =	vmul.f32 $8.159878190e-04, v11;
	v21 =	vmul.f32 $1.125351760e-07, v11  }
0xbd: {  	v18 =	vmul.f32 v59, v56;
	v44 =	vmul.f32 $2.820948060e-01, v11  }
0xbe: {  	v16 =	vmul.f32 v58, v15;
	v15 =	vmul.f32 v13, v14  }
0xbf: {  	v62 =	vadd.f32 v5, v5;
	v48 =	vmul.f32 v11, v61;
	v34 =	vmul.f32 v11, v2  }
0xc0: {  	v14 =	vmul.f32 v21, v22;
	v21 =	vmul.f32 v15, v17  }
0xc1: {  	v6 =	vsub.f32 v27, v28;
	v13 =	vmul.f32 v20, v60;
	v20 =	vmul.f32 v62, v5  }
0xc2: {  	v5 =	vmul.f32 v5, v0;
	v1 =	vmul.f32 $3.141592740e-01, v21  }
0xc3: {  	v28 =	vmul.f32 v6, v6;
	v22 =	vmul.f32 v59, v4  }
0xc4: {  	v17 =	vmul.f32 v12, v63;
	v43 =	vmul.f32 v59, v5;
	v23 =	vmin.f32 v1, $1.570796370e+00  }
0xc5: {  	v45 =	vmul.f32 $2.820948060e-01, v16;
	v23 =	vmul.f32 v23, v23  }
0xc6: {  	v46 =	vmul.f32 $2.820948060e-01, v13;
	v47 =	vmul.f32 $2.820948060e-01, v14  }
0xc7: {  	v49 =	vmul.f32 v16, v61;
	v55 =	vmul.f32 $1.147074540e-11, v23  }
0xc8: {  	v20 =	vsub.f32 v20, v42;
	v50 =	vmul.f32 v13, v61;
	v51 =	vmul.f32 v14, v61  }
0xc9: {  	v42 =	vmul.f32 v11, v8;
	v40 =	vmul.f32 v16, v8;
	v57 =	vsub.f32 $2.087675590e-09, v55  }
0xca: {  	v41 =	vmul.f32 v13, v8;
	v38 =	vmul.f32 v14, v8  }
0xcb: {  	v30 =	vmul.f32 v16, v2;
	v58 =	vmul.f32 v57, v23  }
0xcc: {  	v0 =	vld [tilespmem:$0x1FFF0];
	v29 =	vmul.f32 v13, v2;
	v5 =	vmul.f32 v16, v22  }
0xcd: {  	v61 =	vld [tilespmem:s22+$0x820];
	v20 =	vsub.f32 v20, v10;
	v52 =	vmul.f32 v11, v17;
	v4 =	vadd.f32 $-2.755732000e-07, v58  }
0xce: {  	v62 =	vmov s21;
	v63 =	vld [tilespmem:s22+$0x520];
	v53 =	vmul.f32 v16, v17;
	v54 =	vmul.f32 v13, v17  }
0xcf: {  	v10 =	vshll.u32 v62, $0x7;
	v20 =	vmul.f32 $3.153915700e-01, v20;
	v4 =	vmul.f32 v4, v23  }
0xd0: {  	v60 =	vld [tilespmem:s22+$0x420];
	v36 =	vmin.f32 v21, $5.000000000e+00;
	v27 =	vmul.f32 v11, v43;
	vm13 =	vlt.f32 v21, $5.000000000e+00  }
0xd1: {  	v21 =	vmul.f32 v16, v18;
	v20 =	vmul.f32 v59, v20;
	v59 =	vld [tilespmem:s22+$0x720];
	v4 =	vadd.f32 $2.480158760e-05, v4  }
0xd2: {  	v31 =	vor.u32 v0, v10;
	v32 =	vmul.f32 $-6.399999860e-01, v36;
	v12 =	vmul.f32 $2.133333440e+00, v36  }
0xd3: {  	v56 =	vor.u32 $0x1, v31;
	v8 =	vsub.f32 v61, v63;
	v4 =	vmul.f32 v4, v23  }
0xd4: {  	v10 =	vmul.f32 v11, v22;
	v12 =	vmul.f32 $1.442695020e+00, v12  }
0xd5: {  	v61 =	vmul.f32 v8, v8;
	v35 =	vmul.f32 v11, v20;
	v4 =	vadd.f32 $-1.388888920e-03, v4  }
0xd6: {  	v33 =	vmul.f32 v14, v20;
	v55 =	vmul.f32 v14, v17;
	v37 =	vsub.f32 v59, v60  }
0xd7: {  	[tilespmem:v31+s31+$0x0] =	vst.idx.msk $0xffff, v44;
	v17 =	vmul.f32 v14, v2;
	v4 =	vmul.f32 v4, v23  }
0xd8: {  	[tilespmem:v56+s31+$0x0] =	vst.idx.msk $0xffff, v45;
	v45 =	vor.u32 $0xC, v31;
	v60 =	vmul.f32 v32, v36;
	v0 =	vmul.f32 v37, v37  }
0xd9: {  	v56 =	vor.u32 $0xD, v31;
	v57 =	vor.u32 $0x2, v31;
	v39 =	vadd.f32 $4.166666790e-02, v4  }
0xda: {  	v36 =	vmul.f32 v13, v22;
	v24 =	vmul.f32 $1.442695020e+00, v60;
	v62 =	vadd.f32 v61, v0  }
0xdb: {  	v32 =	vmul.f32 v13, v20;
	v58 =	vor.u32 $0x3, v31;
	v19 =	vmul.f32 v39, v23  }
0xdc: {  	v60 =	vor.u32 $0x4, v31;
	(erf) = vpow2.f32 v24;
	v63 =	vadd.f32 v28, v62  }
0xdd: {  	[tilespmem:$0x1FFC0] =	vst v37;
	v37 =	vmul.f32 v16, v20;
	v20 =	vmul.f32 v13, v18;
	v19 =	vadd.f32 $-5.000000000e-01, v19  }
0xde: {  	v24 =	vmul.f32 v13, v43;
	(erf) = vpow2.f32 v12;
	v59 =	vadd.f32 $9.999999960e-13, v63  }
0xdf: {  	[tilespmem:v57+s31+$0x0] =	vst.idx.msk $0xffff, v46;
	v46 =	vor.u32 $0xE, v31;
	v57 =	vor.u32 $0xF, v31;
	v19 =	vmul.f32 v19, v23  }
0xe0: {  	[tilespmem:$0x1FFE0] =	vst v61;
	v28 =	vmul.f32 v16, v43;
	v1 =	vshra.s32 v59, $0x1;
	v61 =	vmul.f32 $5.000000000e-01, v59  }
0xe1: {  	[tilespmem:$0x1FFD0] =	vst v0;
	v16 =	vor.u32 $0x7, v31;
	v62 =	vsub.s32 $0x5F3759DF, v1;
	v0 =	vadd.f32 $1.000000000e+00, v19  }
0xe2: {  	[tilespmem:v58+s31+$0x0] =	vst.idx.msk $0xffff, v47;
	v47 =	vor.u32 $0x10, v31;
	v63 =	vor.u32 $0x5, v31;
	v19 =	vmul.f32 v62, v61  }
0xe3: {  	v58 =	vor.u32 $0x11, v31;
	[tilespmem:v60+s31+$0x0] =	vst.idx.msk $0xffff, v48;
	v48 =	vor.u32 $0x12, v31;
	v12 =	vmul.f32 v0, v0  }
0xe4: {  	v60 =	vor.u32 $0x15, v31;
	v39 =	vmul.f32 v14, v22;
	v19 =	vmul.f32 v62, v19  }
0xe5: {  	v2 =	vpop (erf);
	v22 =	vmul.f32 v14, v43;
	v43 =	vor.u32 $0x6, v31;
	v12 =	vnsel vm13, $0x0, v12  }
0xe6: {  	v23 =	vmul.f32 v11, v18;
	v11 =	vsub.f32 $1.500000000e+00, v19;
	v12 =	vmul.f32 v12, v2  }
0xe7: {  	v1 =	vor.u32 $0x8, v31;
	[tilespmem:v63+s31+$0x0] =	vst.idx.msk $0xffff, v49;
	v49 =	vor.u32 $0x14, v31;
	v19 =	vmul.f32 v14, v18  }
0xe8: {  	v18 =	vpop (erf);
	v11 =	vmul.f32 v62, v11;
	v62 =	vor.u32 $0x9, v31;
	v4 =	vmul.f32 $1.690133210e-01, v12  }
0xe9: {  	v63 =	vor.u32 $0x16, v31;
	v0 =	vmul.f32 v18, v18;
	v14 =	vmul.f32 $8.159878190e-04, v12  }
0xea: {  	[tilespmem:v43+s31+$0x0] =	vst.idx.msk $0xffff, v50;
	v13 =	vmul.f32 v4, v18;
	v4 =	vmul.f32 v11, v61;
	v61 =	vor.u32 $0xA, v31  }
0xeb: {  	v43 =	vor.u32 $0x17, v31;
	[tilespmem:v16+s31+$0x0] =	vst.idx.msk $0xffff, v51;
	v2 =	vor.u32 $0xB, v31;
	v14 =	vmul.f32 v14, v0  }
0xec: {  	v50 =	vor.u32 $0x18, v31;
	[tilespmem:v1+s31+$0x0] =	vst.idx.msk $0xffff, v52;
	v0 =	vmul.f32 v0, v18;
	v18 =	vmul.f32 $1.125351760e-07, v12  }
0xed: {  	v51 =	vor.u32 $0x19, v31;
	v44 =	vmul.f32 v4, v11;
	[tilespmem:v62+s31+$0x0] =	vst.idx.msk $0xffff, v53;
	v62 =	vadd.f32 v3, v3  }
0xee: {  	v1 =	vor.u32 $0x1C, v31;
	v52 =	vor.u32 $0x1D, v31;
	v16 =	vmul.f32 v18, v0  }
0xef: {  	v53 =	vmul.f32 $4.886025190e-01, v7;
	v4 =	vsub.f32 $1.500000000e+00, v44;
	v62 =	vmul.f32 v62, v3;
	[tilespmem:v61+s31+$0x0] =	vst.idx.msk $0xffff, v54  }
0xf0: {  	v0 =	vor.u32 $0x1B, v31;
	v61 =	vmul.f32 $4.886025190e-01, v9;
	v9 =	vmul.f32 $1.092548490e+00, v9;
	[tilespmem:v2+s31+$0x0] =	vst.idx.msk $0xffff, v55  }
0xf1: {  	v44 =	vor.u32 $0x13, v31;
	v11 =	vmul.f32 v4, v11;
	v2 =	vmul.f32 v15, v53;
	[tilespmem:v45+s31+$0x0] =	vst.idx.msk $0xffff, v42  }
0xf2: {  	v54 =	vor.u32 $0x1E, v31;
	v45 =	vmul.f32 v15, v61;
	v61 =	vmul.f32 $1.092548490e+00, v7;
	[tilespmem:v56+s31+$0x0] =	vst.idx.msk $0xffff, v40  }
0xf3: {  	v4 =	vor.u32 $0x1A, v31;
	v7 =	vmul.f32 v7, v9;
	v18 =	vmul.f32 v11, v59;
	[tilespmem:v46+s31+$0x0] =	vst.idx.msk $0xffff, v41  }
0xf4: {  	v59 =	vmul.f32 $4.886025190e-01, v3;
	v40 =	vsub.f32 v62, v26;
	v46 =	vmul.f32 v3, v61;
	[tilespmem:v57+s31+$0x0] =	vst.idx.msk $0xffff, v38  }
0xf5: {  	v41 =	vor.u32 $0x20, v31;
	v3 =	vmul.f32 v3, v9;
	v55 =	vmul.f32 $3.141592740e-01, v18;
	[tilespmem:v47+s31+$0x0] =	vst.idx.msk $0xffff, v34  }
0xf6: {  	v42 =	vmul.f32 v15, v59;
	v59 =	vor.u32 $0x1F, v31;
	v15 =	vmul.f32 v15, v15;
	[tilespmem:v58+s31+$0x0] =	vst.idx.msk $0xffff, v30  }
0xf7: {  	v38 =	vor.u32 $0x21, v31;
	v40 =	vsub.f32 v40, v25;
	v25 =	vsub.f32 v26, v25;
	[tilespmem:v48+s31+$0x0] =	vst.idx.msk $0xffff, v29  }
0xf8: {  	v56 =	vmin.f32 v55, $1.570796370e+00;
	v47 =	vmul.f32 v15, v7;
	v30 =	vmul.f32 v15, v46;
	[tilespmem:v44+s31+$0x0] =	vst.idx.msk $0xffff, v17  }
0xf9: {  	vm14 =	vlt.f32 v18, $5.000000000e+00;
	v55 =	vmul.f32 $5.462742450e-01, v25;
	v53 =	vmul.f32 v56, v56;
	[tilespmem:v49+s31+$0x0] =	vst.idx.msk $0xffff, v10  }
0xfa: {  	v34 =	vor.u32 $0x22, v31;
	v7 =	vmul.f32 $3.153915700e-01, v40;
	v26 =	vmul.f32 v15, v3;
	[tilespmem:v60+s31+$0x0] =	vst.idx.msk $0xffff, v5  }
0xfb: {  	v29 =	vor.u32 $0x23, v31;
	v25 =	vmul.f32 v15, v55;
	v62 =	vmul.f32 $1.147074540e-11, v53;
	v60 =	vld [tilespmem:$0x1FFF0];
	[tilespmem:v63+s31+$0x0] =	vst.idx.msk $0xffff, v36  }
0xfc: {  	v44 =	vmul.f32 v13, v2;
	v55 =	vmin.f32 v18, $5.000000000e+00;
	v18 =	vmul.f32 v12, v26;
	[tilespmem:v43+s31+$0x0] =	vst.idx.msk $0xffff, v39  }
0xfd: {  	s23 =	sadd.s32 $0x10, s21;
	v10 =	vmul.f32 v15, v7;
	v15 =	vmul.f32 $2.820948060e-01, v13;
	v46 =	vsub.f32 $2.087675590e-09, v62;
	[tilespmem:v50+s31+$0x0] =	vst.idx.msk $0xffff, v35  }
0xfe: {  	v56 =	vmov s23;
	v49 =	vmul.f32 v13, v42;
	v5 =	vmul.f32 $2.820948060e-01, v12;
	[tilespmem:v51+s31+$0x0] =	vst.idx.msk $0xffff, v37  }
0xff: {  	v9 =	vld [tilespmem:s22+$0x430];
	v58 =	vshll.u32 v56, $0x7;
	v36 =	vmul.f32 $2.820948060e-01, v14;
	v57 =	vmul.f32 v46, v53;
	[tilespmem:v4+s31+$0x0] =	vst.idx.msk $0xffff, v32  }
0x100: {  	v63 =	vld [tilespmem:s22+$0x730];
	v43 =	vmul.f32 v12, v2;
	v35 =	vmul.f32 $2.820948060e-01, v16;
	v17 =	vor.u32 v60, v58;
	[tilespmem:v0+s31+$0x0] =	vst.idx.msk $0xffff, v33  }
0x101: {  	v50 =	vmul.f32 v14, v42;
	v61 =	vadd.f32 $-2.755732000e-07, v57;
	v32 =	vmul.f32 v14, v2;
	[tilespmem:v1+s31+$0x0] =	vst.idx.msk $0xffff, v27  }
0x102: {  	v31 =	vor.u32 $0x1, v17;
	v39 =	vor.u32 $0x2, v17;
	v40 =	vor.u32 $0x3, v17;
	[tilespmem:v52+s31+$0x0] =	vst.idx.msk $0xffff, v28  }
0x103: {  	v37 =	vor.u32 $0x4, v17;
	v4 =	vor.u32 $0x5, v17;
	v46 =	vor.u32 $0x6, v17;
	[tilespmem:v54+s31+$0x0] =	vst.idx.msk $0xffff, v24  }
0x104: {  	v0 =	vmul.f32 v16, v2;
	v33 =	vor.u32 $0x7, v17;
	v3 =	vmul.f32 v61, v53;
	[tilespmem:v59+s31+$0x0] =	vst.idx.msk $0xffff, v22  }
0x105: {  	v48 =	vor.u32 $0x8, v17;
	v51 =	vor.u32 $0xB, v17;
	v9 =	vsub.f32 v63, v9;
	[tilespmem:v17+s31+$0x0] =	vst.idx.msk $0xffff, v5  }
0x106: {  	v58 =	vor.u32 $0x11, v17;
	v27 =	vmul.f32 v12, v42;
	v3 =	vadd.f32 $2.480158760e-05, v3;
	[tilespmem:v41+s31+$0x0] =	vst.idx.msk $0xffff, v23  }
0x107: {  	v57 =	vor.u32 $0x18, v17;
	v42 =	vmul.f32 v16, v42;
	v61 =	vmul.f32 $-6.399999860e-01, v55;
	[tilespmem:v31+s31+$0x0] =	vst.idx.msk $0xffff, v15  }
0x108: {  	v7 =	vld [tilespmem:s22+$0x830];
	v28 =	vor.u32 $0x9, v17;
	v52 =	vor.u32 $0xC, v17;
	v62 =	vmul.f32 v3, v53;
	[tilespmem:v38+s31+$0x0] =	vst.idx.msk $0xffff, v21  }
0x109: {  	v1 =	vmul.f32 v9, v9;
	v24 =	vor.u32 $0xA, v17;
	v54 =	vld [tilespmem:s22+$0x530];
	v22 =	vmul.f32 v12, v45;
	[tilespmem:v39+s31+$0x0] =	vst.idx.msk $0xffff, v36  }
0x10a: {  	v60 =	vld [tilespmem:s22+$0x930];
	v5 =	vmul.f32 v12, v47;
	v23 =	vmul.f32 v13, v45;
	v2 =	vadd.f32 $-1.388888920e-03, v62;
	[tilespmem:v34+s31+$0x0] =	vst.idx.msk $0xffff, v20  }
0x10b: {  	v41 =	vor.u32 $0xD, v17;
	v31 =	vmul.f32 v13, v47;
	v21 =	vmul.f32 v14, v45;
	v62 =	vld [tilespmem:s22+$0x630];
	[tilespmem:v40+s31+$0x0] =	vst.idx.msk $0xffff, v35  }
0x10c: {  	v39 =	vmul.f32 v14, v47;
	v20 =	vor.u32 $0xE, v17;
	[tilespmem:v29+s31+$0x0] =	vst.idx.msk $0xffff, v19;
	v2 =	vmul.f32 v2, v53  }
0x10d: {  	v34 =	vmul.f32 v16, v45;
	v45 =	vmul.f32 v61, v55;
	v61 =	vor.u32 $0x12, v17;
	[tilespmem:v37+s31+$0x0] =	vst.idx.msk $0xffff, v43  }
0x10e: {  	v40 =	vmul.f32 v16, v47;
	v7 =	vsub.f32 v7, v54;
	[tilespmem:v4+s31+$0x0] =	vst.idx.msk $0xffff, v44;
	v2 =	vadd.f32 $4.166666790e-02, v2  }
0x10f: {  	v19 =	vor.u32 $0xF, v17;
	v38 =	vmul.f32 $1.442695020e+00, v45;
	v44 =	vmul.f32 v13, v30;
	[tilespmem:v46+s31+$0x0] =	vst.idx.msk $0xffff, v32  }
0x110: {  	v3 =	vsub.f32 v60, v62;
	v63 =	vmul.f32 v2, v53;
	v2 =	vmul.f32 v7, v7  }
0x111: {  	v29 =	vor.u32 $0x10, v17;
	v45 =	vmul.f32 v14, v10;
	(erf) = vpow2.f32 v38;
	[tilespmem:v33+s31+$0x0] =	vst.idx.msk $0xffff, v0  }
0x112: {  	v62 =	vmul.f32 $2.133333440e+00, v55;
	[tilespmem:v48+s31+$0x0] =	vst.idx.msk $0xffff, v27;
	v60 =	vmul.f32 v3, v3;
	v59 =	vadd.f32 v2, v1  }
0x113: {  	v32 =	vor.u32 $0x14, v17;
	v38 =	vmul.f32 v12, v30;
	v0 =	vmul.f32 v14, v30;
	[tilespmem:v28+s31+$0x0] =	vst.idx.msk $0xffff, v49  }
0x114: {  	v30 =	vmul.f32 v16, v30;
	v43 =	vmul.f32 $1.442695020e+00, v62;
	[tilespmem:v24+s31+$0x0] =	vst.idx.msk $0xffff, v50;
	v35 =	vadd.f32 v60, v59  }
0x115: {  	v27 =	vor.u32 $0x15, v17;
	v24 =	vmul.f32 v13, v10;
	v54 =	vadd.f32 $-5.000000000e-01, v63;
	[tilespmem:v51+s31+$0x0] =	vst.idx.msk $0xffff, v42  }
0x116: {  	(erf) = vpow2.f32 v43;
	[tilespmem:v52+s31+$0x0] =	vst.idx.msk $0xffff, v22;
	v22 =	vmul.f32 v13, v26;
	v33 =	vadd.f32 $9.999999960e-13, v35  }
0x117: {  	v63 =	vor.u32 $0x13, v17;
	v52 =	vmul.f32 $4.886025190e-01, v8;
	v15 =	vmul.f32 v54, v53  }
0x118: {  	[tilespmem:v41+s31+$0x0] =	vst.idx.msk $0xffff, v23;
	v23 =	vmul.f32 v12, v25;
	v48 =	vshra.s32 v33, $0x1;
	v49 =	vmul.f32 $5.000000000e-01, v33  }
0x119: {  	[tilespmem:v20+s31+$0x0] =	vst.idx.msk $0xffff, v21;
	v21 =	vmul.f32 v14, v26;
	v15 =	vadd.f32 $1.000000000e+00, v15;
	v28 =	vsub.s32 $0x5F3759DF, v48  }
0x11a: {  	v55 =	vor.u32 $0x17, v17;
	v35 =	vmul.f32 v12, v10;
	[tilespmem:v19+s31+$0x0] =	vst.idx.msk $0xffff, v34;
	v51 =	vmul.f32 v28, v49  }
0x11b: {  	v42 =	vor.u32 $0x16, v17;
	v10 =	vmul.f32 v16, v10;
	[tilespmem:v29+s31+$0x0] =	vst.idx.msk $0xffff, v5;
	v15 =	vmul.f32 v15, v15  }
0x11c: {  	v43 =	vor.u32 $0x1C, v17;
	v19 =	vmul.f32 v16, v26;
	[tilespmem:v58+s31+$0x0] =	vst.idx.msk $0xffff, v31;
	v54 =	vmul.f32 v28, v51  }
0x11d: {  	v26 =	vmul.f32 v13, v25;
	v53 =	vpop (erf);
	v29 =	vmul.f32 v14, v25;
	[tilespmem:v61+s31+$0x0] =	vst.idx.msk $0xffff, v39;
	v15 =	vnsel vm14, $0x0, v15  }
0x11e: {  	v25 =	vmul.f32 v16, v25;
	[tilespmem:v63+s31+$0x0] =	vst.idx.msk $0xffff, v40;
	v15 =	vmul.f32 v15, v53;
	v56 =	vsub.f32 $1.500000000e+00, v54  }
0x11f: {  	v5 =	vmul.f32 v11, v52;
	v58 =	vor.u32 $0x19, v17;
	v61 =	vor.u32 $0x1A, v17;
	[tilespmem:v32+s31+$0x0] =	vst.idx.msk $0xffff, v38  }
0x120: {  	v48 =	vor.u32 $0x1D, v17;
	v59 =	vpop (erf);
	[tilespmem:v27+s31+$0x0] =	vst.idx.msk $0xffff, v44;
	v60 =	vmul.f32 $1.690133210e-01, v15;
	v12 =	vmul.f32 v28, v56  }
0x121: {  	v63 =	vor.u32 $0x1B, v17;
	v62 =	vmul.f32 v59, v59;
	v46 =	vmul.f32 $8.159878190e-04, v15;
	[tilespmem:v42+s31+$0x0] =	vst.idx.msk $0xffff, v0  }
0x122: {  	v53 =	vor.u32 $0x1F, v17;
	[tilespmem:v55+s31+$0x0] =	vst.idx.msk $0xffff, v30;
	v55 =	vmul.f32 $4.886025190e-01, v6;
	v41 =	vmul.f32 v12, v49  }
0x123: {  	v51 =	vor.u32 $0x1E, v17;
	v16 =	vmul.f32 v60, v59;
	v13 =	vmul.f32 v46, v62;
	[tilespmem:v57+s31+$0x0] =	vst.idx.msk $0xffff, v35  }
0x124: {  	s7 =	sadd.s32 $0x20, s21;
	v47 =	vmul.f32 $1.125351760e-07, v15;
	v56 =	vadd.f32 v6, v6;
	[tilespmem:v58+s31+$0x0] =	vst.idx.msk $0xffff, v24;
	v58 =	vld [tilespmem:$0x1FFC0];
	v50 =	vmul.f32 v41, v12  }
0x125: {  	v44 =	vmov s7;
	v31 =	vmul.f32 v11, v55;
	v35 =	vmul.f32 v13, v5  }
0x126: {  	v40 =	vld [tilespmem:$0x1FFD0];
	[tilespmem:v61+s31+$0x0] =	vst.idx.msk $0xffff, v45;
	v49 =	vmul.f32 v62, v59;
	v61 =	vmul.f32 v56, v6;
	v54 =	vsub.f32 $1.500000000e+00, v50  }
0x127: {  	v57 =	vor.u32 $0x20, v17;
	v56 =	vmul.f32 $2.820948060e-01, v16;
	v37 =	vmul.f32 v15, v31  }
0x128: {  	v42 =	vld [tilespmem:$0x1FFE0];
	v60 =	vor.u32 $0x21, v17;
	v39 =	vmul.f32 v16, v31;
	v12 =	vmul.f32 v54, v12  }
0x129: {  	[tilespmem:v63+s31+$0x0] =	vst.idx.msk $0xffff, v10;
	v62 =	vor.u32 $0x22, v17;
	v14 =	vmul.f32 v47, v49;
	v49 =	vld [tilespmem:$0x1FFF0];
	v63 =	vmul.f32 $1.092548490e+00, v58  }
0x12a: {  	v17 =	vor.u32 $0x23, v17;
	[tilespmem:v43+s31+$0x0] =	vst.idx.msk $0xffff, v18;
	v59 =	vmul.f32 $4.886025190e-01, v58;
	v10 =	vmul.f32 v12, v33  }
0x12b: {  	v34 =	vsub.f32 v61, v40;
	[tilespmem:v48+s31+$0x0] =	vst.idx.msk $0xffff, v22;
	v58 =	vmul.f32 $2.820948060e-01, v13;
	v41 =	vmul.f32 v8, v63  }
0x12c: {  	v47 =	vshll.u32 v44, $0x7;
	[tilespmem:v51+s31+$0x0] =	vst.idx.msk $0xffff, v21;
	v8 =	vmul.f32 $1.092548490e+00, v8;
	v45 =	vmul.f32 $3.141592740e-01, v10  }
0x12d: {  	v43 =	vsub.f32 v34, v42;
	[tilespmem:v53+s31+$0x0] =	vst.idx.msk $0xffff, v19;
	v53 =	vmul.f32 $2.820948060e-01, v15;
	v61 =	vmul.f32 $2.820948060e-01, v14  }
0x12e: {  	v46 =	vmul.f32 v6, v8;
	v8 =	vor.u32 v49, v47;
	v50 =	vmin.f32 v45, $1.570796370e+00  }
0x12f: {  	v30 =	vmul.f32 v11, v59;
	[tilespmem:v57+s31+$0x0] =	vst.idx.msk $0xffff, v23;
	v51 =	vor.u32 $0x1, v8;
	v20 =	vmul.f32 v50, v50  }
0x130: {  	v11 =	vmul.f32 v11, v11;
	v48 =	vmul.f32 $3.153915700e-01, v43;
	[tilespmem:v60+s31+$0x0] =	vst.idx.msk $0xffff, v26;
	v52 =	vor.u32 $0x2, v8  }
0x131: {  	v60 =	vsub.f32 v40, v42;
	[tilespmem:v62+s31+$0x0] =	vst.idx.msk $0xffff, v29;
	v54 =	vor.u32 $0x3, v8;
	v55 =	vmul.f32 $1.147074540e-11, v20  }
0x132: {  	v42 =	vmul.f32 v14, v31;
	v0 =	vmul.f32 v11, v41;
	[tilespmem:v17+s31+$0x0] =	vst.idx.msk $0xffff, v25;
	v57 =	vor.u32 $0x4, v8  }
0x133: {  	v6 =	vmul.f32 v6, v63;
	v59 =	vor.u32 $0x5, v8;
	[tilespmem:v8+s31+$0x0] =	vst.idx.msk $0xffff, v53;
	v24 =	vsub.f32 $2.087675590e-09, v55  }
0x134: {  	v63 =	vmul.f32 v15, v5;
	v41 =	vmul.f32 v13, v31;
	v62 =	vor.u32 $0x6, v8;
	[tilespmem:v51+s31+$0x0] =	vst.idx.msk $0xffff, v56  }
0x135: {  	v44 =	vmul.f32 v15, v30;
	v32 =	vor.u32 $0x7, v8;
	[tilespmem:v52+s31+$0x0] =	vst.idx.msk $0xffff, v58;
	v24 =	vmul.f32 v24, v20  }
0x136: {  	v47 =	vmul.f32 v13, v30;
	v33 =	vmul.f32 v16, v5;
	v34 =	vor.u32 $0x8, v8;
	[tilespmem:v54+s31+$0x0] =	vst.idx.msk $0xffff, v61  }
0x137: {  	v49 =	vmul.f32 v14, v30;
	v36 =	vor.u32 $0x9, v8;
	[tilespmem:v57+s31+$0x0] =	vst.idx.msk $0xffff, v63;
	v24 =	vadd.f32 $-2.755732000e-07, v24  }
0x138: {  	v19 =	vmul.f32 v11, v48;
	v5 =	vmul.f32 v14, v5;
	v38 =	vor.u32 $0xA, v8;
	[tilespmem:v59+s31+$0x0] =	vst.idx.msk $0xffff, v33  }
0x139: {  	v27 =	vmul.f32 $5.462742450e-01, v60;
	v40 =	vor.u32 $0xB, v8;
	[tilespmem:v62+s31+$0x0] =	vst.idx.msk $0xffff, v35;
	v24 =	vmul.f32 v24, v20  }
0x13a: {  	v43 =	vor.u32 $0xC, v8;
	v48 =	vor.u32 $0xE, v8;
	v18 =	vmul.f32 v11, v46;
	[tilespmem:v32+s31+$0x0] =	vst.idx.msk $0xffff, v5  }
0x13b: {  	s23 =	sadd.s32 $0x30, s21;
	v6 =	vmul.f32 v11, v6;
	v45 =	vor.u32 $0xD, v8;
	[tilespmem:v34+s31+$0x0] =	vst.idx.msk $0xffff, v37;
	v24 =	vadd.f32 $2.480158760e-05, v24  }
0x13c: {  	v25 =	vmov s23;
	v46 =	vmul.f32 v16, v30;
	v11 =	vmul.f32 v11, v27;
	[tilespmem:v36+s31+$0x0] =	vst.idx.msk $0xffff, v39  }
0x13d: {  	vm15 =	vlt.f32 v10, $5.000000000e+00;
	v50 =	vor.u32 $0xF, v8;
	[tilespmem:v38+s31+$0x0] =	vst.idx.msk $0xffff, v41;
	v24 =	vmul.f32 v24, v20  }
0x13e: {  	v60 =	vmul.f32 v15, v18;
	v53 =	vmul.f32 v16, v0;
	v52 =	vor.u32 $0x10, v8;
	[tilespmem:v40+s31+$0x0] =	vst.idx.msk $0xffff, v42  }
0x13f: {  	v54 =	vor.u32 $0x11, v8;
	v55 =	vmin.f32 v10, $5.000000000e+00;
	[tilespmem:v43+s31+$0x0] =	vst.idx.msk $0xffff, v44;
	v24 =	vadd.f32 $-1.388888920e-03, v24  }
0x140: {  	v51 =	vmul.f32 v15, v0;
	v57 =	vor.u32 $0x12, v8;
	v58 =	vmul.f32 $-6.399999860e-01, v55;
	[tilespmem:v45+s31+$0x0] =	vst.idx.msk $0xffff, v46  }
0x141: {  	v56 =	vmul.f32 v13, v0;
	v59 =	vor.u32 $0x13, v8;
	[tilespmem:v48+s31+$0x0] =	vst.idx.msk $0xffff, v47;
	v24 =	vmul.f32 v24, v20  }
0x142: {  	v0 =	vmul.f32 v14, v0;
	v61 =	vor.u32 $0x14, v8;
	v62 =	vmul.f32 v58, v55;
	[tilespmem:v50+s31+$0x0] =	vst.idx.msk $0xffff, v49  }
0x143: {  	v63 =	vor.u32 $0x15, v8;
	v33 =	vmul.f32 $2.133333440e+00, v55;
	[tilespmem:v52+s31+$0x0] =	vst.idx.msk $0xffff, v51;
	v32 =	vadd.f32 $4.166666790e-02, v24  }
0x144: {  	v35 =	vor.u32 $0x16, v8;
	v34 =	vmul.f32 v16, v18;
	v29 =	vmul.f32 $1.442695020e+00, v62;
	[tilespmem:v54+s31+$0x0] =	vst.idx.msk $0xffff, v53  }
0x145: {  	v37 =	vmul.f32 $1.442695020e+00, v33;
	v36 =	vor.u32 $0x17, v8;
	[tilespmem:v57+s31+$0x0] =	vst.idx.msk $0xffff, v56;
	v22 =	vmul.f32 v32, v20  }
0x146: {  	v39 =	vor.u32 $0x18, v8;
	v38 =	vmul.f32 v13, v18;
	(erf) = vpow2.f32 v29;
	[tilespmem:v59+s31+$0x0] =	vst.idx.msk $0xffff, v0  }
0x147: {  	v40 =	vor.u32 $0x19, v8;
	(erf) = vpow2.f32 v37;
	[tilespmem:v61+s31+$0x0] =	vst.idx.msk $0xffff, v60;
	v22 =	vadd.f32 $-5.000000000e-01, v22  }
0x148: {  	v5 =	vshll.u32 v25, $0x7;
	v41 =	vmul.f32 v14, v18;
	v42 =	vor.u32 $0x1A, v8;
	[tilespmem:v63+s31+$0x0] =	vst.idx.msk $0xffff, v34  }
0x149: {  	v43 =	vmul.f32 v15, v19;
	v44 =	vor.u32 $0x1B, v8;
	[tilespmem:v35+s31+$0x0] =	vst.idx.msk $0xffff, v38;
	v20 =	vmul.f32 v22, v20  }
0x14a: {  	v55 =	vmul.f32 v14, v6;
	v45 =	vmul.f32 v16, v19;
	v47 =	vor.u32 $0x1C, v8;
	[tilespmem:v36+s31+$0x0] =	vst.idx.msk $0xffff, v41  }
0x14b: {  	v46 =	vmul.f32 v13, v19;
	v49 =	vor.u32 $0x1D, v8;
	[tilespmem:v39+s31+$0x0] =	vst.idx.msk $0xffff, v43;
	v20 =	vadd.f32 $1.000000000e+00, v20  }
0x14c: {  	v48 =	vmul.f32 v14, v19;
	v50 =	vmul.f32 v15, v6;
	v52 =	vor.u32 $0x1E, v8;
	[tilespmem:v40+s31+$0x0] =	vst.idx.msk $0xffff, v45  }
0x14d: {  	v31 =	vld [tilespmem:$0x1FFF0];
	v51 =	vmul.f32 v16, v6;
	v54 =	vor.u32 $0x1F, v8;
	[tilespmem:v42+s31+$0x0] =	vst.idx.msk $0xffff, v46;
	v20 =	vmul.f32 v20, v20  }
0x14e: {  	v58 =	vor.u32 $0x20, v8;
	v16 =	vmul.f32 v16, v11;
	v53 =	vmul.f32 v13, v6;
	[tilespmem:v44+s31+$0x0] =	vst.idx.msk $0xffff, v48  }
0x14f: {  	v13 =	vmul.f32 v13, v11;
	v60 =	vor.u32 $0x21, v8;
	v57 =	vpop (erf);
	[tilespmem:v47+s31+$0x0] =	vst.idx.msk $0xffff, v50;
	v59 =	vnsel vm15, $0x0, v20  }
0x150: {  	v56 =	vmul.f32 v15, v11;
	v61 =	vor.u32 $0x22, v8;
	v62 =	vpop (erf);
	[tilespmem:v49+s31+$0x0] =	vst.idx.msk $0xffff, v51;
	v4 =	vmul.f32 v59, v57  }
0x151: {  	v11 =	vmul.f32 v14, v11;
	v63 =	vor.u32 $0x23, v8;
	v24 =	vmul.f32 v62, v62;
	[tilespmem:v52+s31+$0x0] =	vst.idx.msk $0xffff, v53  }
0x152: {  	v8 =	vor.u32 v31, v5;
	v31 =	vmul.f32 $4.886025190e-01, v7;
	[tilespmem:v54+s31+$0x0] =	vst.idx.msk $0xffff, v55;
	v26 =	vmul.f32 $1.690133210e-01, v4  }
0x153: {  	v28 =	vor.u32 $0x1, v8;
	v10 =	vmul.f32 v24, v62;
	[tilespmem:v58+s31+$0x0] =	vst.idx.msk $0xffff, v56;
	v27 =	vmul.f32 $8.159878190e-04, v4  }
0x154: {  	v30 =	vor.u32 $0x2, v8;
	[tilespmem:v60+s31+$0x0] =	vst.idx.msk $0xffff, v16;
	v29 =	vmul.f32 $1.125351760e-07, v4;
	v6 =	vmul.f32 v26, v62  }
0x155: {  	v33 =	vor.u32 $0x3, v8;
	[tilespmem:v61+s31+$0x0] =	vst.idx.msk $0xffff, v13;
	v32 =	vmul.f32 $2.820948060e-01, v4;
	v5 =	vmul.f32 v27, v24  }
0x156: {  	v35 =	vor.u32 $0x4, v8;
	[tilespmem:v63+s31+$0x0] =	vst.idx.msk $0xffff, v11;
	v10 =	vmul.f32 v29, v10;
	v34 =	vmul.f32 $2.820948060e-01, v6  }
0x157: {  	v37 =	vor.u32 $0x5, v8;
	v13 =	vmul.f32 v12, v31;
	[tilespmem:v8+s31+$0x0] =	vst.idx.msk $0xffff, v32;
	v36 =	vmul.f32 $2.820948060e-01, v5  }
0x158: {  	v39 =	vor.u32 $0x6, v8;
	v40 =	vmul.f32 $4.886025190e-01, v3;
	v38 =	vmul.f32 $2.820948060e-01, v10;
	[tilespmem:v28+s31+$0x0] =	vst.idx.msk $0xffff, v34  }
0x159: {  	v42 =	vor.u32 $0x7, v8;
	v41 =	vmul.f32 v4, v13;
	[tilespmem:v30+s31+$0x0] =	vst.idx.msk $0xffff, v36  }
0x15a: {  	v44 =	vor.u32 $0x8, v8;
	v19 =	vmul.f32 v12, v40;
	v43 =	vmul.f32 v6, v13;
	[tilespmem:v33+s31+$0x0] =	vst.idx.msk $0xffff, v38  }
0x15b: {  	v46 =	vor.u32 $0x9, v8;
	v47 =	vmul.f32 $1.092548490e+00, v9;
	v45 =	vmul.f32 v5, v13;
	[tilespmem:v35+s31+$0x0] =	vst.idx.msk $0xffff, v41  }
0x15c: {  	v9 =	vmul.f32 $4.886025190e-01, v9;
	v49 =	vor.u32 $0xA, v8;
	v48 =	vmul.f32 v10, v13;
	[tilespmem:v37+s31+$0x0] =	vst.idx.msk $0xffff, v43  }
0x15d: {  	v51 =	vor.u32 $0xB, v8;
	v52 =	vmul.f32 v7, v47;
	v50 =	vmul.f32 v4, v19;
	[tilespmem:v39+s31+$0x0] =	vst.idx.msk $0xffff, v45  }
0x15e: {  	v9 =	vmul.f32 v12, v9;
	v54 =	vor.u32 $0xC, v8;
	v53 =	vmul.f32 v6, v19;
	[tilespmem:v42+s31+$0x0] =	vst.idx.msk $0xffff, v48  }
0x15f: {  	v7 =	vmul.f32 $1.092548490e+00, v7;
	v56 =	vor.u32 $0xD, v8;
	v55 =	vmul.f32 v5, v19;
	[tilespmem:v44+s31+$0x0] =	vst.idx.msk $0xffff, v50  }
0x160: {  	v58 =	vor.u32 $0xE, v8;
	v20 =	vmul.f32 v12, v12;
	v57 =	vmul.f32 v10, v19;
	[tilespmem:v46+s31+$0x0] =	vst.idx.msk $0xffff, v53  }
0x161: {  	v59 =	vadd.f32 v3, v3;
	v61 =	vor.u32 $0xF, v8;
	v60 =	vmul.f32 v4, v9;
	[tilespmem:v49+s31+$0x0] =	vst.idx.msk $0xffff, v55  }
0x162: {  	v17 =	vmul.f32 v20, v52;
	v63 =	vor.u32 $0x10, v8;
	v62 =	vmul.f32 v6, v9;
	[tilespmem:v51+s31+$0x0] =	vst.idx.msk $0xffff, v57  }
0x163: {  	v23 =	vor.u32 $0x11, v8;
	v18 =	vmul.f32 v59, v3;
	v22 =	vmul.f32 v5, v9;
	[tilespmem:v54+s31+$0x0] =	vst.idx.msk $0xffff, v60  }
0x164: {  	v24 =	vmul.f32 v3, v7;
	v26 =	vor.u32 $0x12, v8;
	v25 =	vmul.f32 v10, v9;
	[tilespmem:v56+s31+$0x0] =	vst.idx.msk $0xffff, v62  }
0x165: {  	v27 =	vsub.f32 v18, v1;
	v29 =	vor.u32 $0x13, v8;
	v28 =	vmul.f32 v4, v17;
	[tilespmem:v58+s31+$0x0] =	vst.idx.msk $0xffff, v22  }
0x166: {  	v31 =	vor.u32 $0x14, v8;
	v0 =	vmul.f32 v20, v24;
	v30 =	vmul.f32 v6, v17;
	[tilespmem:v61+s31+$0x0] =	vst.idx.msk $0xffff, v25  }
0x167: {  	v12 =	vsub.f32 v27, v2;
	v32 =	vmul.f32 v5, v17;
	v33 =	vor.u32 $0x15, v8;
	[tilespmem:v63+s31+$0x0] =	vst.idx.msk $0xffff, v28  }
0x168: {  	v34 =	vmul.f32 v10, v17;
	v35 =	vor.u32 $0x16, v8;
	[tilespmem:v23+s31+$0x0] =	vst.idx.msk $0xffff, v30  }
0x169: {  	v12 =	vmul.f32 $3.153915700e-01, v12;
	v36 =	vmul.f32 v4, v0;
	v37 =	vor.u32 $0x17, v8;
	[tilespmem:v26+s31+$0x0] =	vst.idx.msk $0xffff, v32  }
0x16a: {  	v38 =	vmul.f32 v6, v0;
	v39 =	vor.u32 $0x18, v8;
	[tilespmem:v29+s31+$0x0] =	vst.idx.msk $0xffff, v34  }
0x16b: {  	v40 =	vmul.f32 v5, v0;
	v12 =	vmul.f32 v20, v12;
	v41 =	vor.u32 $0x19, v8;
	[tilespmem:v31+s31+$0x0] =	vst.idx.msk $0xffff, v36  }
0x16c: {  	v0 =	vmul.f32 v10, v0;
	v42 =	vor.u32 $0x1A, v8;
	[tilespmem:v33+s31+$0x0] =	vst.idx.msk $0xffff, v38  }
0x16d: {  	v3 =	vmul.f32 v3, v47;
	v43 =	vmul.f32 v4, v12;
	v44 =	vor.u32 $0x1B, v8;
	[tilespmem:v35+s31+$0x0] =	vst.idx.msk $0xffff, v40  }
0x16e: {  	v1 =	vsub.f32 v1, v2;
	v45 =	vmul.f32 v6, v12;
	v46 =	vor.u32 $0x1C, v8;
	[tilespmem:v37+s31+$0x0] =	vst.idx.msk $0xffff, v0  }
0x16f: {  	v3 =	vmul.f32 v20, v3;
	v47 =	vmul.f32 v5, v12;
	v48 =	vor.u32 $0x1D, v8;
	[tilespmem:v39+s31+$0x0] =	vst.idx.msk $0xffff, v43  }
0x170: {  	v50 =	vor.u32 $0x1E, v8;
	v49 =	vmul.f32 v10, v12;
	[tilespmem:v41+s31+$0x0] =	vst.idx.msk $0xffff, v45  }
0x171: {  	v52 =	vor.u32 $0x1F, v8;
	v1 =	vmul.f32 $5.462742450e-01, v1;
	v51 =	vmul.f32 v4, v3;
	[tilespmem:v42+s31+$0x0] =	vst.idx.msk $0xffff, v47  }
0x172: {  	v53 =	vmul.f32 v6, v3;
	v54 =	vor.u32 $0x20, v8;
	[tilespmem:v44+s31+$0x0] =	vst.idx.msk $0xffff, v49  }
0x173: {  	v1 =	vmul.f32 v20, v1;
	v55 =	vmul.f32 v5, v3;
	v56 =	vor.u32 $0x21, v8;
	[tilespmem:v46+s31+$0x0] =	vst.idx.msk $0xffff, v51  }
0x174: {  	s16 =	sadd.s32 $0x4, s16;
	v57 =	vmul.f32 v10, v3;
	v58 =	vor.u32 $0x22, v8;
	[tilespmem:v48+s31+$0x0] =	vst.idx.msk $0xffff, v53  }
0x175: {  	p3 =	slt.u32 s16, $0xC;
	v59 =	vmul.f32 v4, v1;
	v60 =	vor.u32 $0x23, v8;
	[tilespmem:v50+s31+$0x0] =	vst.idx.msk $0xffff, v55  }
.Ltmp4:
0x176: {  	v61 =	vmul.f32 v6, v1;
	[tilespmem:v52+s31+$0x0] =	vst.idx.msk $0xffff, v57;
	(pc) =	sbr.rel @p3 .LBB2_3-.Ltmp4, $4  }
0x177: {  	v62 =	vmul.f32 v5, v1;
	[tilespmem:v54+s31+$0x0] =	vst.idx.msk $0xffff, v59  }
0x178: {  	v63 =	vmul.f32 v10, v1;
	[tilespmem:v56+s31+$0x0] =	vst.idx.msk $0xffff, v61  }
0x179: {  	[tilespmem:v58+s31+$0x0] =	vst.idx.msk $0xffff, v62  }
0x17a: {  	s19 =	sadd.s32 $0x100, s19;
	s21 =	sadd.s32 $0x40, s21;
	[tilespmem:v60+s31+$0x0] =	vst.idx.msk $0xffff, v63  }
.Ltmp5:
0x17b: {  	(pc) =	sbr.rel @p2 .LBB2_8-.Ltmp5, $4  }
0x17c: {  	_ = 	snop  }
0x17d: {  	s16 =	sshll.u32 s14, $0x12  }
0x17e: {  	s19 =	sadd.s32 s16, s18  }
0x17f: {  	[hbm4b:s19+s6] =	stream.linear.scatter [tilespmem:s31], [sflag:$0x5], $0x8000, $0x38;
	[tilespmem:$0x134A8] =	vst v63  }
0x180: {  	_ =	swait.ge [sflag:s0], $0x100  }
0x181: {  	[sflag:s0] =	ssyncset.done $0x0  }
0x182: {  	[sflag:s0] =	ssyncadd.s32 $0xFFFFFF00  }
0x183: {  	_ =	swait.ge [sflag:s0], $0x100  }
0x184: {  	[sflag:s0] =	ssyncset.done $0x0  }
0x185: {  	[sflag:s0] =	ssyncadd.s32 $0xFFFFFF00  }
0x186: {  	_ =	swait.ge [sflag:s0], $0x100  }
0x187: {  	[sflag:s0] =	ssyncset.done $0x0  }
0x188: {  	[sflag:s0] =	ssyncadd.s32 $0xFFFFFF00  }
0x189: {  	_ =	swait.ge [sflag:s0], $0x100  }
0x18a: {  	[sflag:s0] =	ssyncset.done $0x0  }
0x18b: {  	[sflag:s0] =	ssyncadd.s32 $0xFFFFFF00  }
0x18c: {  	_ =	swait.ge [sflag:s0], $0x100  }
0x18d: {  	s19 =	sadd.s32 $0x3, s15;
	[sflag:s0] =	ssyncset.done $0x0  }
0x18e: {  	p2 =	sgt.u32 s19, s12;
	[sflag:s0] =	ssyncadd.s32 $0xFFFFFF00  }
0x18f: {  	s19 =	sshll.u32 @!p2 s19, $0xA;
	s22 =	simm.s32 @!p2 $0x80;
	_ =	swait.ge [sflag:s0], $0x100  }
0x190: {  	s23 =	simm.s32 @!p2 $0x400;
	s19 =	sor.u32 @!p2 s11, s19;
	[sflag:s0] =	ssyncset.done $0x0  }
0x191: {  	s7 =	simm.s32 @!p2 $0x100;
	s21 =	sadd.s32 @!p2 s2, s19;
	[sflag:s0] =	ssyncadd.s32 $0xFFFFFF00  }
0x192: {  	[tilespmem:s7], [sflag:$0x2] =	stream.strided.gather @!p2 [hbm4b:s21+s22], $0x100, s23, s22, $0x38;
	[tilespmem:$0x134A8] =	vst v63  }
0x193: {  	s7 =	sadd.s32 @!p2 s9, s19;
	s19 =	simm.s32 @!p2 $0x300  }
0x194: {  	[tilespmem:s19], [sflag:$0x2] =	stream.strided.gather @!p2 [hbm4b:s7+s22], $0x100, s23, s22, $0x38;
	[tilespmem:$0x134A8] =	vst v63  }
0x195: {  	p2 =	sgt.u32 s15, s17  }
0x196: {  	s7 =	simm.s32 @!p2 $0x1  }
0x197: {  	_ =	swait.ge @!p2 [sflag:s7], $0x100  }
0x198: {  	[sflag:s7] =	ssyncset.done @!p2 $0x0  }
0x199: {  	[sflag:s7] =	ssyncadd.s32 @!p2 $0xFFFFFF00  }
0x19a: {  	_ =	swait.ge @!p2 [sflag:s7], $0x100  }
0x19b: {  	s15 =	simm.s32 @!p2 $0x0;
	[sflag:s7] =	ssyncset.done @!p2 $0x0  }
0x19c: {  	s19 =	simm.s32 @!p2 $0x400;
	[sflag:s7] =	ssyncadd.s32 @!p2 $0xFFFFFF00;
	s7 =	simm.s32 @!p2 $0x100  }
0x19d: {  	[tilespmem:s19], [sflag:$0x3] =	stream.indirect.gather @!p2 [spmem:s3], $0x1, s15, s7, $0xb8;
	[tilespmem:$0x134A8] =	vst v63  }
0x19e: {  	s19 =	simm.s32 @!p2 $0x500  }
0x19f: {  	[tilespmem:s19], [sflag:$0x3] =	stream.indirect.gather @!p2 [spmem:s4], $0x1, s15, s7, $0xb8;
	[tilespmem:$0x134A8] =	vst v63  }
0x1a0: {  	s19 =	simm.s32 @!p2 $0x600  }
0x1a1: {  	[tilespmem:s19], [sflag:$0x3] =	stream.indirect.gather @!p2 [spmem:s5], $0x1, s15, s7, $0xb8;
	[tilespmem:$0x134A8] =	vst v63  }
0x1a2: {  	s15 =	simm.s32 @!p2 $0x200;
	s19 =	simm.s32 @!p2 $0x700  }
0x1a3: {  	[tilespmem:s19], [sflag:$0x3] =	stream.indirect.gather @!p2 [spmem:s3], $0x1, s15, s7, $0xb8;
	[tilespmem:$0x134A8] =	vst v63  }
0x1a4: {  	s19 =	simm.s32 @!p2 $0x800  }
0x1a5: {  	[tilespmem:s19], [sflag:$0x3] =	stream.indirect.gather @!p2 [spmem:s4], $0x1, s15, s7, $0xb8;
	[tilespmem:$0x134A8] =	vst v63  }
0x1a6: {  	s19 =	simm.s32 @!p2 $0x900  }
0x1a7: {  	[tilespmem:s19], [sflag:$0x3] =	stream.indirect.gather @!p2 [spmem:s5], $0x1, s15, s7, $0xb8;
	[tilespmem:$0x134A8] =	vst v63  }
0x1a8: {  	s7 =	simm.s32 @!p1 $0x6  }
0x1a9: {  	_ =	swait.ge @!p1 [sflag:s7], $0x8000  }
0x1aa: {  	s21 =	simm.s32 $0x0;
	[sflag:s7] =	ssyncset.done @!p1 $0x0  }
0x1ab: {  	s15 =	simm.s32 $0xFFFFFFFC;
	s19 =	simm.s32 $0x0;
	[sflag:s7] =	ssyncadd.s32 @!p1 $0xFFFF8000  }
.LBB2_6:
0x1ac: {  	s22 =	sshra.s32 s19, $0x2  }
0x1ad: {  	v0 =	vld [tilespmem:s22+$0xD00]  }
0x1ae: {  	v1 =	vld [tilespmem:s22+$0xA00]  }
0x1af: {  	v2 =	vld [tilespmem:s22+$0xE00]  }
0x1b0: {  	v3 =	vld [tilespmem:s22+$0xB00]  }
0x1b1: {  	v4 =	vld [tilespmem:s22+$0xF00]  }
0x1b2: {  	v5 =	vld [tilespmem:s22+$0xC00];
	_ =	sdelay $0x2  }
0x1b3: {  	v0 =	vsub.f32 v0, v1;
	v6 =	vsub.f32 v2, v3;
	_ =	sdelay $0x1  }
0x1b4: {  	v4 =	vsub.f32 v4, v5;
	v36 =	vmul.f32 v0, v0;
	v8 =	vmul.f32 v6, v6;
	_ =	sdelay $0x1  }
0x1b5: {  	v38 =	vmul.f32 v4, v4;
	v37 =	vadd.f32 v8, v36;
	_ =	sdelay $0x1  }
0x1b6: {  	v1 =	vadd.f32 v38, v37;
	_ =	sdelay $0x1  }
0x1b7: {  	v1 =	vadd.f32 $9.999999960e-13, v1;
	_ =	sdelay $0x1  }
0x1b8: {  	v39 =	vshra.s32 v1, $0x1;
	v40 =	vmul.f32 $5.000000000e-01, v1  }
0x1b9: {  	v2 =	vsub.s32 $0x5F3759DF, v39  }
0x1ba: {  	v7 =	vmul.f32 v2, v40;
	_ =	sdelay $0x1  }
0x1bb: {  	v7 =	vmul.f32 v2, v7;
	_ =	sdelay $0x1  }
0x1bc: {  	v7 =	vsub.f32 $1.500000000e+00, v7;
	_ =	sdelay $0x1  }
0x1bd: {  	v2 =	vmul.f32 v2, v7;
	_ =	sdelay $0x1  }
0x1be: {  	v3 =	vmul.f32 v2, v40;
	_ =	sdelay $0x1  }
0x1bf: {  	v3 =	vmul.f32 v3, v2;
	_ =	sdelay $0x1  }
0x1c0: {  	v3 =	vsub.f32 $1.500000000e+00, v3;
	_ =	sdelay $0x1  }
0x1c1: {  	v10 =	vmul.f32 v3, v2;
	_ =	sdelay $0x1  }
0x1c2: {  	v11 =	vmul.f32 v10, v1;
	_ =	sdelay $0x1  }
0x1c3: {  	v1 =	vmul.f32 $3.141592740e-01, v11;
	_ =	sdelay $0x1  }
0x1c4: {  	v1 =	vmin.f32 v1, $1.570796370e+00  }
0x1c5: {  	v12 =	vmul.f32 v1, v1  }
0x1c6: {  	v41 =	vld [tilespmem:s22+$0xD10]  }
0x1c7: {  	v42 =	vld [tilespmem:s22+$0xA10];
	v1 =	vmul.f32 $1.147074540e-11, v12  }
0x1c8: {  	v43 =	vld [tilespmem:s22+$0xE10]  }
0x1c9: {  	v13 =	vld [tilespmem:s22+$0xB10];
	v1 =	vsub.f32 $2.087675590e-09, v1;
	_ =	sdelay $0x1  }
0x1ca: {  	v14 =	vld [tilespmem:s22+$0xF10];
	v1 =	vmul.f32 v1, v12  }
0x1cb: {  	v15 =	vld [tilespmem:s22+$0xC10]  }
0x1cc: {  	v1 =	vadd.f32 $-2.755732000e-07, v1  }
0x1cd: {  	v9 =	vsub.f32 v41, v42;
	v7 =	vsub.f32 v43, v13  }
0x1ce: {  	v1 =	vmul.f32 v1, v12  }
0x1cf: {  	v26 =	vmul.f32 v9, v9;
	v25 =	vmul.f32 v7, v7  }
0x1d0: {  	v2 =	vsub.f32 v14, v15;
	v1 =	vadd.f32 $2.480158760e-05, v1  }
0x1d1: {  	v16 =	vadd.f32 v25, v26  }
0x1d2: {  	v17 =	vmul.f32 v2, v2;
	v45 =	vmin.f32 v11, $5.000000000e+00;
	v44 =	vmul.f32 v1, v12  }
0x1d3: {  	v46 =	vmul.f32 $-6.399999860e-01, v45  }
0x1d4: {  	v16 =	vadd.f32 v17, v16;
	v13 =	vadd.f32 $-1.388888920e-03, v44  }
0x1d5: {  	v15 =	vmul.f32 v46, v45  }
0x1d6: {  	v16 =	vadd.f32 $9.999999960e-13, v16;
	v13 =	vmul.f32 v13, v12  }
0x1d7: {  	v15 =	vmul.f32 $1.442695020e+00, v15  }
0x1d8: {  	v47 =	vshra.s32 v16, $0x1;
	v48 =	vmul.f32 $5.000000000e-01, v16;
	v13 =	vadd.f32 $4.166666790e-02, v13  }
0x1d9: {  	v22 =	vmul.f32 $4.886025190e-01, v6;
	(erf) = vpow2.f32 v15;
	v15 =	vsub.s32 $0x5F3759DF, v47  }
0x1da: {  	v5 =	vsub.f32 v36, v8;
	v18 =	vmul.f32 v15, v48;
	v13 =	vmul.f32 v13, v12  }
0x1db: {  	v57 =	vmul.f32 $4.886025190e-01, v4;
	v14 =	vmul.f32 $2.133333440e+00, v45  }
0x1dc: {  	v5 =	vmul.f32 $5.462742450e-01, v5;
	v49 =	vmul.f32 v15, v18;
	v13 =	vadd.f32 $-5.000000000e-01, v13  }
0x1dd: {  	v53 =	vmul.f32 v10, v10;
	v14 =	vmul.f32 $1.442695020e+00, v14  }
0x1de: {  	v63 =	vld [tilespmem:s22+$0xA20];
	v58 =	vmul.f32 $1.092548490e+00, v0;
	v12 =	vmul.f32 v13, v12;
	v13 =	vsub.f32 $1.500000000e+00, v49  }
0x1df: {  	v56 =	vadd.f32 v4, v4;
	v43 =	vmul.f32 v53, v5;
	v5 =	vld [tilespmem:s22+$0xD20];
	(erf) = vpow2.f32 v14  }
0x1e0: {  	v0 =	vmul.f32 $4.886025190e-01, v0;
	v12 =	vadd.f32 $1.000000000e+00, v12;
	v13 =	vmul.f32 v15, v13  }
0x1e1: {  	v23 =	vmul.f32 v6, v58;
	v18 =	vmul.f32 v56, v4  }
0x1e2: {  	v12 =	vmul.f32 v12, v12;
	v51 =	vmul.f32 v13, v48  }
0x1e3: {  	v6 =	vmul.f32 $1.092548490e+00, v6;
	vm0 =	vlt.f32 v11, $5.000000000e+00;
	v18 =	vsub.f32 v18, v36  }
0x1e4: {  	v63 =	vsub.f32 v5, v63;
	v11 =	vnsel vm0, $0x0, v12;
	v12 =	vmul.f32 v51, v13  }
0x1e5: {  	v6 =	vmul.f32 v4, v6;
	v55 =	vmul.f32 v10, v22;
	v18 =	vsub.f32 v18, v8  }
0x1e6: {  	v0 =	vmul.f32 v10, v0;
	v32 =	vmul.f32 v63, v63;
	v12 =	vsub.f32 $1.500000000e+00, v12  }
0x1e7: {  	v4 =	vmul.f32 v4, v58;
	v50 =	vpop (erf);
	v18 =	vmul.f32 $3.153915700e-01, v18  }
0x1e8: {  	v14 =	vpop (erf);
	v11 =	vmul.f32 v11, v50;
	v15 =	vmul.f32 v12, v13  }
0x1e9: {  	v54 =	vmul.f32 v14, v14;
	v18 =	vmul.f32 v53, v18  }
0x1ea: {  	v52 =	vmul.f32 $1.690133210e-01, v11;
	v16 =	vmul.f32 v15, v16  }
0x1eb: {  	v20 =	vmul.f32 $8.159878190e-04, v11;
	v21 =	vmul.f32 $1.125351760e-07, v11  }
0x1ec: {  	v44 =	vmul.f32 $2.820948060e-01, v11;
	v59 =	vmul.f32 $3.141592740e-01, v16  }
0x1ed: {  	v48 =	vmul.f32 v11, v55;
	v42 =	vmul.f32 v11, v0  }
0x1ee: {  	v19 =	vmul.f32 v52, v14;
	v14 =	vmul.f32 v54, v14;
	v22 =	vmin.f32 v59, $1.570796370e+00  }
0x1ef: {  	v13 =	vmul.f32 v20, v54;
	v22 =	vmul.f32 v22, v22  }
0x1f0: {  	v20 =	vmul.f32 v10, v57;
	v10 =	vmul.f32 v53, v23  }
0x1f1: {  	v23 =	vmul.f32 v53, v4;
	v60 =	vmul.f32 $1.147074540e-11, v22  }
0x1f2: {  	v14 =	vmul.f32 v21, v14;
	v21 =	vmul.f32 v53, v6  }
0x1f3: {  	v45 =	vmul.f32 $2.820948060e-01, v19;
	v46 =	vmul.f32 $2.820948060e-01, v13;
	v61 =	vsub.f32 $2.087675590e-09, v60  }
0x1f4: {  	v49 =	vmul.f32 v19, v55;
	v50 =	vmul.f32 v13, v55  }
0x1f5: {  	v52 =	vmul.f32 v11, v20;
	v62 =	vmul.f32 v61, v22  }
0x1f6: {  	v53 =	vmul.f32 v19, v20;
	v54 =	vmul.f32 v13, v20  }
0x1f7: {  	v40 =	vmul.f32 v19, v0;
	v41 =	vmul.f32 v13, v0;
	v4 =	vadd.f32 $-2.755732000e-07, v62  }
0x1f8: {  	v57 =	vld [tilespmem:s22+$0xE20];
	v34 =	vmul.f32 v11, v10;
	v30 =	vmul.f32 v19, v10  }
0x1f9: {  	v29 =	vmul.f32 v13, v10;
	v59 =	vld [tilespmem:s22+$0xB20];
	v4 =	vmul.f32 v4, v22  }
0x1fa: {  	v37 =	vmul.f32 v19, v18;
	v47 =	vmul.f32 $2.820948060e-01, v14  }
0x1fb: {  	v24 =	vld [tilespmem:s22+$0xC20];
	v51 =	vmul.f32 v14, v55;
	v55 =	vmul.f32 v14, v20;
	v4 =	vadd.f32 $2.480158760e-05, v4  }
0x1fc: {  	v58 =	vmov s21;
	v38 =	vmul.f32 v14, v0;
	v17 =	vmul.f32 v14, v10;
	v60 =	vld [tilespmem:s22+$0xF20]  }
0x1fd: {  	v27 =	vmin.f32 v16, $5.000000000e+00;
	v10 =	vmul.f32 v11, v21;
	v61 =	vld [tilespmem:$0x1FFF0];
	v4 =	vmul.f32 v4, v22  }
0x1fe: {  	v5 =	vmul.f32 v19, v21;
	v35 =	vmul.f32 $2.133333440e+00, v27;
	v8 =	vsub.f32 v57, v59  }
0x1ff: {  	v36 =	vmul.f32 v13, v21;
	v39 =	vmul.f32 v14, v21;
	v4 =	vadd.f32 $-1.388888920e-03, v4  }
0x200: {  	v12 =	vshll.u32 v58, $0x7;
	v33 =	vmul.f32 v8, v8;
	v62 =	vmul.f32 $-6.399999860e-01, v27  }
0x201: {  	v21 =	vmul.f32 v19, v43;
	v6 =	vsub.f32 v60, v24;
	v4 =	vmul.f32 v4, v22  }
0x202: {  	[tilespmem:$0x1FFA0] =	vst v32;
	v60 =	vadd.f32 v33, v32;
	v31 =	vor.u32 v61, v12;
	v12 =	vmul.f32 v62, v27  }
0x203: {  	[tilespmem:$0x1FFB0] =	vst v33;
	v32 =	vmul.f32 v13, v18;
	v33 =	vmul.f32 v14, v18;
	v28 =	vadd.f32 $4.166666790e-02, v4  }
0x204: {  	v24 =	vmul.f32 v13, v23;
	v12 =	vmul.f32 $1.442695020e+00, v12  }
0x205: {  	v3 =	vor.u32 $0x1, v31;
	v20 =	vmul.f32 v28, v22;
	v28 =	vmul.f32 v6, v6  }
0x206: {  	vm13 =	vlt.f32 v16, $5.000000000e+00;
	v62 =	vmul.f32 $1.442695020e+00, v35;
	(erf) = vpow2.f32 v12  }
0x207: {  	[tilespmem:$0x1FF90] =	vst v63;
	v56 =	vor.u32 $0x2, v31;
	v61 =	vadd.f32 $-5.000000000e-01, v20;
	v63 =	vadd.f32 v28, v60  }
0x208: {  	v35 =	vmul.f32 v11, v18;
	v27 =	vmul.f32 v11, v23;
	v57 =	vor.u32 $0x3, v31  }
0x209: {  	v59 =	vor.u32 $0x4, v31;
	[tilespmem:v31+s1+$0x0] =	vst.idx.msk $0xffff, v44;
	v12 =	vmul.f32 v61, v22;
	v58 =	vadd.f32 $9.999999960e-13, v63  }
0x20a: {  	v16 =	vor.u32 $0x7, v31;
	(erf) = vpow2.f32 v62;
	[tilespmem:v3+s1+$0x0] =	vst.idx.msk $0xffff, v45;
	v3 =	vor.u32 $0xC, v31  }
0x20b: {  	v12 =	vadd.f32 $1.000000000e+00, v12;
	v0 =	vshra.s32 v58, $0x1;
	v60 =	vmul.f32 $5.000000000e-01, v58  }
0x20c: {  	v45 =	vor.u32 $0xD, v31;
	[tilespmem:v56+s1+$0x0] =	vst.idx.msk $0xffff, v46;
	v46 =	vor.u32 $0xE, v31;
	v18 =	vsub.s32 $0x5F3759DF, v0  }
0x20d: {  	v56 =	vor.u32 $0xF, v31;
	[tilespmem:v57+s1+$0x0] =	vst.idx.msk $0xffff, v47;
	v12 =	vmul.f32 v12, v12;
	v20 =	vmul.f32 v18, v60  }
0x20e: {  	v47 =	vor.u32 $0x11, v31;
	v57 =	vor.u32 $0x13, v31;
	[tilespmem:v59+s1+$0x0] =	vst.idx.msk $0xffff, v48;
	v48 =	vor.u32 $0x12, v31  }
0x20f: {  	v28 =	vmul.f32 v19, v23;
	v1 =	vpop (erf);
	v12 =	vnsel vm13, $0x0, v12;
	v62 =	vmul.f32 v18, v20  }
0x210: {  	v61 =	vor.u32 $0x5, v31;
	v22 =	vmul.f32 v14, v23;
	v12 =	vmul.f32 v12, v1  }
0x211: {  	v63 =	vor.u32 $0x6, v31;
	v23 =	vmul.f32 v11, v43;
	v11 =	vsub.f32 $1.500000000e+00, v62  }
0x212: {  	v59 =	vor.u32 $0x15, v31;
	v19 =	vmul.f32 v14, v43;
	v4 =	vmul.f32 $1.690133210e-01, v12  }
0x213: {  	v20 =	vmul.f32 v13, v43;
	v43 =	vpop (erf);
	v62 =	vor.u32 $0x8, v31;
	v11 =	vmul.f32 v18, v11  }
0x214: {  	v0 =	vmul.f32 v43, v43;
	v18 =	vor.u32 $0x9, v31;
	v13 =	vmul.f32 v4, v43  }
0x215: {  	[tilespmem:v61+s1+$0x0] =	vst.idx.msk $0xffff, v49;
	v4 =	vmul.f32 $8.159878190e-04, v12;
	v44 =	vmul.f32 v11, v60;
	v60 =	vor.u32 $0xA, v31  }
0x216: {  	v49 =	vor.u32 $0x14, v31;
	v61 =	vor.u32 $0x16, v31;
	[tilespmem:v63+s1+$0x0] =	vst.idx.msk $0xffff, v50;
	v1 =	vor.u32 $0xB, v31  }
0x217: {  	v63 =	vor.u32 $0x19, v31;
	[tilespmem:v16+s1+$0x0] =	vst.idx.msk $0xffff, v51;
	v50 =	vmul.f32 $1.125351760e-07, v12;
	v14 =	vmul.f32 v4, v0  }
0x218: {  	v51 =	vor.u32 $0x18, v31;
	v0 =	vmul.f32 v0, v43;
	[tilespmem:v62+s1+$0x0] =	vst.idx.msk $0xffff, v52;
	v44 =	vmul.f32 v44, v11  }
0x219: {  	v43 =	vor.u32 $0x10, v31;
	v4 =	vor.u32 $0x1A, v31;
	v52 =	vor.u32 $0x1D, v31;
	[tilespmem:v18+s1+$0x0] =	vst.idx.msk $0xffff, v53  }
0x21a: {  	v16 =	vmul.f32 v50, v0;
	v53 =	vmul.f32 $4.886025190e-01, v7;
	v44 =	vsub.f32 $1.500000000e+00, v44;
	[tilespmem:v60+s1+$0x0] =	vst.idx.msk $0xffff, v54  }
0x21b: {  	v0 =	vor.u32 $0x1B, v31;
	v60 =	vmul.f32 $4.886025190e-01, v9;
	v9 =	vmul.f32 $1.092548490e+00, v9;
	[tilespmem:v1+s1+$0x0] =	vst.idx.msk $0xffff, v55  }
0x21c: {  	v50 =	vor.u32 $0x1C, v31;
	v11 =	vmul.f32 v44, v11;
	v1 =	vmul.f32 v15, v53;
	[tilespmem:v3+s1+$0x0] =	vst.idx.msk $0xffff, v42  }
0x21d: {  	v53 =	vadd.f32 v2, v2;
	v42 =	vmul.f32 v15, v60;
	v60 =	vmul.f32 $1.092548490e+00, v7;
	[tilespmem:v45+s1+$0x0] =	vst.idx.msk $0xffff, v40  }
0x21e: {  	v54 =	vor.u32 $0x1E, v31;
	v7 =	vmul.f32 v7, v9;
	v18 =	vmul.f32 v11, v58;
	[tilespmem:v46+s1+$0x0] =	vst.idx.msk $0xffff, v41  }
0x21f: {  	v44 =	vor.u32 $0x17, v31;
	v58 =	vmul.f32 $4.886025190e-01, v2;
	v53 =	vmul.f32 v53, v2;
	[tilespmem:v56+s1+$0x0] =	vst.idx.msk $0xffff, v38  }
0x220: {  	v41 =	vor.u32 $0x20, v31;
	v46 =	vmul.f32 v2, v60;
	v60 =	vld [tilespmem:$0x1FFF0];
	v62 =	vmul.f32 $3.141592740e-01, v18;
	[tilespmem:v43+s1+$0x0] =	vst.idx.msk $0xffff, v34  }
0x221: {  	v2 =	vmul.f32 v2, v9;
	v3 =	vmul.f32 v15, v58;
	v58 =	vor.u32 $0x1F, v31;
	[tilespmem:v47+s1+$0x0] =	vst.idx.msk $0xffff, v30  }
0x222: {  	s7 =	sadd.s32 $0x10, s21;
	v15 =	vmul.f32 v15, v15;
	v40 =	vsub.f32 v53, v26;
	v55 =	vmin.f32 v62, $1.570796370e+00;
	[tilespmem:v48+s1+$0x0] =	vst.idx.msk $0xffff, v29  }
0x223: {  	v38 =	vor.u32 $0x21, v31;
	v45 =	vmul.f32 v55, v55;
	v55 =	vmov s7;
	[tilespmem:v57+s1+$0x0] =	vst.idx.msk $0xffff, v17  }
0x224: {  	v43 =	vmul.f32 v15, v7;
	v40 =	vsub.f32 v40, v25;
	v57 =	vshll.u32 v55, $0x7;
	[tilespmem:v49+s1+$0x0] =	vst.idx.msk $0xffff, v10  }
0x225: {  	v34 =	vor.u32 $0x22, v31;
	v25 =	vsub.f32 v26, v25;
	v17 =	vor.u32 v60, v57;
	[tilespmem:v59+s1+$0x0] =	vst.idx.msk $0xffff, v5  }
0x226: {  	v30 =	vmul.f32 v15, v46;
	v26 =	vmul.f32 v15, v2;
	v29 =	vor.u32 $0x23, v31;
	[tilespmem:v61+s1+$0x0] =	vst.idx.msk $0xffff, v36  }
0x227: {  	v7 =	vmul.f32 $3.153915700e-01, v40;
	v53 =	vmul.f32 $5.462742450e-01, v25;
	v31 =	vor.u32 $0x1, v17;
	[tilespmem:v44+s1+$0x0] =	vst.idx.msk $0xffff, v39  }
0x228: {  	v62 =	vmul.f32 $1.147074540e-11, v45;
	v5 =	vmul.f32 $2.820948060e-01, v12;
	[tilespmem:v51+s1+$0x0] =	vst.idx.msk $0xffff, v35  }
0x229: {  	v10 =	vmul.f32 v15, v7;
	v25 =	vmul.f32 v15, v53;
	[tilespmem:v63+s1+$0x0] =	vst.idx.msk $0xffff, v37  }
0x22a: {  	v15 =	vmul.f32 $2.820948060e-01, v13;
	v47 =	vsub.f32 $2.087675590e-09, v62;
	v39 =	vor.u32 $0x2, v17;
	[tilespmem:v17+s1+$0x0] =	vst.idx.msk $0xffff, v5  }
0x22b: {  	vm14 =	vlt.f32 v18, $5.000000000e+00;
	[tilespmem:v4+s1+$0x0] =	vst.idx.msk $0xffff, v32  }
0x22c: {  	v46 =	vmul.f32 v13, v1;
	v40 =	vor.u32 $0x3, v17;
	v56 =	vmul.f32 v47, v45;
	[tilespmem:v31+s1+$0x0] =	vst.idx.msk $0xffff, v15  }
0x22d: {  	v55 =	vmin.f32 v18, $5.000000000e+00;
	v18 =	vmul.f32 v12, v26;
	v36 =	vmul.f32 $2.820948060e-01, v14;
	[tilespmem:v0+s1+$0x0] =	vst.idx.msk $0xffff, v33  }
0x22e: {  	v49 =	vmul.f32 v13, v3;
	v37 =	vor.u32 $0x4, v17;
	v62 =	vadd.f32 $-2.755732000e-07, v56;
	[tilespmem:v50+s1+$0x0] =	vst.idx.msk $0xffff, v27  }
0x22f: {  	v48 =	vor.u32 $0x8, v17;
	v53 =	vor.u32 $0xC, v17;
	v35 =	vmul.f32 $2.820948060e-01, v16;
	[tilespmem:v39+s1+$0x0] =	vst.idx.msk $0xffff, v36  }
0x230: {  	v44 =	vmul.f32 v12, v1;
	v4 =	vor.u32 $0x5, v17;
	v2 =	vmul.f32 v62, v45;
	[tilespmem:v52+s1+$0x0] =	vst.idx.msk $0xffff, v28  }
0x231: {  	v47 =	vor.u32 $0x6, v17;
	v51 =	vmul.f32 v16, v3;
	v5 =	vmul.f32 v12, v43;
	[tilespmem:v40+s1+$0x0] =	vst.idx.msk $0xffff, v35  }
0x232: {  	v32 =	vmul.f32 v14, v1;
	v31 =	vmul.f32 v13, v43;
	v2 =	vadd.f32 $2.480158760e-05, v2;
	[tilespmem:v54+s1+$0x0] =	vst.idx.msk $0xffff, v24  }
0x233: {  	v9 =	vld [tilespmem:s22+$0xA30];
	v57 =	vor.u32 $0x18, v17;
	v0 =	vmul.f32 v16, v1;
	v27 =	vmul.f32 v12, v3;
	[tilespmem:v37+s1+$0x0] =	vst.idx.msk $0xffff, v44  }
0x234: {  	v60 =	vld [tilespmem:s22+$0xB30];
	v33 =	vor.u32 $0x7, v17;
	v50 =	vmul.f32 v14, v3;
	[tilespmem:v58+s1+$0x0] =	vst.idx.msk $0xffff, v22;
	v7 =	vmul.f32 v2, v45  }
0x235: {  	v61 =	vld [tilespmem:s22+$0xF30];
	v62 =	vmul.f32 $-6.399999860e-01, v55;
	v39 =	vmul.f32 v14, v43;
	v28 =	vor.u32 $0x9, v17;
	[tilespmem:v4+s1+$0x0] =	vst.idx.msk $0xffff, v46  }
0x236: {  	v3 =	vld [tilespmem:s22+$0xE30];
	v52 =	vor.u32 $0xB, v17;
	v40 =	vmul.f32 v16, v43;
	[tilespmem:v41+s1+$0x0] =	vst.idx.msk $0xffff, v23;
	v1 =	vadd.f32 $-1.388888920e-03, v7  }
0x237: {  	v43 =	vmul.f32 v13, v30;
	v24 =	vor.u32 $0xA, v17;
	v44 =	vmul.f32 v14, v10;
	v2 =	vld [tilespmem:s22+$0xD30];
	[tilespmem:v47+s1+$0x0] =	vst.idx.msk $0xffff, v32  }
0x238: {  	v63 =	vld [tilespmem:s22+$0xC30];
	v22 =	vmul.f32 v12, v42;
	v58 =	vor.u32 $0x11, v17;
	[tilespmem:v38+s1+$0x0] =	vst.idx.msk $0xffff, v21;
	v1 =	vmul.f32 v1, v45  }
0x239: {  	v23 =	vmul.f32 v13, v42;
	v41 =	vor.u32 $0xD, v17;
	v21 =	vmul.f32 v14, v42;
	[tilespmem:v33+s1+$0x0] =	vst.idx.msk $0xffff, v0  }
0x23a: {  	v0 =	vmul.f32 v14, v30;
	[tilespmem:v34+s1+$0x0] =	vst.idx.msk $0xffff, v20;
	v34 =	vmul.f32 v16, v42;
	v1 =	vadd.f32 $4.166666790e-02, v1  }
0x23b: {  	v32 =	vor.u32 $0x14, v17;
	v42 =	vmul.f32 v62, v55;
	v7 =	vsub.f32 v3, v60;
	[tilespmem:v48+s1+$0x0] =	vst.idx.msk $0xffff, v27  }
0x23c: {  	v20 =	vor.u32 $0xE, v17;
	[tilespmem:v29+s1+$0x0] =	vst.idx.msk $0xffff, v19;
	v9 =	vsub.f32 v2, v9;
	v1 =	vmul.f32 v1, v45  }
0x23d: {  	v3 =	vsub.f32 v61, v63;
	v61 =	vor.u32 $0x12, v17;
	v19 =	vor.u32 $0xF, v17;
	[tilespmem:v28+s1+$0x0] =	vst.idx.msk $0xffff, v49  }
0x23e: {  	[tilespmem:v24+s1+$0x0] =	vst.idx.msk $0xffff, v50;
	v2 =	vmul.f32 v7, v7;
	v54 =	vadd.f32 $-5.000000000e-01, v1;
	v1 =	vmul.f32 v9, v9  }
0x23f: {  	v62 =	vmul.f32 $2.133333440e+00, v55;
	v63 =	vor.u32 $0x13, v17;
	v29 =	vor.u32 $0x10, v17;
	[tilespmem:v52+s1+$0x0] =	vst.idx.msk $0xffff, v51  }
0x240: {  	v38 =	vmul.f32 $1.442695020e+00, v42;
	v60 =	vmul.f32 v3, v3;
	[tilespmem:v53+s1+$0x0] =	vst.idx.msk $0xffff, v22;
	v59 =	vadd.f32 v2, v1  }
0x241: {  	v27 =	vor.u32 $0x15, v17;
	v42 =	vmul.f32 $1.442695020e+00, v62;
	v24 =	vmul.f32 v13, v10;
	[tilespmem:v41+s1+$0x0] =	vst.idx.msk $0xffff, v23  }
0x242: {  	(erf) = vpow2.f32 v38;
	v38 =	vmul.f32 v12, v30;
	[tilespmem:v20+s1+$0x0] =	vst.idx.msk $0xffff, v21;
	v35 =	vadd.f32 v60, v59  }
0x243: {  	v55 =	vor.u32 $0x17, v17;
	v30 =	vmul.f32 v16, v30;
	(erf) = vpow2.f32 v42;
	[tilespmem:v19+s1+$0x0] =	vst.idx.msk $0xffff, v34  }
0x244: {  	v22 =	vmul.f32 v13, v26;
	v23 =	vmul.f32 v12, v25;
	[tilespmem:v29+s1+$0x0] =	vst.idx.msk $0xffff, v5;
	v33 =	vadd.f32 $9.999999960e-13, v35  }
0x245: {  	v51 =	vor.u32 $0x16, v17;
	v21 =	vmul.f32 v14, v26;
	[tilespmem:v58+s1+$0x0] =	vst.idx.msk $0xffff, v31;
	v15 =	vmul.f32 v54, v45  }
0x246: {  	v19 =	vmul.f32 v16, v26;
	[tilespmem:v61+s1+$0x0] =	vst.idx.msk $0xffff, v39;
	v48 =	vshra.s32 v33, $0x1;
	v49 =	vmul.f32 $5.000000000e-01, v33  }
0x247: {  	v26 =	vmul.f32 v13, v25;
	[tilespmem:v63+s1+$0x0] =	vst.idx.msk $0xffff, v40;
	v15 =	vadd.f32 $1.000000000e+00, v15;
	v28 =	vsub.s32 $0x5F3759DF, v48  }
0x248: {  	v42 =	vor.u32 $0x1C, v17;
	v29 =	vmul.f32 v14, v25;
	[tilespmem:v32+s1+$0x0] =	vst.idx.msk $0xffff, v38;
	v52 =	vmul.f32 v28, v49  }
0x249: {  	v25 =	vmul.f32 v16, v25;
	v58 =	vor.u32 $0x19, v17;
	[tilespmem:v27+s1+$0x0] =	vst.idx.msk $0xffff, v43;
	v15 =	vmul.f32 v15, v15  }
0x24a: {  	v61 =	vor.u32 $0x1A, v17;
	v63 =	vor.u32 $0x1B, v17;
	[tilespmem:v51+s1+$0x0] =	vst.idx.msk $0xffff, v0;
	v54 =	vmul.f32 v28, v52  }
0x24b: {  	v53 =	vpop (erf);
	v35 =	vmul.f32 v12, v10;
	[tilespmem:v55+s1+$0x0] =	vst.idx.msk $0xffff, v30;
	v55 =	vmul.f32 $4.886025190e-01, v6;
	v15 =	vnsel vm14, $0x0, v15  }
0x24c: {  	v10 =	vmul.f32 v16, v10;
	v59 =	vpop (erf);
	v15 =	vmul.f32 v15, v53;
	v56 =	vsub.f32 $1.500000000e+00, v54  }
0x24d: {  	v62 =	vmul.f32 v59, v59;
	[tilespmem:v57+s1+$0x0] =	vst.idx.msk $0xffff, v35;
	v48 =	vor.u32 $0x1D, v17;
	v31 =	vmul.f32 v11, v55  }
0x24e: {  	v51 =	vor.u32 $0x1E, v17;
	[tilespmem:v58+s1+$0x0] =	vst.idx.msk $0xffff, v24;
	v58 =	vld [tilespmem:$0x1FF90];
	v60 =	vmul.f32 $1.690133210e-01, v15;
	v12 =	vmul.f32 v28, v56  }
0x24f: {  	v53 =	vor.u32 $0x1F, v17;
	[tilespmem:v61+s1+$0x0] =	vst.idx.msk $0xffff, v44;
	v46 =	vmul.f32 $8.159878190e-04, v15;
	v47 =	vmul.f32 $1.125351760e-07, v15  }
0x250: {  	[tilespmem:v63+s1+$0x0] =	vst.idx.msk $0xffff, v10;
	v37 =	vmul.f32 v15, v31;
	v41 =	vmul.f32 v12, v49  }
0x251: {  	v52 =	vmul.f32 $4.886025190e-01, v8;
	[tilespmem:v42+s1+$0x0] =	vst.idx.msk $0xffff, v18;
	v16 =	vmul.f32 v60, v59  }
0x252: {  	v57 =	vor.u32 $0x20, v17;
	v13 =	vmul.f32 v46, v62;
	[tilespmem:v48+s1+$0x0] =	vst.idx.msk $0xffff, v22;
	v50 =	vmul.f32 v41, v12  }
0x253: {  	v60 =	vor.u32 $0x21, v17;
	v5 =	vmul.f32 v11, v52;
	v63 =	vmul.f32 $1.092548490e+00, v58;
	[tilespmem:v51+s1+$0x0] =	vst.idx.msk $0xffff, v21  }
0x254: {  	v40 =	vld [tilespmem:$0x1FFA0];
	v39 =	vmul.f32 v16, v31;
	[tilespmem:v53+s1+$0x0] =	vst.idx.msk $0xffff, v19;
	v53 =	vmul.f32 $2.820948060e-01, v15;
	v54 =	vsub.f32 $1.500000000e+00, v50  }
0x255: {  	v42 =	vld [tilespmem:$0x1FFB0];
	v56 =	vadd.f32 v6, v6;
	v35 =	vmul.f32 v13, v5;
	v49 =	vmul.f32 v62, v59  }
0x256: {  	s22 =	sadd.s32 $0x20, s21;
	v59 =	vmul.f32 $4.886025190e-01, v58;
	v12 =	vmul.f32 v54, v12  }
0x257: {  	v44 =	vmov s22;
	v61 =	vmul.f32 v56, v6;
	v14 =	vmul.f32 v47, v49;
	v49 =	vld [tilespmem:$0x1FFF0]  }
0x258: {  	v62 =	vor.u32 $0x22, v17;
	v56 =	vmul.f32 $2.820948060e-01, v16;
	v10 =	vmul.f32 v12, v33  }
0x259: {  	[tilespmem:v57+s1+$0x0] =	vst.idx.msk $0xffff, v23;
	v17 =	vor.u32 $0x23, v17;
	v58 =	vmul.f32 $2.820948060e-01, v13;
	v41 =	vmul.f32 v8, v63  }
0x25a: {  	[tilespmem:v60+s1+$0x0] =	vst.idx.msk $0xffff, v26;
	v60 =	vsub.f32 v40, v42;
	v8 =	vmul.f32 $1.092548490e+00, v8;
	v45 =	vmul.f32 $3.141592740e-01, v10  }
0x25b: {  	v30 =	vmul.f32 v11, v59;
	v34 =	vsub.f32 v61, v40;
	v47 =	vshll.u32 v44, $0x7  }
0x25c: {  	v46 =	vmul.f32 v6, v8;
	v8 =	vor.u32 v49, v47;
	v50 =	vmin.f32 v45, $1.570796370e+00  }
0x25d: {  	v11 =	vmul.f32 v11, v11;
	v51 =	vor.u32 $0x1, v8;
	v20 =	vmul.f32 v50, v50  }
0x25e: {  	v27 =	vmul.f32 $5.462742450e-01, v60;
	v43 =	vsub.f32 v34, v42;
	v52 =	vor.u32 $0x2, v8  }
0x25f: {  	v0 =	vmul.f32 v11, v41;
	[tilespmem:v62+s1+$0x0] =	vst.idx.msk $0xffff, v29;
	v54 =	vor.u32 $0x3, v8;
	v55 =	vmul.f32 $1.147074540e-11, v20  }
0x260: {  	v6 =	vmul.f32 v6, v63;
	v61 =	vmul.f32 $2.820948060e-01, v14;
	[tilespmem:v17+s1+$0x0] =	vst.idx.msk $0xffff, v25;
	v57 =	vor.u32 $0x4, v8  }
0x261: {  	v63 =	vmul.f32 v15, v5;
	v59 =	vor.u32 $0x5, v8;
	[tilespmem:v8+s1+$0x0] =	vst.idx.msk $0xffff, v53;
	v24 =	vsub.f32 $2.087675590e-09, v55  }
0x262: {  	v41 =	vmul.f32 v13, v31;
	v42 =	vmul.f32 v14, v31;
	v62 =	vor.u32 $0x6, v8;
	[tilespmem:v51+s1+$0x0] =	vst.idx.msk $0xffff, v56  }
0x263: {  	v44 =	vmul.f32 v15, v30;
	v32 =	vor.u32 $0x7, v8;
	[tilespmem:v52+s1+$0x0] =	vst.idx.msk $0xffff, v58;
	v24 =	vmul.f32 v24, v20  }
0x264: {  	v48 =	vmul.f32 $3.153915700e-01, v43;
	v33 =	vmul.f32 v16, v5;
	v34 =	vor.u32 $0x8, v8;
	[tilespmem:v54+s1+$0x0] =	vst.idx.msk $0xffff, v61  }
0x265: {  	v18 =	vmul.f32 v11, v46;
	v36 =	vor.u32 $0x9, v8;
	[tilespmem:v57+s1+$0x0] =	vst.idx.msk $0xffff, v63;
	v24 =	vadd.f32 $-2.755732000e-07, v24  }
0x266: {  	v6 =	vmul.f32 v11, v6;
	v5 =	vmul.f32 v14, v5;
	v38 =	vor.u32 $0xA, v8;
	[tilespmem:v59+s1+$0x0] =	vst.idx.msk $0xffff, v33  }
0x267: {  	s23 =	sadd.s32 $0x30, s21;
	v46 =	vmul.f32 v16, v30;
	v40 =	vor.u32 $0xB, v8;
	[tilespmem:v62+s1+$0x0] =	vst.idx.msk $0xffff, v35;
	v24 =	vmul.f32 v24, v20  }
0x268: {  	v25 =	vmov s23;
	v47 =	vmul.f32 v13, v30;
	v43 =	vor.u32 $0xC, v8;
	[tilespmem:v32+s1+$0x0] =	vst.idx.msk $0xffff, v5  }
0x269: {  	v49 =	vmul.f32 v14, v30;
	v45 =	vor.u32 $0xD, v8;
	[tilespmem:v34+s1+$0x0] =	vst.idx.msk $0xffff, v37;
	v24 =	vadd.f32 $2.480158760e-05, v24  }
0x26a: {  	v19 =	vmul.f32 v11, v48;
	v48 =	vor.u32 $0xE, v8;
	v60 =	vmul.f32 v15, v18;
	[tilespmem:v36+s1+$0x0] =	vst.idx.msk $0xffff, v39  }
0x26b: {  	v11 =	vmul.f32 v11, v27;
	v50 =	vor.u32 $0xF, v8;
	[tilespmem:v38+s1+$0x0] =	vst.idx.msk $0xffff, v41;
	v24 =	vmul.f32 v24, v20  }
0x26c: {  	vm15 =	vlt.f32 v10, $5.000000000e+00;
	v53 =	vmul.f32 v16, v0;
	v52 =	vor.u32 $0x10, v8;
	[tilespmem:v40+s1+$0x0] =	vst.idx.msk $0xffff, v42  }
0x26d: {  	v54 =	vor.u32 $0x11, v8;
	v55 =	vmin.f32 v10, $5.000000000e+00;
	[tilespmem:v43+s1+$0x0] =	vst.idx.msk $0xffff, v44;
	v24 =	vadd.f32 $-1.388888920e-03, v24  }
0x26e: {  	v51 =	vmul.f32 v15, v0;
	v57 =	vor.u32 $0x12, v8;
	v58 =	vmul.f32 $-6.399999860e-01, v55;
	[tilespmem:v45+s1+$0x0] =	vst.idx.msk $0xffff, v46  }
0x26f: {  	v56 =	vmul.f32 v13, v0;
	v59 =	vor.u32 $0x13, v8;
	[tilespmem:v48+s1+$0x0] =	vst.idx.msk $0xffff, v47;
	v24 =	vmul.f32 v24, v20  }
0x270: {  	v0 =	vmul.f32 v14, v0;
	v61 =	vor.u32 $0x14, v8;
	v62 =	vmul.f32 v58, v55;
	[tilespmem:v50+s1+$0x0] =	vst.idx.msk $0xffff, v49  }
0x271: {  	v63 =	vor.u32 $0x15, v8;
	v33 =	vmul.f32 $2.133333440e+00, v55;
	[tilespmem:v52+s1+$0x0] =	vst.idx.msk $0xffff, v51;
	v32 =	vadd.f32 $4.166666790e-02, v24  }
0x272: {  	v35 =	vor.u32 $0x16, v8;
	v34 =	vmul.f32 v16, v18;
	v29 =	vmul.f32 $1.442695020e+00, v62;
	[tilespmem:v54+s1+$0x0] =	vst.idx.msk $0xffff, v53  }
0x273: {  	v37 =	vmul.f32 $1.442695020e+00, v33;
	v36 =	vor.u32 $0x17, v8;
	[tilespmem:v57+s1+$0x0] =	vst.idx.msk $0xffff, v56;
	v22 =	vmul.f32 v32, v20  }
0x274: {  	v39 =	vor.u32 $0x18, v8;
	v38 =	vmul.f32 v13, v18;
	(erf) = vpow2.f32 v29;
	[tilespmem:v59+s1+$0x0] =	vst.idx.msk $0xffff, v0  }
0x275: {  	v40 =	vor.u32 $0x19, v8;
	(erf) = vpow2.f32 v37;
	[tilespmem:v61+s1+$0x0] =	vst.idx.msk $0xffff, v60;
	v22 =	vadd.f32 $-5.000000000e-01, v22  }
0x276: {  	v5 =	vshll.u32 v25, $0x7;
	v41 =	vmul.f32 v14, v18;
	v42 =	vor.u32 $0x1A, v8;
	[tilespmem:v63+s1+$0x0] =	vst.idx.msk $0xffff, v34  }
0x277: {  	v43 =	vmul.f32 v15, v19;
	v44 =	vor.u32 $0x1B, v8;
	[tilespmem:v35+s1+$0x0] =	vst.idx.msk $0xffff, v38;
	v20 =	vmul.f32 v22, v20  }
0x278: {  	v55 =	vmul.f32 v14, v6;
	v45 =	vmul.f32 v16, v19;
	v47 =	vor.u32 $0x1C, v8;
	[tilespmem:v36+s1+$0x0] =	vst.idx.msk $0xffff, v41  }
0x279: {  	v46 =	vmul.f32 v13, v19;
	v49 =	vor.u32 $0x1D, v8;
	[tilespmem:v39+s1+$0x0] =	vst.idx.msk $0xffff, v43;
	v20 =	vadd.f32 $1.000000000e+00, v20  }
0x27a: {  	v48 =	vmul.f32 v14, v19;
	v50 =	vmul.f32 v15, v6;
	v52 =	vor.u32 $0x1E, v8;
	[tilespmem:v40+s1+$0x0] =	vst.idx.msk $0xffff, v45  }
0x27b: {  	v31 =	vld [tilespmem:$0x1FFF0];
	v51 =	vmul.f32 v16, v6;
	v54 =	vor.u32 $0x1F, v8;
	[tilespmem:v42+s1+$0x0] =	vst.idx.msk $0xffff, v46;
	v20 =	vmul.f32 v20, v20  }
0x27c: {  	v58 =	vor.u32 $0x20, v8;
	v16 =	vmul.f32 v16, v11;
	v53 =	vmul.f32 v13, v6;
	[tilespmem:v44+s1+$0x0] =	vst.idx.msk $0xffff, v48  }
0x27d: {  	v13 =	vmul.f32 v13, v11;
	v60 =	vor.u32 $0x21, v8;
	v57 =	vpop (erf);
	[tilespmem:v47+s1+$0x0] =	vst.idx.msk $0xffff, v50;
	v59 =	vnsel vm15, $0x0, v20  }
0x27e: {  	v56 =	vmul.f32 v15, v11;
	v61 =	vor.u32 $0x22, v8;
	v62 =	vpop (erf);
	[tilespmem:v49+s1+$0x0] =	vst.idx.msk $0xffff, v51;
	v4 =	vmul.f32 v59, v57  }
0x27f: {  	v11 =	vmul.f32 v14, v11;
	v63 =	vor.u32 $0x23, v8;
	v24 =	vmul.f32 v62, v62;
	[tilespmem:v52+s1+$0x0] =	vst.idx.msk $0xffff, v53  }
0x280: {  	v8 =	vor.u32 v31, v5;
	v31 =	vmul.f32 $4.886025190e-01, v7;
	[tilespmem:v54+s1+$0x0] =	vst.idx.msk $0xffff, v55;
	v26 =	vmul.f32 $1.690133210e-01, v4  }
0x281: {  	v28 =	vor.u32 $0x1, v8;
	v10 =	vmul.f32 v24, v62;
	[tilespmem:v58+s1+$0x0] =	vst.idx.msk $0xffff, v56;
	v27 =	vmul.f32 $8.159878190e-04, v4  }
0x282: {  	v30 =	vor.u32 $0x2, v8;
	[tilespmem:v60+s1+$0x0] =	vst.idx.msk $0xffff, v16;
	v29 =	vmul.f32 $1.125351760e-07, v4;
	v6 =	vmul.f32 v26, v62  }
0x283: {  	v33 =	vor.u32 $0x3, v8;
	[tilespmem:v61+s1+$0x0] =	vst.idx.msk $0xffff, v13;
	v32 =	vmul.f32 $2.820948060e-01, v4;
	v5 =	vmul.f32 v27, v24  }
0x284: {  	v35 =	vor.u32 $0x4, v8;
	[tilespmem:v63+s1+$0x0] =	vst.idx.msk $0xffff, v11;
	v10 =	vmul.f32 v29, v10;
	v34 =	vmul.f32 $2.820948060e-01, v6  }
0x285: {  	v37 =	vor.u32 $0x5, v8;
	v13 =	vmul.f32 v12, v31;
	[tilespmem:v8+s1+$0x0] =	vst.idx.msk $0xffff, v32;
	v36 =	vmul.f32 $2.820948060e-01, v5  }
0x286: {  	v39 =	vor.u32 $0x6, v8;
	v40 =	vmul.f32 $4.886025190e-01, v3;
	v38 =	vmul.f32 $2.820948060e-01, v10;
	[tilespmem:v28+s1+$0x0] =	vst.idx.msk $0xffff, v34  }
0x287: {  	v42 =	vor.u32 $0x7, v8;
	v41 =	vmul.f32 v4, v13;
	[tilespmem:v30+s1+$0x0] =	vst.idx.msk $0xffff, v36  }
0x288: {  	v44 =	vor.u32 $0x8, v8;
	v19 =	vmul.f32 v12, v40;
	v43 =	vmul.f32 v6, v13;
	[tilespmem:v33+s1+$0x0] =	vst.idx.msk $0xffff, v38  }
0x289: {  	v46 =	vor.u32 $0x9, v8;
	v47 =	vmul.f32 $1.092548490e+00, v9;
	v45 =	vmul.f32 v5, v13;
	[tilespmem:v35+s1+$0x0] =	vst.idx.msk $0xffff, v41  }
0x28a: {  	v9 =	vmul.f32 $4.886025190e-01, v9;
	v49 =	vor.u32 $0xA, v8;
	v48 =	vmul.f32 v10, v13;
	[tilespmem:v37+s1+$0x0] =	vst.idx.msk $0xffff, v43  }
0x28b: {  	v51 =	vor.u32 $0xB, v8;
	v52 =	vmul.f32 v7, v47;
	v50 =	vmul.f32 v4, v19;
	[tilespmem:v39+s1+$0x0] =	vst.idx.msk $0xffff, v45  }
0x28c: {  	v9 =	vmul.f32 v12, v9;
	v54 =	vor.u32 $0xC, v8;
	v53 =	vmul.f32 v6, v19;
	[tilespmem:v42+s1+$0x0] =	vst.idx.msk $0xffff, v48  }
0x28d: {  	v7 =	vmul.f32 $1.092548490e+00, v7;
	v56 =	vor.u32 $0xD, v8;
	v55 =	vmul.f32 v5, v19;
	[tilespmem:v44+s1+$0x0] =	vst.idx.msk $0xffff, v50  }
0x28e: {  	v58 =	vor.u32 $0xE, v8;
	v20 =	vmul.f32 v12, v12;
	v57 =	vmul.f32 v10, v19;
	[tilespmem:v46+s1+$0x0] =	vst.idx.msk $0xffff, v53  }
0x28f: {  	v59 =	vadd.f32 v3, v3;
	v61 =	vor.u32 $0xF, v8;
	v60 =	vmul.f32 v4, v9;
	[tilespmem:v49+s1+$0x0] =	vst.idx.msk $0xffff, v55  }
0x290: {  	v17 =	vmul.f32 v20, v52;
	v63 =	vor.u32 $0x10, v8;
	v62 =	vmul.f32 v6, v9;
	[tilespmem:v51+s1+$0x0] =	vst.idx.msk $0xffff, v57  }
0x291: {  	v23 =	vor.u32 $0x11, v8;
	v18 =	vmul.f32 v59, v3;
	v22 =	vmul.f32 v5, v9;
	[tilespmem:v54+s1+$0x0] =	vst.idx.msk $0xffff, v60  }
0x292: {  	v24 =	vmul.f32 v3, v7;
	v26 =	vor.u32 $0x12, v8;
	v25 =	vmul.f32 v10, v9;
	[tilespmem:v56+s1+$0x0] =	vst.idx.msk $0xffff, v62  }
0x293: {  	v27 =	vsub.f32 v18, v1;
	v29 =	vor.u32 $0x13, v8;
	v28 =	vmul.f32 v4, v17;
	[tilespmem:v58+s1+$0x0] =	vst.idx.msk $0xffff, v22  }
0x294: {  	v31 =	vor.u32 $0x14, v8;
	v0 =	vmul.f32 v20, v24;
	v30 =	vmul.f32 v6, v17;
	[tilespmem:v61+s1+$0x0] =	vst.idx.msk $0xffff, v25  }
0x295: {  	v12 =	vsub.f32 v27, v2;
	v32 =	vmul.f32 v5, v17;
	v33 =	vor.u32 $0x15, v8;
	[tilespmem:v63+s1+$0x0] =	vst.idx.msk $0xffff, v28  }
0x296: {  	v34 =	vmul.f32 v10, v17;
	v35 =	vor.u32 $0x16, v8;
	[tilespmem:v23+s1+$0x0] =	vst.idx.msk $0xffff, v30  }
0x297: {  	v12 =	vmul.f32 $3.153915700e-01, v12;
	v36 =	vmul.f32 v4, v0;
	v37 =	vor.u32 $0x17, v8;
	[tilespmem:v26+s1+$0x0] =	vst.idx.msk $0xffff, v32  }
0x298: {  	v38 =	vmul.f32 v6, v0;
	v39 =	vor.u32 $0x18, v8;
	[tilespmem:v29+s1+$0x0] =	vst.idx.msk $0xffff, v34  }
0x299: {  	v40 =	vmul.f32 v5, v0;
	v12 =	vmul.f32 v20, v12;
	v41 =	vor.u32 $0x19, v8;
	[tilespmem:v31+s1+$0x0] =	vst.idx.msk $0xffff, v36  }
0x29a: {  	v0 =	vmul.f32 v10, v0;
	v42 =	vor.u32 $0x1A, v8;
	[tilespmem:v33+s1+$0x0] =	vst.idx.msk $0xffff, v38  }
0x29b: {  	v3 =	vmul.f32 v3, v47;
	v43 =	vmul.f32 v4, v12;
	v44 =	vor.u32 $0x1B, v8;
	[tilespmem:v35+s1+$0x0] =	vst.idx.msk $0xffff, v40  }
0x29c: {  	v1 =	vsub.f32 v1, v2;
	v45 =	vmul.f32 v6, v12;
	v46 =	vor.u32 $0x1C, v8;
	[tilespmem:v37+s1+$0x0] =	vst.idx.msk $0xffff, v0  }
0x29d: {  	v3 =	vmul.f32 v20, v3;
	v47 =	vmul.f32 v5, v12;
	v48 =	vor.u32 $0x1D, v8;
	[tilespmem:v39+s1+$0x0] =	vst.idx.msk $0xffff, v43  }
0x29e: {  	v50 =	vor.u32 $0x1E, v8;
	v49 =	vmul.f32 v10, v12;
	[tilespmem:v41+s1+$0x0] =	vst.idx.msk $0xffff, v45  }
0x29f: {  	v52 =	vor.u32 $0x1F, v8;
	v1 =	vmul.f32 $5.462742450e-01, v1;
	v51 =	vmul.f32 v4, v3;
	[tilespmem:v42+s1+$0x0] =	vst.idx.msk $0xffff, v47  }
0x2a0: {  	v53 =	vmul.f32 v6, v3;
	v54 =	vor.u32 $0x20, v8;
	[tilespmem:v44+s1+$0x0] =	vst.idx.msk $0xffff, v49  }
0x2a1: {  	v1 =	vmul.f32 v20, v1;
	v55 =	vmul.f32 v5, v3;
	v56 =	vor.u32 $0x21, v8;
	[tilespmem:v46+s1+$0x0] =	vst.idx.msk $0xffff, v51  }
0x2a2: {  	s15 =	sadd.s32 $0x4, s15;
	v57 =	vmul.f32 v10, v3;
	v58 =	vor.u32 $0x22, v8;
	[tilespmem:v48+s1+$0x0] =	vst.idx.msk $0xffff, v53  }
0x2a3: {  	p1 =	slt.u32 s15, $0xC;
	v59 =	vmul.f32 v4, v1;
	v60 =	vor.u32 $0x23, v8;
	[tilespmem:v50+s1+$0x0] =	vst.idx.msk $0xffff, v55  }
.Ltmp6:
0x2a4: {  	v61 =	vmul.f32 v6, v1;
	[tilespmem:v52+s1+$0x0] =	vst.idx.msk $0xffff, v57;
	(pc) =	sbr.rel @p1 .LBB2_6-.Ltmp6, $4  }
0x2a5: {  	v62 =	vmul.f32 v5, v1;
	[tilespmem:v54+s1+$0x0] =	vst.idx.msk $0xffff, v59  }
0x2a6: {  	v63 =	vmul.f32 v10, v1;
	[tilespmem:v56+s1+$0x0] =	vst.idx.msk $0xffff, v61  }
0x2a7: {  	[tilespmem:v58+s1+$0x0] =	vst.idx.msk $0xffff, v62  }
0x2a8: {  	s19 =	sadd.s32 $0x100, s19;
	s21 =	sadd.s32 $0x40, s21;
	[tilespmem:v60+s1+$0x0] =	vst.idx.msk $0xffff, v63  }
.Ltmp7:
0x2a9: {  	(pc) =	sbr.rel .LBB2_8-.Ltmp7, $4  }
0x2aa: {  	_ = 	snop  }
0x2ab: {  	s7 =	sor.u32 s20, s16  }
0x2ac: {  	s7 =	sadd.s32 s10, s7  }
0x2ad: {  	[hbm4b:s7+s6] =	stream.linear.scatter [tilespmem:s1], [sflag:$0x6], $0x8000, $0x38;
	[tilespmem:$0x134A8] =	vst v63  }
.LBB2_10:
0x2ae: {  	_ =	sfence.sel $0x180000  }
0x2af: {  	[bflag:$0x0] =	sbarrier.arrive $0xFFFF  }
0x2b0: {  	_ =	strace $0x90000047  }
0x2b1: {  	[bflag:$0x2] =	sbarrier.arrive $0xFFFF  }
0x2b2: {  	s0 =	rddreg [dreg:$0x5]  }
0x2b3: {  	s0 =	sadd.s32 @!p0 $0x100000, s0  }
0x2b4: {  	[sflag:s0] =	ssyncadd.tile.s32 @!p0 $0x1;
	_ =	shalt  }
.Lfunc_end2:
_tile_overlayer_lowered:
.L_overlay_start_2:
0x2b5: {  	(tag) =	ssettag $0x2  }
0x2b6: {  	s0 =	rddreg [dreg:$0x0];
	s2 =	stileid.u32  }
0x2b7: {  	s1 =	rddreg [dreg:$0x1];
	p0 =	sne.s32 s2, $0x0  }
0x2b8: {  	s3 =	rddreg [dreg:$0x2];
	[bflag:$0x3] =	sbarrier.arrive $0xFFFF;
	s2 =	simm.s32 @!p0 $0x1C08  }
0x2b9: {  	[timem:s3], [sflag:s2] =	dma.local @!p0 [hbm:s0], s1  }
0x2ba: {  	s0 =	simm.s32 @!p0 $0x8  }
0x2bb: {  	_ =	swait.ge @!p0 [sflag:s0], s1  }
0x2bc: {  	s1 =	ssub.s32 @!p0 $0x0, s1;
	[sflag:s0] =	ssyncset.done @!p0 $0x0  }
0x2bd: {  	[sflag:s0] =	ssyncadd.s32 @!p0 s1  }
0x2be: {  	[bflag:$0x3] =	sbarrier.arrive $0xFFFF  }
0x2bf: {  	_ =	shalt  }

</sc_bundles>
